<compile_context>
chip_gen: v7x
topology: tpu7x:2x2x1
jax: 0.10.2.dev20260603
libtpu: 0.0.44.dev20260713+nightly
codegen_flags: <defaults>
</compile_context>

<pallas_src>
import functools

import jax
import jax.numpy as jnp
from jax import lax
from jax.experimental import pallas as pl
from jax.experimental.pallas import tpu as pltpu
from jax.experimental.pallas import tpu_sc as plsc

_VOCAB = 1_000_000
_D = 32
_L = 24
_B = 16384
_C = 20

_NC = 2
_NS = 16
_NW = _NC * _NS
_BW = _B // _NW
_SUB = 32
_NSUB = _BW // _SUB
_CHUNK = 128
_FILL = 40.0
_IDMASK = (1 << 20) - 1
_LENCOL = 24


def _sc_body(ctxi_hbm, tgt_hbm, inemb_hbm, nodemb_hbm, paths_hbm, cbits_hbm,
             lens_hbm, out_hbm, tgt_v, paths_v, cb_v, lens_v, flat_idx,
             ctx_idx, mean_v, ctx_rows, node_rows, scores_v, sem):
  wid = lax.axis_index("s") * _NC + lax.axis_index("c")
  base = wid * _BW
  iota = lax.iota(jnp.int32, 16)
  zeros = jnp.zeros((16,), jnp.float32)

  pltpu.sync_copy(tgt_hbm.at[pl.ds(wid * (_BW // _CHUNK), _BW // _CHUNK)],
                  tgt_v)
  pltpu.sync_copy(
      ctxi_hbm.at[pl.ds(wid * (_BW * _C // _CHUNK), _BW * _C // _CHUNK)],
      ctx_idx)

  descs = []
  for j in range(_BW // _CHUNK):
    idx = tgt_v.at[j]
    descs.append(pltpu.async_copy(
        paths_hbm.at[idx], paths_v.at[pl.ds(j * _CHUNK, _CHUNK)], sem))
    descs.append(pltpu.async_copy(cbits_hbm.at[idx], cb_v.at[j], sem))
    descs.append(pltpu.async_copy(lens_hbm.at[idx], lens_v.at[j], sem))
  for d in descs:
    d.wait()

  def flat_body(r8, carry):
    for j in range(8):
      f = r8 * _CHUNK + j * 16 + iota
      v = plsc.load_gather(paths_v, [f // _L, f % _L])
      flat_idx[r8, pl.ds(j * 16, 16)] = v
    return carry

  lax.fori_loop(0, _BW * _L // _CHUNK, flat_body, 0)

  inv_c = jnp.float32(1.0 / _C)

  def ctx_chunk(sc, carry):
    cdescs = []
    for j in range(_SUB * _C // _CHUNK):
      r0 = sc * (_SUB * _C // _CHUNK) + j
      cdescs.append(pltpu.async_copy(
          inemb_hbm.at[ctx_idx.at[r0]],
          ctx_rows.at[pl.ds(j * _CHUNK, _CHUNK)], sem))
    for d in cdescs:
      d.wait()

    def sample_body(s, c2):
      rbase = s * _C
      acc0 = zeros
      acc1 = zeros
      for c in range(_C):
        acc0 = acc0 + ctx_rows[rbase + c, pl.ds(0, 16)]
        acc1 = acc1 + ctx_rows[rbase + c, pl.ds(16, 16)]
      g = sc * _SUB + s
      mean_v[g, pl.ds(0, 16)] = acc0 * inv_c
      mean_v[g, pl.ds(16, 16)] = acc1 * inv_c
      return c2

    lax.fori_loop(0, _SUB, sample_body, 0)
    return carry

  lax.fori_loop(0, _NSUB, ctx_chunk, 0)

  def node_chunk(sc, carry):
    ndescs = []
    for j in range(_SUB * _L // _CHUNK):
      r0 = sc * (_SUB * _L // _CHUNK) + j
      ndescs.append(pltpu.async_copy(
          nodemb_hbm.at[flat_idx.at[r0]],
          node_rows.at[pl.ds(j * _CHUNK, _CHUNK)], sem))
    for d in ndescs:
      d.wait()

    for blk in range(_SUB // 16):
      s0 = sc * _SUB + blk * 16
      lanes = s0 + iota
      lens_t = plsc.load_gather(lens_v, [lanes // _CHUNK, lanes % _CHUNK])
      cb_t = plsc.load_gather(cb_v, [lanes // _CHUNK, lanes % _CHUNK])
      mean_t = [
          plsc.load_gather(mean_v, [lanes, jnp.full((16,), d_, jnp.int32)])
          for d_ in range(_D)
      ]
      row0 = (blk * 16 + iota) * _L

      def l_body(l, c2, row0=row0, lanes=lanes, lens_t=lens_t, cb_t=cb_t,
                 mean_t=mean_t):
        lv = jnp.full((16,), l, jnp.int32)
        acc = zeros
        for d_ in range(_D):
          nv = plsc.load_gather(node_rows,
                                [row0 + l, jnp.full((16,), d_, jnp.int32)])
          acc = acc + mean_t[d_] * nv
        code = lax.shift_right_logical(cb_t, l) & 1
        sign = code.astype(jnp.float32) * 2.0 - 1.0
        val = jnp.where(lv < lens_t, sign * acc, _FILL)
        plsc.store_scatter(scores_v, [lanes, lv], val)
        return c2

      lax.fori_loop(0, _L, l_body, 0)
    return carry

  lax.fori_loop(0, _NSUB, node_chunk, 0)

  pltpu.sync_copy(scores_v, out_hbm.at[pl.ds(base, _BW)])


_sc_scores = functools.partial(
    pl.kernel,
    out_type=jax.ShapeDtypeStruct((_B, _L), jnp.float32),
    mesh=plsc.VectorSubcoreMesh(core_axis_name="c", subcore_axis_name="s"),
    compiler_params=pltpu.CompilerParams(use_tc_tiling_on_sc=False,
                                         needs_layout_passes=False),
    scratch_types=[
        pltpu.VMEM((_BW // _CHUNK, _CHUNK), jnp.int32),
        pltpu.VMEM((_BW, _L), jnp.int32),
        pltpu.VMEM((_BW // _CHUNK, _CHUNK), jnp.int32),
        pltpu.VMEM((_BW // _CHUNK, _CHUNK), jnp.int32),
        pltpu.VMEM((_BW * _L // _CHUNK, _CHUNK), jnp.int32),
        pltpu.VMEM((_BW * _C // _CHUNK, _CHUNK), jnp.int32),
        pltpu.VMEM((_BW, _D), jnp.float32),
        pltpu.VMEM((_SUB * _C, _D), jnp.float32),
        pltpu.VMEM((_SUB * _L, _D), jnp.float32),
        pltpu.VMEM((_BW, _L), jnp.float32),
        pltpu.SemaphoreType.DMA,
    ],
)(_sc_body)


def _loss_body(x_ref, o_ref):
  x = x_ref[...]
  loss = jnp.log(1.0 + jnp.exp(-jnp.abs(x))) - jnp.minimum(x, 0.0)
  o_ref[0, 0] = jnp.sum(loss) * jnp.float32(1.0 / _B)


_loss = pl.pallas_call(
    _loss_body,
    out_shape=jax.ShapeDtypeStruct((1, 1), jnp.float32),
    out_specs=pl.BlockSpec(memory_space=pltpu.SMEM),
)


@jax.jit
def _impl(context_words, target_words, input_emb, internal_emb, paths, codes,
          path_lens):
  ctx_flat = context_words.astype(jnp.int32).reshape(_B * _C // _CHUNK, _CHUNK)
  tgt = target_words.astype(jnp.int32).reshape(_B // _CHUNK, _CHUNK)
  cbits = jnp.sum(codes.astype(jnp.int32) << jnp.arange(_L, dtype=jnp.int32)[None, :],
                  axis=1)
  scores = _sc_scores(ctx_flat, tgt, input_emb, internal_emb,
                      paths.astype(jnp.int32), cbits,
                      path_lens.astype(jnp.int32))
  loss = _loss(scores.reshape(_B * _L // _CHUNK, _CHUNK))
  return loss[0, 0]


def kernel(context_words, target_words, input_emb, internal_emb, paths, codes,
           path_lens):
  return _impl(context_words, target_words, input_emb, internal_emb, paths,
               codes, path_lens)

# --- scband reference (transcript-rebuilt; emitter-appended) ---
"""Pipeline reference for scband-cbowhierarchical-softmax-90254442758231 (READ-ONLY COPY).

The authoritative reference and input builder live on the scoring server;
editing this copy changes nothing except your own understanding.
"""

import jax, jax.numpy as jnp
import numpy as np

VOCAB = 1000000
D = 32
L = 24  # max Huffman code length
B = 16384
C = 20


def setup_inputs(seed: int = 0) -> dict:
    key = jax.random.key(seed)
    ks = jax.random.split(key, 7)
    context_words = jax.random.randint(ks[0], (B, C), 0, VOCAB)
    target_words = jax.random.randint(ks[1], (B,), 0, VOCAB)
    # learned parameters (per init_kwargs: vocab_size=1e6, embedding_dim=32)
    input_emb = jax.random.uniform(ks[2], (VOCAB, D), dtype=jnp.float32, minval=-0.5 / D, maxval=0.5 / D)
    internal_emb = jax.random.normal(ks[3], (VOCAB - 1, D), dtype=jnp.float32) * 0.01
    # synthetic Huffman tree structure: per-word path of internal nodes, binary code, path length
    paths = jax.random.randint(ks[4], (VOCAB, L), 0, VOCAB - 1)
    codes = jax.random.randint(ks[5], (VOCAB, L), 0, 2)
    path_lens = jax.random.randint(ks[6], (VOCAB,), 1, L + 1)
    return {
        "context_words": context_words,
        "target_words": target_words,
        "input_emb": input_emb,
        "internal_emb": internal_emb,
        "paths": paths,
        "codes": codes,
        "path_lens": path_lens,
    }


def reference(context_words, target_words, input_emb, internal_emb, paths, codes, path_lens):
    # CBOW: average of context word embeddings
    ctx = jnp.take(input_emb, context_words, axis=0)  # [B, C, D]
    context_vector = jnp.mean(ctx, axis=1)            # [B, D]
    # hierarchical softmax along each target word's Huffman path
    p = jnp.take(paths, target_words, axis=0)                      # [B, L] internal node ids
    c = jnp.take(codes, target_words, axis=0).astype(jnp.float32)  # [B, L] target bits
    lens = jnp.take(path_lens, target_words, axis=0)               # [B]
    mask = (jnp.arange(L)[None, :] < lens[:, None]).astype(jnp.float32)  # [B, L]
    node_emb = jnp.take(internal_emb, p, axis=0)                   # [B, L, D]
    score = jnp.einsum("bd,bld->bl", context_vector, node_emb)     # [B, L]
    # bit==1 -> -logsigmoid(score); bit==0 -> -logsigmoid(-score)
    sign = 2.0 * c - 1.0
    loss = -jax.nn.log_sigmoid(sign * score) * mask
    total_loss = jnp.sum(loss) / B
    return total_loss

if __name__ == "__main__":
    import jax
    _d = setup_inputs()
    print(jax.jit(kernel)(*tuple(_d.values())))

</pallas_src>

<mosaic_0001>
#map = affine_map<(d0, d1) -> (0, 0)>
#map1 = affine_map<(d0, d1) -> (0)>
module attributes {stable_mosaic.version = 14 : i64} {
  func.func @_sc_body(%arg0: i32, %arg1: i32, %arg2: memref<2560x128xi32, #tpu.memory_space<hbm>>, %arg3: memref<128x128xi32, #tpu.memory_space<hbm>>, %arg4: memref<1000000x32xf32, #tpu.memory_space<hbm>>, %arg5: memref<999999x32xf32, #tpu.memory_space<hbm>>, %arg6: memref<1000000x24xi32, #tpu.memory_space<hbm>>, %arg7: memref<1000000xi32, #tpu.memory_space<hbm>>, %arg8: memref<1000000xi32, #tpu.memory_space<hbm>>, %arg9: memref<16384x24xf32, #tpu.memory_space<hbm>>, %arg10: memref<4x128xi32, #tpu.memory_space<vmem>>, %arg11: memref<512x24xi32, #tpu.memory_space<vmem>>, %arg12: memref<4x128xi32, #tpu.memory_space<vmem>>, %arg13: memref<4x128xi32, #tpu.memory_space<vmem>>, %arg14: memref<96x128xi32, #tpu.memory_space<vmem>>, %arg15: memref<80x128xi32, #tpu.memory_space<vmem>>, %arg16: memref<512x32xf32, #tpu.memory_space<vmem>>, %arg17: memref<640x32xf32, #tpu.memory_space<vmem>>, %arg18: memref<768x32xf32, #tpu.memory_space<vmem>>, %arg19: memref<512x24xf32, #tpu.memory_space<vmem>>, %arg20: memref<!tpu.dma_semaphore, #tpu.memory_space<semaphore_mem>>) attributes {dimension_semantics = [#tpu.dimension_semantics<core_parallel>, #tpu.dimension_semantics<subcore_parallel>], iteration_bounds = array<i64: 2, 16>, scalar_prefetch = 0 : i64, scratch_operands = 11 : i64, tpu.core_type = #tpu.core_type<sc_vector_subcore>, window_params = [{transform_indices = #map}, {transform_indices = #map}, {transform_indices = #map}, {transform_indices = #map}, {transform_indices = #map}, {transform_indices = #map1}, {transform_indices = #map1}, {transform_indices = #map}]} {
    %mul3A = arith.constant 2 : i32
    %mul3A_0 = arith.muli %arg1, %mul3A : i32
    %add3A = arith.addi %mul3A_0, %arg0 : i32
    %mul3A_1 = arith.constant 512 : i32
    %mul3A_2 = arith.muli %add3A, %mul3A_1 : i32
    %iota3A = tpu.iota {dimensions = array<i32: 0>} : vector<16xi32>
    %broadcast_in_dim3A = arith.constant 0.000000e+00 : f32
    %broadcast_in_dim3A_3 = vector.broadcast %broadcast_in_dim3A : f32 to vector<16xf32>
    %mul3A_4 = arith.constant 4 : i32
    %mul3A_5 = arith.muli %add3A, %mul3A_4 : i32
    "tpu.region"() ({
      %run_scoped3A = tpu.sem_alloc : memref<!tpu.dma_semaphore, #tpu.memory_space<semaphore_mem>>
      %dma_start3A_264 = arith.constant 0 : i32
      %dma_start3A_265 = tpu.memref_slice %arg3[%mul3A_5, %dma_start3A_264] : memref<128x128xi32, #tpu.memory_space<hbm>> -> memref<4x128xi32, #tpu.memory_space<hbm>>
      %dma_start3A_266 = arith.constant 0 : i32
      %dma_start3A_267 = tpu.memref_slice %arg3[%mul3A_5, %dma_start3A_266] : memref<128x128xi32, #tpu.memory_space<hbm>> -> memref<4x128xi32, #tpu.memory_space<hbm>>
      tpu.enqueue_dma source(%dma_start3A_267 : memref<4x128xi32, #tpu.memory_space<hbm>>) target(%arg10 : memref<4x128xi32, #tpu.memory_space<vmem>>) target_semaphore(%run_scoped3A : memref<!tpu.dma_semaphore, #tpu.memory_space<semaphore_mem>>)
      %dma_wait3A_268 = arith.constant 0 : i32
      %dma_wait3A_269 = tpu.memref_slice %arg3[%mul3A_5, %dma_wait3A_268] : memref<128x128xi32, #tpu.memory_space<hbm>> -> memref<4x128xi32, #tpu.memory_space<hbm>>
      %dma_wait3A_270 = arith.constant 0 : i32
      %dma_wait3A_271 = tpu.memref_slice %arg3[%mul3A_5, %dma_wait3A_270] : memref<128x128xi32, #tpu.memory_space<hbm>> -> memref<4x128xi32, #tpu.memory_space<hbm>>
      tpu.wait_dma2 semaphore(%run_scoped3A : memref<!tpu.dma_semaphore, #tpu.memory_space<semaphore_mem>>) src(%dma_wait3A_271 : memref<4x128xi32, #tpu.memory_space<hbm>>) dst(%arg10 : memref<4x128xi32, #tpu.memory_space<vmem>>)
      tpu.yield
    }) : () -> ()
    %mul3A_6 = arith.constant 80 : i32
    %mul3A_7 = arith.muli %add3A, %mul3A_6 : i32
    "tpu.region"() ({
      %run_scoped3A = tpu.sem_alloc : memref<!tpu.dma_semaphore, #tpu.memory_space<semaphore_mem>>
      %dma_start3A_264 = arith.constant 0 : i32
      %dma_start3A_265 = tpu.memref_slice %arg2[%mul3A_7, %dma_start3A_264] : memref<2560x128xi32, #tpu.memory_space<hbm>> -> memref<80x128xi32, #tpu.memory_space<hbm>>
      %dma_start3A_266 = arith.constant 0 : i32
      %dma_start3A_267 = tpu.memref_slice %arg2[%mul3A_7, %dma_start3A_266] : memref<2560x128xi32, #tpu.memory_space<hbm>> -> memref<80x128xi32, #tpu.memory_space<hbm>>
      tpu.enqueue_dma source(%dma_start3A_267 : memref<80x128xi32, #tpu.memory_space<hbm>>) target(%arg15 : memref<80x128xi32, #tpu.memory_space<vmem>>) target_semaphore(%run_scoped3A : memref<!tpu.dma_semaphore, #tpu.memory_space<semaphore_mem>>)
      %dma_wait3A_268 = arith.constant 0 : i32
      %dma_wait3A_269 = tpu.memref_slice %arg2[%mul3A_7, %dma_wait3A_268] : memref<2560x128xi32, #tpu.memory_space<hbm>> -> memref<80x128xi32, #tpu.memory_space<hbm>>
      %dma_wait3A_270 = arith.constant 0 : i32
      %dma_wait3A_271 = tpu.memref_slice %arg2[%mul3A_7, %dma_wait3A_270] : memref<2560x128xi32, #tpu.memory_space<hbm>> -> memref<80x128xi32, #tpu.memory_space<hbm>>
      tpu.wait_dma2 semaphore(%run_scoped3A : memref<!tpu.dma_semaphore, #tpu.memory_space<semaphore_mem>>) src(%dma_wait3A_271 : memref<80x128xi32, #tpu.memory_space<hbm>>) dst(%arg15 : memref<80x128xi32, #tpu.memory_space<vmem>>)
      tpu.yield
    }) : () -> ()
    %dma_start3A = arith.constant 0 : i32
    %dma_start3A_8 = arith.constant 0 : i32
    %dma_start3A_9 = arith.constant 0 : i32
    %dma_start3A_10 = tpu.memref_slice %arg11[%dma_start3A_8, %dma_start3A_9] : memref<512x24xi32, #tpu.memory_space<vmem>> -> memref<128x24xi32, #tpu.memory_space<vmem>>
    %dma_start3A_11 = arith.constant 0 : i32
    %dma_start3A_12 = tpu.memref_slice %arg10[%dma_start3A, %dma_start3A_11] : memref<4x128xi32, #tpu.memory_space<vmem>> -> memref<1x128xi32, #tpu.memory_space<vmem>>
    %dma_start3A_13 = tpu.memref_squeeze %dma_start3A_12 : memref<1x128xi32, #tpu.memory_space<vmem>> -> memref<128xi32, #tpu.memory_space<vmem>>
    %dma_start3A_14 = arith.constant 0 : i32
    %dma_start3A_15 = arith.constant 0 : i32
    %dma_start3A_16 = tpu.memref_slice %arg6[%dma_start3A_14, %dma_start3A_15] : memref<1000000x24xi32, #tpu.memory_space<hbm>> -> memref<1000000x24xi32, #tpu.memory_space<hbm>>
    tpu.enqueue_indirect_dma source(%dma_start3A_16 : memref<1000000x24xi32, #tpu.memory_space<hbm>>) target(%dma_start3A_10 : memref<128x24xi32, #tpu.memory_space<vmem>>) offsets(%dma_start3A_13 : memref<128xi32, #tpu.memory_space<vmem>>) semaphore(%arg20 : memref<!tpu.dma_semaphore, #tpu.memory_space<semaphore_mem>>)
    %dma_start3A_17 = arith.constant 0 : i32
    %dma_start3A_18 = arith.constant 0 : i32
    %dma_start3A_19 = arith.constant 0 : i32
    %dma_start3A_20 = tpu.memref_slice %arg12[%dma_start3A_18, %dma_start3A_19] : memref<4x128xi32, #tpu.memory_space<vmem>> -> memref<1x128xi32, #tpu.memory_space<vmem>>
    %dma_start3A_21 = tpu.memref_squeeze %dma_start3A_20 : memref<1x128xi32, #tpu.memory_space<vmem>> -> memref<128xi32, #tpu.memory_space<vmem>>
    %dma_start3A_22 = arith.constant 0 : i32
    %dma_start3A_23 = tpu.memref_slice %arg10[%dma_start3A_17, %dma_start3A_22] : memref<4x128xi32, #tpu.memory_space<vmem>> -> memref<1x128xi32, #tpu.memory_space<vmem>>
    %dma_start3A_24 = tpu.memref_squeeze %dma_start3A_23 : memref<1x128xi32, #tpu.memory_space<vmem>> -> memref<128xi32, #tpu.memory_space<vmem>>
    %dma_start3A_25 = arith.constant 0 : i32
    %dma_start3A_26 = tpu.memref_slice %arg7[%dma_start3A_25] : memref<1000000xi32, #tpu.memory_space<hbm>> -> memref<1000000xi32, #tpu.memory_space<hbm>>
    tpu.enqueue_indirect_dma source(%dma_start3A_26 : memref<1000000xi32, #tpu.memory_space<hbm>>) target(%dma_start3A_21 : memref<128xi32, #tpu.memory_space<vmem>>) offsets(%dma_start3A_24 : memref<128xi32, #tpu.memory_space<vmem>>) semaphore(%arg20 : memref<!tpu.dma_semaphore, #tpu.memory_space<semaphore_mem>>)
    %dma_start3A_27 = arith.constant 0 : i32
    %dma_start3A_28 = arith.constant 0 : i32
    %dma_start3A_29 = arith.constant 0 : i32
    %dma_start3A_30 = tpu.memref_slice %arg13[%dma_start3A_28, %dma_start3A_29] : memref<4x128xi32, #tpu.memory_space<vmem>> -> memref<1x128xi32, #tpu.memory_space<vmem>>
    %dma_start3A_31 = tpu.memref_squeeze %dma_start3A_30 : memref<1x128xi32, #tpu.memory_space<vmem>> -> memref<128xi32, #tpu.memory_space<vmem>>
    %dma_start3A_32 = arith.constant 0 : i32
    %dma_start3A_33 = tpu.memref_slice %arg10[%dma_start3A_27, %dma_start3A_32] : memref<4x128xi32, #tpu.memory_space<vmem>> -> memref<1x128xi32, #tpu.memory_space<vmem>>
    %dma_start3A_34 = tpu.memref_squeeze %dma_start3A_33 : memref<1x128xi32, #tpu.memory_space<vmem>> -> memref<128xi32, #tpu.memory_space<vmem>>
    %dma_start3A_35 = arith.constant 0 : i32
    %dma_start3A_36 = tpu.memref_slice %arg8[%dma_start3A_35] : memref<1000000xi32, #tpu.memory_space<hbm>> -> memref<1000000xi32, #tpu.memory_space<hbm>>
    tpu.enqueue_indirect_dma source(%dma_start3A_36 : memref<1000000xi32, #tpu.memory_space<hbm>>) target(%dma_start3A_31 : memref<128xi32, #tpu.memory_space<vmem>>) offsets(%dma_start3A_34 : memref<128xi32, #tpu.memory_space<vmem>>) semaphore(%arg20 : memref<!tpu.dma_semaphore, #tpu.memory_space<semaphore_mem>>)
    %dma_start3A_37 = arith.constant 1 : i32
    %dma_start3A_38 = arith.constant 128 : i32
    %dma_start3A_39 = arith.constant 0 : i32
    %dma_start3A_40 = tpu.memref_slice %arg11[%dma_start3A_38, %dma_start3A_39] : memref<512x24xi32, #tpu.memory_space<vmem>> -> memref<128x24xi32, #tpu.memory_space<vmem>>
    %dma_start3A_41 = arith.constant 0 : i32
    %dma_start3A_42 = tpu.memref_slice %arg10[%dma_start3A_37, %dma_start3A_41] : memref<4x128xi32, #tpu.memory_space<vmem>> -> memref<1x128xi32, #tpu.memory_space<vmem>>
    %dma_start3A_43 = tpu.memref_squeeze %dma_start3A_42 : memref<1x128xi32, #tpu.memory_space<vmem>> -> memref<128xi32, #tpu.memory_space<vmem>>
    %dma_start3A_44 = arith.constant 0 : i32
    %dma_start3A_45 = arith.constant 0 : i32
    %dma_start3A_46 = tpu.memref_slice %arg6[%dma_start3A_44, %dma_start3A_45] : memref<1000000x24xi32, #tpu.memory_space<hbm>> -> memref<1000000x24xi32, #tpu.memory_space<hbm>>
    tpu.enqueue_indirect_dma source(%dma_start3A_46 : memref<1000000x24xi32, #tpu.memory_space<hbm>>) target(%dma_start3A_40 : memref<128x24xi32, #tpu.memory_space<vmem>>) offsets(%dma_start3A_43 : memref<128xi32, #tpu.memory_space<vmem>>) semaphore(%arg20 : memref<!tpu.dma_semaphore, #tpu.memory_space<semaphore_mem>>)
    %dma_start3A_47 = arith.constant 1 : i32
    %dma_start3A_48 = arith.constant 1 : i32
    %dma_start3A_49 = arith.constant 0 : i32
    %dma_start3A_50 = tpu.memref_slice %arg12[%dma_start3A_48, %dma_start3A_49] : memref<4x128xi32, #tpu.memory_space<vmem>> -> memref<1x128xi32, #tpu.memory_space<vmem>>
    %dma_start3A_51 = tpu.memref_squeeze %dma_start3A_50 : memref<1x128xi32, #tpu.memory_space<vmem>> -> memref<128xi32, #tpu.memory_space<vmem>>
    %dma_start3A_52 = arith.constant 0 : i32
    %dma_start3A_53 = tpu.memref_slice %arg10[%dma_start3A_47, %dma_start3A_52] : memref<4x128xi32, #tpu.memory_space<vmem>> -> memref<1x128xi32, #tpu.memory_space<vmem>>
    %dma_start3A_54 = tpu.memref_squeeze %dma_start3A_53 : memref<1x128xi32, #tpu.memory_space<vmem>> -> memref<128xi32, #tpu.memory_space<vmem>>
    %dma_start3A_55 = arith.constant 0 : i32
    %dma_start3A_56 = tpu.memref_slice %arg7[%dma_start3A_55] : memref<1000000xi32, #tpu.memory_space<hbm>> -> memref<1000000xi32, #tpu.memory_space<hbm>>
    tpu.enqueue_indirect_dma source(%dma_start3A_56 : memref<1000000xi32, #tpu.memory_space<hbm>>) target(%dma_start3A_51 : memref<128xi32, #tpu.memory_space<vmem>>) offsets(%dma_start3A_54 : memref<128xi32, #tpu.memory_space<vmem>>) semaphore(%arg20 : memref<!tpu.dma_semaphore, #tpu.memory_space<semaphore_mem>>)
    %dma_start3A_57 = arith.constant 1 : i32
    %dma_start3A_58 = arith.constant 1 : i32
    %dma_start3A_59 = arith.constant 0 : i32
    %dma_start3A_60 = tpu.memref_slice %arg13[%dma_start3A_58, %dma_start3A_59] : memref<4x128xi32, #tpu.memory_space<vmem>> -> memref<1x128xi32, #tpu.memory_space<vmem>>
    %dma_start3A_61 = tpu.memref_squeeze %dma_start3A_60 : memref<1x128xi32, #tpu.memory_space<vmem>> -> memref<128xi32, #tpu.memory_space<vmem>>
    %dma_start3A_62 = arith.constant 0 : i32
    %dma_start3A_63 = tpu.memref_slice %arg10[%dma_start3A_57, %dma_start3A_62] : memref<4x128xi32, #tpu.memory_space<vmem>> -> memref<1x128xi32, #tpu.memory_space<vmem>>
    %dma_start3A_64 = tpu.memref_squeeze %dma_start3A_63 : memref<1x128xi32, #tpu.memory_space<vmem>> -> memref<128xi32, #tpu.memory_space<vmem>>
    %dma_start3A_65 = arith.constant 0 : i32
    %dma_start3A_66 = tpu.memref_slice %arg8[%dma_start3A_65] : memref<1000000xi32, #tpu.memory_space<hbm>> -> memref<1000000xi32, #tpu.memory_space<hbm>>
    tpu.enqueue_indirect_dma source(%dma_start3A_66 : memref<1000000xi32, #tpu.memory_space<hbm>>) target(%dma_start3A_61 : memref<128xi32, #tpu.memory_space<vmem>>) offsets(%dma_start3A_64 : memref<128xi32, #tpu.memory_space<vmem>>) semaphore(%arg20 : memref<!tpu.dma_semaphore, #tpu.memory_space<semaphore_mem>>)
    %dma_start3A_67 = arith.constant 2 : i32
    %dma_start3A_68 = arith.constant 256 : i32
    %dma_start3A_69 = arith.constant 0 : i32
    %dma_start3A_70 = tpu.memref_slice %arg11[%dma_start3A_68, %dma_start3A_69] : memref<512x24xi32, #tpu.memory_space<vmem>> -> memref<128x24xi32, #tpu.memory_space<vmem>>
    %dma_start3A_71 = arith.constant 0 : i32
    %dma_start3A_72 = tpu.memref_slice %arg10[%dma_start3A_67, %dma_start3A_71] : memref<4x128xi32, #tpu.memory_space<vmem>> -> memref<1x128xi32, #tpu.memory_space<vmem>>
    %dma_start3A_73 = tpu.memref_squeeze %dma_start3A_72 : memref<1x128xi32, #tpu.memory_space<vmem>> -> memref<128xi32, #tpu.memory_space<vmem>>
    %dma_start3A_74 = arith.constant 0 : i32
    %dma_start3A_75 = arith.constant 0 : i32
    %dma_start3A_76 = tpu.memref_slice %arg6[%dma_start3A_74, %dma_start3A_75] : memref<1000000x24xi32, #tpu.memory_space<hbm>> -> memref<1000000x24xi32, #tpu.memory_space<hbm>>
    tpu.enqueue_indirect_dma source(%dma_start3A_76 : memref<1000000x24xi32, #tpu.memory_space<hbm>>) target(%dma_start3A_70 : memref<128x24xi32, #tpu.memory_space<vmem>>) offsets(%dma_start3A_73 : memref<128xi32, #tpu.memory_space<vmem>>) semaphore(%arg20 : memref<!tpu.dma_semaphore, #tpu.memory_space<semaphore_mem>>)
    %dma_start3A_77 = arith.constant 2 : i32
    %dma_start3A_78 = arith.constant 2 : i32
    %dma_start3A_79 = arith.constant 0 : i32
    %dma_start3A_80 = tpu.memref_slice %arg12[%dma_start3A_78, %dma_start3A_79] : memref<4x128xi32, #tpu.memory_space<vmem>> -> memref<1x128xi32, #tpu.memory_space<vmem>>
    %dma_start3A_81 = tpu.memref_squeeze %dma_start3A_80 : memref<1x128xi32, #tpu.memory_space<vmem>> -> memref<128xi32, #tpu.memory_space<vmem>>
    %dma_start3A_82 = arith.constant 0 : i32
    %dma_start3A_83 = tpu.memref_slice %arg10[%dma_start3A_77, %dma_start3A_82] : memref<4x128xi32, #tpu.memory_space<vmem>> -> memref<1x128xi32, #tpu.memory_space<vmem>>
    %dma_start3A_84 = tpu.memref_squeeze %dma_start3A_83 : memref<1x128xi32, #tpu.memory_space<vmem>> -> memref<128xi32, #tpu.memory_space<vmem>>
    %dma_start3A_85 = arith.constant 0 : i32
    %dma_start3A_86 = tpu.memref_slice %arg7[%dma_start3A_85] : memref<1000000xi32, #tpu.memory_space<hbm>> -> memref<1000000xi32, #tpu.memory_space<hbm>>
    tpu.enqueue_indirect_dma source(%dma_start3A_86 : memref<1000000xi32, #tpu.memory_space<hbm>>) target(%dma_start3A_81 : memref<128xi32, #tpu.memory_space<vmem>>) offsets(%dma_start3A_84 : memref<128xi32, #tpu.memory_space<vmem>>) semaphore(%arg20 : memref<!tpu.dma_semaphore, #tpu.memory_space<semaphore_mem>>)
    %dma_start3A_87 = arith.constant 2 : i32
    %dma_start3A_88 = arith.constant 2 : i32
    %dma_start3A_89 = arith.constant 0 : i32
    %dma_start3A_90 = tpu.memref_slice %arg13[%dma_start3A_88, %dma_start3A_89] : memref<4x128xi32, #tpu.memory_space<vmem>> -> memref<1x128xi32, #tpu.memory_space<vmem>>
    %dma_start3A_91 = tpu.memref_squeeze %dma_start3A_90 : memref<1x128xi32, #tpu.memory_space<vmem>> -> memref<128xi32, #tpu.memory_space<vmem>>
    %dma_start3A_92 = arith.constant 0 : i32
    %dma_start3A_93 = tpu.memref_slice %arg10[%dma_start3A_87, %dma_start3A_92] : memref<4x128xi32, #tpu.memory_space<vmem>> -> memref<1x128xi32, #tpu.memory_space<vmem>>
    %dma_start3A_94 = tpu.memref_squeeze %dma_start3A_93 : memref<1x128xi32, #tpu.memory_space<vmem>> -> memref<128xi32, #tpu.memory_space<vmem>>
    %dma_start3A_95 = arith.constant 0 : i32
    %dma_start3A_96 = tpu.memref_slice %arg8[%dma_start3A_95] : memref<1000000xi32, #tpu.memory_space<hbm>> -> memref<1000000xi32, #tpu.memory_space<hbm>>
    tpu.enqueue_indirect_dma source(%dma_start3A_96 : memref<1000000xi32, #tpu.memory_space<hbm>>) target(%dma_start3A_91 : memref<128xi32, #tpu.memory_space<vmem>>) offsets(%dma_start3A_94 : memref<128xi32, #tpu.memory_space<vmem>>) semaphore(%arg20 : memref<!tpu.dma_semaphore, #tpu.memory_space<semaphore_mem>>)
    %dma_start3A_97 = arith.constant 3 : i32
    %dma_start3A_98 = arith.constant 384 : i32
    %dma_start3A_99 = arith.constant 0 : i32
    %dma_start3A_100 = tpu.memref_slice %arg11[%dma_start3A_98, %dma_start3A_99] : memref<512x24xi32, #tpu.memory_space<vmem>> -> memref<128x24xi32, #tpu.memory_space<vmem>>
    %dma_start3A_101 = arith.constant 0 : i32
    %dma_start3A_102 = tpu.memref_slice %arg10[%dma_start3A_97, %dma_start3A_101] : memref<4x128xi32, #tpu.memory_space<vmem>> -> memref<1x128xi32, #tpu.memory_space<vmem>>
    %dma_start3A_103 = tpu.memref_squeeze %dma_start3A_102 : memref<1x128xi32, #tpu.memory_space<vmem>> -> memref<128xi32, #tpu.memory_space<vmem>>
    %dma_start3A_104 = arith.constant 0 : i32
    %dma_start3A_105 = arith.constant 0 : i32
    %dma_start3A_106 = tpu.memref_slice %arg6[%dma_start3A_104, %dma_start3A_105] : memref<1000000x24xi32, #tpu.memory_space<hbm>> -> memref<1000000x24xi32, #tpu.memory_space<hbm>>
    tpu.enqueue_indirect_dma source(%dma_start3A_106 : memref<1000000x24xi32, #tpu.memory_space<hbm>>) target(%dma_start3A_100 : memref<128x24xi32, #tpu.memory_space<vmem>>) offsets(%dma_start3A_103 : memref<128xi32, #tpu.memory_space<vmem>>) semaphore(%arg20 : memref<!tpu.dma_semaphore, #tpu.memory_space<semaphore_mem>>)
    %dma_start3A_107 = arith.constant 3 : i32
    %dma_start3A_108 = arith.constant 3 : i32
    %dma_start3A_109 = arith.constant 0 : i32
    %dma_start3A_110 = tpu.memref_slice %arg12[%dma_start3A_108, %dma_start3A_109] : memref<4x128xi32, #tpu.memory_space<vmem>> -> memref<1x128xi32, #tpu.memory_space<vmem>>
    %dma_start3A_111 = tpu.memref_squeeze %dma_start3A_110 : memref<1x128xi32, #tpu.memory_space<vmem>> -> memref<128xi32, #tpu.memory_space<vmem>>
    %dma_start3A_112 = arith.constant 0 : i32
    %dma_start3A_113 = tpu.memref_slice %arg10[%dma_start3A_107, %dma_start3A_112] : memref<4x128xi32, #tpu.memory_space<vmem>> -> memref<1x128xi32, #tpu.memory_space<vmem>>
    %dma_start3A_114 = tpu.memref_squeeze %dma_start3A_113 : memref<1x128xi32, #tpu.memory_space<vmem>> -> memref<128xi32, #tpu.memory_space<vmem>>
    %dma_start3A_115 = arith.constant 0 : i32
    %dma_start3A_116 = tpu.memref_slice %arg7[%dma_start3A_115] : memref<1000000xi32, #tpu.memory_space<hbm>> -> memref<1000000xi32, #tpu.memory_space<hbm>>
    tpu.enqueue_indirect_dma source(%dma_start3A_116 : memref<1000000xi32, #tpu.memory_space<hbm>>) target(%dma_start3A_111 : memref<128xi32, #tpu.memory_space<vmem>>) offsets(%dma_start3A_114 : memref<128xi32, #tpu.memory_space<vmem>>) semaphore(%arg20 : memref<!tpu.dma_semaphore, #tpu.memory_space<semaphore_mem>>)
    %dma_start3A_117 = arith.constant 3 : i32
    %dma_start3A_118 = arith.constant 3 : i32
    %dma_start3A_119 = arith.constant 0 : i32
    %dma_start3A_120 = tpu.memref_slice %arg13[%dma_start3A_118, %dma_start3A_119] : memref<4x128xi32, #tpu.memory_space<vmem>> -> memref<1x128xi32, #tpu.memory_space<vmem>>
    %dma_start3A_121 = tpu.memref_squeeze %dma_start3A_120 : memref<1x128xi32, #tpu.memory_space<vmem>> -> memref<128xi32, #tpu.memory_space<vmem>>
    %dma_start3A_122 = arith.constant 0 : i32
    %dma_start3A_123 = tpu.memref_slice %arg10[%dma_start3A_117, %dma_start3A_122] : memref<4x128xi32, #tpu.memory_space<vmem>> -> memref<1x128xi32, #tpu.memory_space<vmem>>
    %dma_start3A_124 = tpu.memref_squeeze %dma_start3A_123 : memref<1x128xi32, #tpu.memory_space<vmem>> -> memref<128xi32, #tpu.memory_space<vmem>>
    %dma_start3A_125 = arith.constant 0 : i32
    %dma_start3A_126 = tpu.memref_slice %arg8[%dma_start3A_125] : memref<1000000xi32, #tpu.memory_space<hbm>> -> memref<1000000xi32, #tpu.memory_space<hbm>>
    tpu.enqueue_indirect_dma source(%dma_start3A_126 : memref<1000000xi32, #tpu.memory_space<hbm>>) target(%dma_start3A_121 : memref<128xi32, #tpu.memory_space<vmem>>) offsets(%dma_start3A_124 : memref<128xi32, #tpu.memory_space<vmem>>) semaphore(%arg20 : memref<!tpu.dma_semaphore, #tpu.memory_space<semaphore_mem>>)
    %dma_wait3A = arith.constant 0 : i32
    %dma_wait3A_127 = arith.constant 0 : i32
    %dma_wait3A_128 = arith.constant 0 : i32
    %dma_wait3A_129 = tpu.memref_slice %arg11[%dma_wait3A_127, %dma_wait3A_128] : memref<512x24xi32, #tpu.memory_space<vmem>> -> memref<128x24xi32, #tpu.memory_space<vmem>>
    %dma_wait3A_130 = arith.constant 0 : i32
    %dma_wait3A_131 = tpu.memref_slice %arg10[%dma_wait3A, %dma_wait3A_130] : memref<4x128xi32, #tpu.memory_space<vmem>> -> memref<1x128xi32, #tpu.memory_space<vmem>>
    %dma_wait3A_132 = tpu.memref_squeeze %dma_wait3A_131 : memref<1x128xi32, #tpu.memory_space<vmem>> -> memref<128xi32, #tpu.memory_space<vmem>>
    %dma_wait3A_133 = arith.constant 0 : i32
    %dma_wait3A_134 = arith.constant 0 : i32
    %dma_wait3A_135 = tpu.memref_slice %arg6[%dma_wait3A_133, %dma_wait3A_134] : memref<1000000x24xi32, #tpu.memory_space<hbm>> -> memref<1000000x24xi32, #tpu.memory_space<hbm>>
    tpu.wait_indirect_dma semaphore(%arg20 : memref<!tpu.dma_semaphore, #tpu.memory_space<semaphore_mem>>) src(%dma_wait3A_135 : memref<1000000x24xi32, #tpu.memory_space<hbm>>) dst(%dma_wait3A_129 : memref<128x24xi32, #tpu.memory_space<vmem>>)
    %dma_wait3A_136 = arith.constant 0 : i32
    %dma_wait3A_137 = arith.constant 0 : i32
    %dma_wait3A_138 = arith.constant 0 : i32
    %dma_wait3A_139 = tpu.memref_slice %arg12[%dma_wait3A_137, %dma_wait3A_138] : memref<4x128xi32, #tpu.memory_space<vmem>> -> memref<1x128xi32, #tpu.memory_space<vmem>>
    %dma_wait3A_140 = tpu.memref_squeeze %dma_wait3A_139 : memref<1x128xi32, #tpu.memory_space<vmem>> -> memref<128xi32, #tpu.memory_space<vmem>>
    %dma_wait3A_141 = arith.constant 0 : i32
    %dma_wait3A_142 = tpu.memref_slice %arg10[%dma_wait3A_136, %dma_wait3A_141] : memref<4x128xi32, #tpu.memory_space<vmem>> -> memref<1x128xi32, #tpu.memory_space<vmem>>
    %dma_wait3A_143 = tpu.memref_squeeze %dma_wait3A_142 : memref<1x128xi32, #tpu.memory_space<vmem>> -> memref<128xi32, #tpu.memory_space<vmem>>
    %dma_wait3A_144 = arith.constant 0 : i32
    %dma_wait3A_145 = tpu.memref_slice %arg7[%dma_wait3A_144] : memref<1000000xi32, #tpu.memory_space<hbm>> -> memref<1000000xi32, #tpu.memory_space<hbm>>
    tpu.wait_indirect_dma semaphore(%arg20 : memref<!tpu.dma_semaphore, #tpu.memory_space<semaphore_mem>>) src(%dma_wait3A_145 : memref<1000000xi32, #tpu.memory_space<hbm>>) dst(%dma_wait3A_140 : memref<128xi32, #tpu.memory_space<vmem>>)
    %dma_wait3A_146 = arith.constant 0 : i32
    %dma_wait3A_147 = arith.constant 0 : i32
    %dma_wait3A_148 = arith.constant 0 : i32
    %dma_wait3A_149 = tpu.memref_slice %arg13[%dma_wait3A_147, %dma_wait3A_148] : memref<4x128xi32, #tpu.memory_space<vmem>> -> memref<1x128xi32, #tpu.memory_space<vmem>>
    %dma_wait3A_150 = tpu.memref_squeeze %dma_wait3A_149 : memref<1x128xi32, #tpu.memory_space<vmem>> -> memref<128xi32, #tpu.memory_space<vmem>>
    %dma_wait3A_151 = arith.constant 0 : i32
    %dma_wait3A_152 = tpu.memref_slice %arg10[%dma_wait3A_146, %dma_wait3A_151] : memref<4x128xi32, #tpu.memory_space<vmem>> -> memref<1x128xi32, #tpu.memory_space<vmem>>
    %dma_wait3A_153 = tpu.memref_squeeze %dma_wait3A_152 : memref<1x128xi32, #tpu.memory_space<vmem>> -> memref<128xi32, #tpu.memory_space<vmem>>
    %dma_wait3A_154 = arith.constant 0 : i32
    %dma_wait3A_155 = tpu.memref_slice %arg8[%dma_wait3A_154] : memref<1000000xi32, #tpu.memory_space<hbm>> -> memref<1000000xi32, #tpu.memory_space<hbm>>
    tpu.wait_indirect_dma semaphore(%arg20 : memref<!tpu.dma_semaphore, #tpu.memory_space<semaphore_mem>>) src(%dma_wait3A_155 : memref<1000000xi32, #tpu.memory_space<hbm>>) dst(%dma_wait3A_150 : memref<128xi32, #tpu.memory_space<vmem>>)
    %dma_wait3A_156 = arith.constant 1 : i32
    %dma_wait3A_157 = arith.constant 128 : i32
    %dma_wait3A_158 = arith.constant 0 : i32
    %dma_wait3A_159 = tpu.memref_slice %arg11[%dma_wait3A_157, %dma_wait3A_158] : memref<512x24xi32, #tpu.memory_space<vmem>> -> memref<128x24xi32, #tpu.memory_space<vmem>>
    %dma_wait3A_160 = arith.constant 0 : i32
    %dma_wait3A_161 = tpu.memref_slice %arg10[%dma_wait3A_156, %dma_wait3A_160] : memref<4x128xi32, #tpu.memory_space<vmem>> -> memref<1x128xi32, #tpu.memory_space<vmem>>
    %dma_wait3A_162 = tpu.memref_squeeze %dma_wait3A_161 : memref<1x128xi32, #tpu.memory_space<vmem>> -> memref<128xi32, #tpu.memory_space<vmem>>
    %dma_wait3A_163 = arith.constant 0 : i32
    %dma_wait3A_164 = arith.constant 0 : i32
    %dma_wait3A_165 = tpu.memref_slice %arg6[%dma_wait3A_163, %dma_wait3A_164] : memref<1000000x24xi32, #tpu.memory_space<hbm>> -> memref<1000000x24xi32, #tpu.memory_space<hbm>>
    tpu.wait_indirect_dma semaphore(%arg20 : memref<!tpu.dma_semaphore, #tpu.memory_space<semaphore_mem>>) src(%dma_wait3A_165 : memref<1000000x24xi32, #tpu.memory_space<hbm>>) dst(%dma_wait3A_159 : memref<128x24xi32, #tpu.memory_space<vmem>>)
    %dma_wait3A_166 = arith.constant 1 : i32
    %dma_wait3A_167 = arith.constant 1 : i32
    %dma_wait3A_168 = arith.constant 0 : i32
    %dma_wait3A_169 = tpu.memref_slice %arg12[%dma_wait3A_167, %dma_wait3A_168] : memref<4x128xi32, #tpu.memory_space<vmem>> -> memref<1x128xi32, #tpu.memory_space<vmem>>
    %dma_wait3A_170 = tpu.memref_squeeze %dma_wait3A_169 : memref<1x128xi32, #tpu.memory_space<vmem>> -> memref<128xi32, #tpu.memory_space<vmem>>
    %dma_wait3A_171 = arith.constant 0 : i32
    %dma_wait3A_172 = tpu.memref_slice %arg10[%dma_wait3A_166, %dma_wait3A_171] : memref<4x128xi32, #tpu.memory_space<vmem>> -> memref<1x128xi32, #tpu.memory_space<vmem>>
    %dma_wait3A_173 = tpu.memref_squeeze %dma_wait3A_172 : memref<1x128xi32, #tpu.memory_space<vmem>> -> memref<128xi32, #tpu.memory_space<vmem>>
    %dma_wait3A_174 = arith.constant 0 : i32
    %dma_wait3A_175 = tpu.memref_slice %arg7[%dma_wait3A_174] : memref<1000000xi32, #tpu.memory_space<hbm>> -> memref<1000000xi32, #tpu.memory_space<hbm>>
    tpu.wait_indirect_dma semaphore(%arg20 : memref<!tpu.dma_semaphore, #tpu.memory_space<semaphore_mem>>) src(%dma_wait3A_175 : memref<1000000xi32, #tpu.memory_space<hbm>>) dst(%dma_wait3A_170 : memref<128xi32, #tpu.memory_space<vmem>>)
    %dma_wait3A_176 = arith.constant 1 : i32
    %dma_wait3A_177 = arith.constant 1 : i32
    %dma_wait3A_178 = arith.constant 0 : i32
    %dma_wait3A_179 = tpu.memref_slice %arg13[%dma_wait3A_177, %dma_wait3A_178] : memref<4x128xi32, #tpu.memory_space<vmem>> -> memref<1x128xi32, #tpu.memory_space<vmem>>
    %dma_wait3A_180 = tpu.memref_squeeze %dma_wait3A_179 : memref<1x128xi32, #tpu.memory_space<vmem>> -> memref<128xi32, #tpu.memory_space<vmem>>
    %dma_wait3A_181 = arith.constant 0 : i32
    %dma_wait3A_182 = tpu.memref_slice %arg10[%dma_wait3A_176, %dma_wait3A_181] : memref<4x128xi32, #tpu.memory_space<vmem>> -> memref<1x128xi32, #tpu.memory_space<vmem>>
    %dma_wait3A_183 = tpu.memref_squeeze %dma_wait3A_182 : memref<1x128xi32, #tpu.memory_space<vmem>> -> memref<128xi32, #tpu.memory_space<vmem>>
    %dma_wait3A_184 = arith.constant 0 : i32
    %dma_wait3A_185 = tpu.memref_slice %arg8[%dma_wait3A_184] : memref<1000000xi32, #tpu.memory_space<hbm>> -> memref<1000000xi32, #tpu.memory_space<hbm>>
    tpu.wait_indirect_dma semaphore(%arg20 : memref<!tpu.dma_semaphore, #tpu.memory_space<semaphore_mem>>) src(%dma_wait3A_185 : memref<1000000xi32, #tpu.memory_space<hbm>>) dst(%dma_wait3A_180 : memref<128xi32, #tpu.memory_space<vmem>>)
    %dma_wait3A_186 = arith.constant 2 : i32
    %dma_wait3A_187 = arith.constant 256 : i32
    %dma_wait3A_188 = arith.constant 0 : i32
    %dma_wait3A_189 = tpu.memref_slice %arg11[%dma_wait3A_187, %dma_wait3A_188] : memref<512x24xi32, #tpu.memory_space<vmem>> -> memref<128x24xi32, #tpu.memory_space<vmem>>
    %dma_wait3A_190 = arith.constant 0 : i32
    %dma_wait3A_191 = tpu.memref_slice %arg10[%dma_wait3A_186, %dma_wait3A_190] : memref<4x128xi32, #tpu.memory_space<vmem>> -> memref<1x128xi32, #tpu.memory_space<vmem>>
    %dma_wait3A_192 = tpu.memref_squeeze %dma_wait3A_191 : memref<1x128xi32, #tpu.memory_space<vmem>> -> memref<128xi32, #tpu.memory_space<vmem>>
    %dma_wait3A_193 = arith.constant 0 : i32
    %dma_wait3A_194 = arith.constant 0 : i32
    %dma_wait3A_195 = tpu.memref_slice %arg6[%dma_wait3A_193, %dma_wait3A_194] : memref<1000000x24xi32, #tpu.memory_space<hbm>> -> memref<1000000x24xi32, #tpu.memory_space<hbm>>
    tpu.wait_indirect_dma semaphore(%arg20 : memref<!tpu.dma_semaphore, #tpu.memory_space<semaphore_mem>>) src(%dma_wait3A_195 : memref<1000000x24xi32, #tpu.memory_space<hbm>>) dst(%dma_wait3A_189 : memref<128x24xi32, #tpu.memory_space<vmem>>)
    %dma_wait3A_196 = arith.constant 2 : i32
    %dma_wait3A_197 = arith.constant 2 : i32
    %dma_wait3A_198 = arith.constant 0 : i32
    %dma_wait3A_199 = tpu.memref_slice %arg12[%dma_wait3A_197, %dma_wait3A_198] : memref<4x128xi32, #tpu.memory_space<vmem>> -> memref<1x128xi32, #tpu.memory_space<vmem>>
    %dma_wait3A_200 = tpu.memref_squeeze %dma_wait3A_199 : memref<1x128xi32, #tpu.memory_space<vmem>> -> memref<128xi32, #tpu.memory_space<vmem>>
    %dma_wait3A_201 = arith.constant 0 : i32
    %dma_wait3A_202 = tpu.memref_slice %arg10[%dma_wait3A_196, %dma_wait3A_201] : memref<4x128xi32, #tpu.memory_space<vmem>> -> memref<1x128xi32, #tpu.memory_space<vmem>>
    %dma_wait3A_203 = tpu.memref_squeeze %dma_wait3A_202 : memref<1x128xi32, #tpu.memory_space<vmem>> -> memref<128xi32, #tpu.memory_space<vmem>>
    %dma_wait3A_204 = arith.constant 0 : i32
    %dma_wait3A_205 = tpu.memref_slice %arg7[%dma_wait3A_204] : memref<1000000xi32, #tpu.memory_space<hbm>> -> memref<1000000xi32, #tpu.memory_space<hbm>>
    tpu.wait_indirect_dma semaphore(%arg20 : memref<!tpu.dma_semaphore, #tpu.memory_space<semaphore_mem>>) src(%dma_wait3A_205 : memref<1000000xi32, #tpu.memory_space<hbm>>) dst(%dma_wait3A_200 : memref<128xi32, #tpu.memory_space<vmem>>)
    %dma_wait3A_206 = arith.constant 2 : i32
    %dma_wait3A_207 = arith.constant 2 : i32
    %dma_wait3A_208 = arith.constant 0 : i32
    %dma_wait3A_209 = tpu.memref_slice %arg13[%dma_wait3A_207, %dma_wait3A_208] : memref<4x128xi32, #tpu.memory_space<vmem>> -> memref<1x128xi32, #tpu.memory_space<vmem>>
    %dma_wait3A_210 = tpu.memref_squeeze %dma_wait3A_209 : memref<1x128xi32, #tpu.memory_space<vmem>> -> memref<128xi32, #tpu.memory_space<vmem>>
    %dma_wait3A_211 = arith.constant 0 : i32
    %dma_wait3A_212 = tpu.memref_slice %arg10[%dma_wait3A_206, %dma_wait3A_211] : memref<4x128xi32, #tpu.memory_space<vmem>> -> memref<1x128xi32, #tpu.memory_space<vmem>>
    %dma_wait3A_213 = tpu.memref_squeeze %dma_wait3A_212 : memref<1x128xi32, #tpu.memory_space<vmem>> -> memref<128xi32, #tpu.memory_space<vmem>>
    %dma_wait3A_214 = arith.constant 0 : i32
    %dma_wait3A_215 = tpu.memref_slice %arg8[%dma_wait3A_214] : memref<1000000xi32, #tpu.memory_space<hbm>> -> memref<1000000xi32, #tpu.memory_space<hbm>>
    tpu.wait_indirect_dma semaphore(%arg20 : memref<!tpu.dma_semaphore, #tpu.memory_space<semaphore_mem>>) src(%dma_wait3A_215 : memref<1000000xi32, #tpu.memory_space<hbm>>) dst(%dma_wait3A_210 : memref<128xi32, #tpu.memory_space<vmem>>)
    %dma_wait3A_216 = arith.constant 3 : i32
    %dma_wait3A_217 = arith.constant 384 : i32
    %dma_wait3A_218 = arith.constant 0 : i32
    %dma_wait3A_219 = tpu.memref_slice %arg11[%dma_wait3A_217, %dma_wait3A_218] : memref<512x24xi32, #tpu.memory_space<vmem>> -> memref<128x24xi32, #tpu.memory_space<vmem>>
    %dma_wait3A_220 = arith.constant 0 : i32
    %dma_wait3A_221 = tpu.memref_slice %arg10[%dma_wait3A_216, %dma_wait3A_220] : memref<4x128xi32, #tpu.memory_space<vmem>> -> memref<1x128xi32, #tpu.memory_space<vmem>>
    %dma_wait3A_222 = tpu.memref_squeeze %dma_wait3A_221 : memref<1x128xi32, #tpu.memory_space<vmem>> -> memref<128xi32, #tpu.memory_space<vmem>>
    %dma_wait3A_223 = arith.constant 0 : i32
    %dma_wait3A_224 = arith.constant 0 : i32
    %dma_wait3A_225 = tpu.memref_slice %arg6[%dma_wait3A_223, %dma_wait3A_224] : memref<1000000x24xi32, #tpu.memory_space<hbm>> -> memref<1000000x24xi32, #tpu.memory_space<hbm>>
    tpu.wait_indirect_dma semaphore(%arg20 : memref<!tpu.dma_semaphore, #tpu.memory_space<semaphore_mem>>) src(%dma_wait3A_225 : memref<1000000x24xi32, #tpu.memory_space<hbm>>) dst(%dma_wait3A_219 : memref<128x24xi32, #tpu.memory_space<vmem>>)
    %dma_wait3A_226 = arith.constant 3 : i32
    %dma_wait3A_227 = arith.constant 3 : i32
    %dma_wait3A_228 = arith.constant 0 : i32
    %dma_wait3A_229 = tpu.memref_slice %arg12[%dma_wait3A_227, %dma_wait3A_228] : memref<4x128xi32, #tpu.memory_space<vmem>> -> memref<1x128xi32, #tpu.memory_space<vmem>>
    %dma_wait3A_230 = tpu.memref_squeeze %dma_wait3A_229 : memref<1x128xi32, #tpu.memory_space<vmem>> -> memref<128xi32, #tpu.memory_space<vmem>>
    %dma_wait3A_231 = arith.constant 0 : i32
    %dma_wait3A_232 = tpu.memref_slice %arg10[%dma_wait3A_226, %dma_wait3A_231] : memref<4x128xi32, #tpu.memory_space<vmem>> -> memref<1x128xi32, #tpu.memory_space<vmem>>
    %dma_wait3A_233 = tpu.memref_squeeze %dma_wait3A_232 : memref<1x128xi32, #tpu.memory_space<vmem>> -> memref<128xi32, #tpu.memory_space<vmem>>
    %dma_wait3A_234 = arith.constant 0 : i32
    %dma_wait3A_235 = tpu.memref_slice %arg7[%dma_wait3A_234] : memref<1000000xi32, #tpu.memory_space<hbm>> -> memref<1000000xi32, #tpu.memory_space<hbm>>
    tpu.wait_indirect_dma semaphore(%arg20 : memref<!tpu.dma_semaphore, #tpu.memory_space<semaphore_mem>>) src(%dma_wait3A_235 : memref<1000000xi32, #tpu.memory_space<hbm>>) dst(%dma_wait3A_230 : memref<128xi32, #tpu.memory_space<vmem>>)
    %dma_wait3A_236 = arith.constant 3 : i32
    %dma_wait3A_237 = arith.constant 3 : i32
    %dma_wait3A_238 = arith.constant 0 : i32
    %dma_wait3A_239 = tpu.memref_slice %arg13[%dma_wait3A_237, %dma_wait3A_238] : memref<4x128xi32, #tpu.memory_space<vmem>> -> memref<1x128xi32, #tpu.memory_space<vmem>>
    %dma_wait3A_240 = tpu.memref_squeeze %dma_wait3A_239 : memref<1x128xi32, #tpu.memory_space<vmem>> -> memref<128xi32, #tpu.memory_space<vmem>>
    %dma_wait3A_241 = arith.constant 0 : i32
    %dma_wait3A_242 = tpu.memref_slice %arg10[%dma_wait3A_236, %dma_wait3A_241] : memref<4x128xi32, #tpu.memory_space<vmem>> -> memref<1x128xi32, #tpu.memory_space<vmem>>
    %dma_wait3A_243 = tpu.memref_squeeze %dma_wait3A_242 : memref<1x128xi32, #tpu.memory_space<vmem>> -> memref<128xi32, #tpu.memory_space<vmem>>
    %dma_wait3A_244 = arith.constant 0 : i32
    %dma_wait3A_245 = tpu.memref_slice %arg8[%dma_wait3A_244] : memref<1000000xi32, #tpu.memory_space<hbm>> -> memref<1000000xi32, #tpu.memory_space<hbm>>
    tpu.wait_indirect_dma semaphore(%arg20 : memref<!tpu.dma_semaphore, #tpu.memory_space<semaphore_mem>>) src(%dma_wait3A_245 : memref<1000000xi32, #tpu.memory_space<hbm>>) dst(%dma_wait3A_240 : memref<128xi32, #tpu.memory_space<vmem>>)
    %scan3A = arith.constant 0 : i32
    %scan3A_246 = arith.constant 0 : i32
    %scan3A_247 = arith.constant 96 : i32
    %scan3A_248 = arith.addi %scan3A_246, %scan3A_247 : i32
    %scan3A_249 = arith.constant 1 : i32
    scf.for %scan3A_264 = %scan3A_246 to %scan3A_248 step %scan3A_249  : i32 {
      %mul3A_265 = arith.constant 128 : i32
      %mul3A_266 = arith.muli %scan3A_264, %mul3A_265 : i32
      %add3A_267 = arith.constant 0 : i32
      %add3A_268 = arith.addi %mul3A_266, %add3A_267 : i32
      %add3A_269 = vector.broadcast %add3A_268 : i32 to vector<16xi32>
      %add3A_270 = arith.addi %add3A_269, %iota3A : vector<16xi32>
      %jit3A = arith.constant 24 : i32
      %div3A = vector.broadcast %jit3A : i32 to vector<16xi32>
      %div3A_271 = arith.divsi %add3A_270, %div3A : vector<16xi32>
      %sign3A = arith.constant 0 : i32
      %sign3A_272 = vector.broadcast %sign3A : i32 to vector<16xi32>
      %sign3A_273 = arith.cmpi sgt, %add3A_270, %sign3A_272 : vector<16xi32>
      %sign3A_274 = arith.extui %sign3A_273 : vector<16xi1> to vector<16xi32>
      %sign3A_275 = arith.constant 0 : i32
      %sign3A_276 = vector.broadcast %sign3A_275 : i32 to vector<16xi32>
      %sign3A_277 = arith.cmpi slt, %add3A_270, %sign3A_276 : vector<16xi32>
      %sign3A_278 = arith.extui %sign3A_277 : vector<16xi1> to vector<16xi32>
      %sign3A_279 = arith.subi %sign3A_274, %sign3A_278 : vector<16xi32>
      %sign3A_280 = arith.constant 0 : i32
      %sign3A_281 = arith.cmpi sgt, %jit3A, %sign3A_280 : i32
      %sign3A_282 = arith.extui %sign3A_281 : i1 to i32
      %sign3A_283 = arith.constant 0 : i32
      %sign3A_284 = arith.cmpi slt, %jit3A, %sign3A_283 : i32
      %sign3A_285 = arith.extui %sign3A_284 : i1 to i32
      %sign3A_286 = arith.subi %sign3A_282, %sign3A_285 : i32
      %ne3A = vector.broadcast %sign3A_286 : i32 to vector<16xi32>
      %ne3A_287 = arith.cmpi ne, %sign3A_279, %ne3A : vector<16xi32>
      %rem3A = vector.broadcast %jit3A : i32 to vector<16xi32>
      %rem3A_288 = arith.remsi %add3A_270, %rem3A : vector<16xi32>
      %ne3A_289 = arith.constant 0 : i32
      %ne3A_290 = vector.broadcast %ne3A_289 : i32 to vector<16xi32>
      %ne3A_291 = arith.cmpi ne, %rem3A_288, %ne3A_290 : vector<16xi32>
      %and3A = arith.andi %ne3A_287, %ne3A_291 : vector<16xi1>
      %sub3A = arith.constant 1 : i32
      %sub3A_292 = vector.broadcast %sub3A : i32 to vector<16xi32>
      %sub3A_293 = arith.subi %div3A_271, %sub3A_292 : vector<16xi32>
      %select_n3A = arith.select %and3A, %sub3A_293, %div3A_271 : vector<16xi1>, vector<16xi32>
      %jit3A_294 = arith.constant 24 : i32
      %eq3A = arith.constant 0 : i32
      %eq3A_295 = arith.cmpi eq, %jit3A_294, %eq3A : i32
      %jit3A_296 = arith.constant 1 : i32
      %select_n3A_297 = arith.select %eq3A_295, %jit3A_296, %jit3A_294 : i32
      %rem3A_298 = vector.broadcast %select_n3A_297 : i32 to vector<16xi32>
      %rem3A_299 = arith.remsi %add3A_270, %rem3A_298 : vector<16xi32>
      %ne3A_300 = arith.constant 0 : i32
      %ne3A_301 = vector.broadcast %ne3A_300 : i32 to vector<16xi32>
      %ne3A_302 = arith.cmpi ne, %rem3A_299, %ne3A_301 : vector<16xi32>
      %lt3A = arith.constant 0 : i32
      %lt3A_303 = vector.broadcast %lt3A : i32 to vector<16xi32>
      %lt3A_304 = arith.cmpi slt, %rem3A_299, %lt3A_303 : vector<16xi32>
      %lt3A_305 = arith.constant 0 : i32
      %lt3A_306 = arith.cmpi slt, %select_n3A_297, %lt3A_305 : i32
      %ne3A_307 = vector.broadcast %lt3A_306 : i1 to vector<16xi1>
      %ne3A_308 = vector.broadcast %ne3A_307 : vector<16xi1> to vector<16xi1>
      %ne3A_309 = arith.xori %lt3A_304, %ne3A_308 : vector<16xi1>
      %and3A_310 = arith.andi %ne3A_309, %ne3A_302 : vector<16xi1>
      %add3A_311 = vector.broadcast %select_n3A_297 : i32 to vector<16xi32>
      %add3A_312 = arith.addi %rem3A_299, %add3A_311 : vector<16xi32>
      %select_n3A_313 = arith.select %and3A_310, %add3A_312, %rem3A_299 : vector<16xi1>, vector<16xi32>
      %gather3A = tpu.vector_load_idx %arg11[%select_n3A, %select_n3A_313] : memref<512x24xi32, #tpu.memory_space<vmem>>[vector<16xi32>, vector<16xi32>], vector<16xi32>,
      %swap3A = arith.index_cast %scan3A_264 : i32 to index
      %swap3A_314 = arith.constant 0 : index
      %swap3A_315 = tpu.vector_load %arg14[%swap3A, %swap3A_314] {strides = array<i32>} : memref<96x128xi32, #tpu.memory_space<vmem>>, vector<16xi32>,
      tpu.vector_store %arg14[%swap3A, %swap3A_314], %gather3A {strides = array<i32>} : memref<96x128xi32, #tpu.memory_space<vmem>>, vector<16xi32>,
      %mul3A_316 = arith.constant 128 : i32
      %mul3A_317 = arith.muli %scan3A_264, %mul3A_316 : i32
      %add3A_318 = arith.constant 16 : i32
      %add3A_319 = arith.addi %mul3A_317, %add3A_318 : i32
      %add3A_320 = vector.broadcast %add3A_319 : i32 to vector<16xi32>
      %add3A_321 = arith.addi %add3A_320, %iota3A : vector<16xi32>
      %jit3A_322 = arith.constant 24 : i32
      %div3A_323 = vector.broadcast %jit3A_322 : i32 to vector<16xi32>
      %div3A_324 = arith.divsi %add3A_321, %div3A_323 : vector<16xi32>
      %sign3A_325 = arith.constant 0 : i32
      %sign3A_326 = vector.broadcast %sign3A_325 : i32 to vector<16xi32>
      %sign3A_327 = arith.cmpi sgt, %add3A_321, %sign3A_326 : vector<16xi32>
      %sign3A_328 = arith.extui %sign3A_327 : vector<16xi1> to vector<16xi32>
      %sign3A_329 = arith.constant 0 : i32
      %sign3A_330 = vector.broadcast %sign3A_329 : i32 to vector<16xi32>
      %sign3A_331 = arith.cmpi slt, %add3A_321, %sign3A_330 : vector<16xi32>
      %sign3A_332 = arith.extui %sign3A_331 : vector<16xi1> to vector<16xi32>
      %sign3A_333 = arith.subi %sign3A_328, %sign3A_332 : vector<16xi32>
      %sign3A_334 = arith.constant 0 : i32
      %sign3A_335 = arith.cmpi sgt, %jit3A_322, %sign3A_334 : i32
      %sign3A_336 = arith.extui %sign3A_335 : i1 to i32
      %sign3A_337 = arith.constant 0 : i32
      %sign3A_338 = arith.cmpi slt, %jit3A_322, %sign3A_337 : i32
      %sign3A_339 = arith.extui %sign3A_338 : i1 to i32
      %sign3A_340 = arith.subi %sign3A_336, %sign3A_339 : i32
      %ne3A_341 = vector.broadcast %sign3A_340 : i32 to vector<16xi32>
      %ne3A_342 = arith.cmpi ne, %sign3A_333, %ne3A_341 : vector<16xi32>
      %rem3A_343 = vector.broadcast %jit3A_322 : i32 to vector<16xi32>
      %rem3A_344 = arith.remsi %add3A_321, %rem3A_343 : vector<16xi32>
      %ne3A_345 = arith.constant 0 : i32
      %ne3A_346 = vector.broadcast %ne3A_345 : i32 to vector<16xi32>
      %ne3A_347 = arith.cmpi ne, %rem3A_344, %ne3A_346 : vector<16xi32>
      %and3A_348 = arith.andi %ne3A_342, %ne3A_347 : vector<16xi1>
      %sub3A_349 = arith.constant 1 : i32
      %sub3A_350 = vector.broadcast %sub3A_349 : i32 to vector<16xi32>
      %sub3A_351 = arith.subi %div3A_324, %sub3A_350 : vector<16xi32>
      %select_n3A_352 = arith.select %and3A_348, %sub3A_351, %div3A_324 : vector<16xi1>, vector<16xi32>
      %jit3A_353 = arith.constant 24 : i32
      %eq3A_354 = arith.constant 0 : i32
      %eq3A_355 = arith.cmpi eq, %jit3A_353, %eq3A_354 : i32
      %jit3A_356 = arith.constant 1 : i32
      %select_n3A_357 = arith.select %eq3A_355, %jit3A_356, %jit3A_353 : i32
      %rem3A_358 = vector.broadcast %select_n3A_357 : i32 to vector<16xi32>
      %rem3A_359 = arith.remsi %add3A_321, %rem3A_358 : vector<16xi32>
      %ne3A_360 = arith.constant 0 : i32
      %ne3A_361 = vector.broadcast %ne3A_360 : i32 to vector<16xi32>
      %ne3A_362 = arith.cmpi ne, %rem3A_359, %ne3A_361 : vector<16xi32>
      %lt3A_363 = arith.constant 0 : i32
      %lt3A_364 = vector.broadcast %lt3A_363 : i32 to vector<16xi32>
      %lt3A_365 = arith.cmpi slt, %rem3A_359, %lt3A_364 : vector<16xi32>
      %lt3A_366 = arith.constant 0 : i32
      %lt3A_367 = arith.cmpi slt, %select_n3A_357, %lt3A_366 : i32
      %ne3A_368 = vector.broadcast %lt3A_367 : i1 to vector<16xi1>
      %ne3A_369 = vector.broadcast %ne3A_368 : vector<16xi1> to vector<16xi1>
      %ne3A_370 = arith.xori %lt3A_365, %ne3A_369 : vector<16xi1>
      %and3A_371 = arith.andi %ne3A_370, %ne3A_362 : vector<16xi1>
      %add3A_372 = vector.broadcast %select_n3A_357 : i32 to vector<16xi32>
      %add3A_373 = arith.addi %rem3A_359, %add3A_372 : vector<16xi32>
      %select_n3A_374 = arith.select %and3A_371, %add3A_373, %rem3A_359 : vector<16xi1>, vector<16xi32>
      %gather3A_375 = tpu.vector_load_idx %arg11[%select_n3A_352, %select_n3A_374] : memref<512x24xi32, #tpu.memory_space<vmem>>[vector<16xi32>, vector<16xi32>], vector<16xi32>,
      %swap3A_376 = arith.index_cast %scan3A_264 : i32 to index
      %swap3A_377 = arith.constant 16 : index
      %swap3A_378 = tpu.vector_load %arg14[%swap3A_376, %swap3A_377] {strides = array<i32>} : memref<96x128xi32, #tpu.memory_space<vmem>>, vector<16xi32>,
      tpu.vector_store %arg14[%swap3A_376, %swap3A_377], %gather3A_375 {strides = array<i32>} : memref<96x128xi32, #tpu.memory_space<vmem>>, vector<16xi32>,
      %mul3A_379 = arith.constant 128 : i32
      %mul3A_380 = arith.muli %scan3A_264, %mul3A_379 : i32
      %add3A_381 = arith.constant 32 : i32
      %add3A_382 = arith.addi %mul3A_380, %add3A_381 : i32
      %add3A_383 = vector.broadcast %add3A_382 : i32 to vector<16xi32>
      %add3A_384 = arith.addi %add3A_383, %iota3A : vector<16xi32>
      %jit3A_385 = arith.constant 24 : i32
      %div3A_386 = vector.broadcast %jit3A_385 : i32 to vector<16xi32>
      %div3A_387 = arith.divsi %add3A_384, %div3A_386 : vector<16xi32>
      %sign3A_388 = arith.constant 0 : i32
      %sign3A_389 = vector.broadcast %sign3A_388 : i32 to vector<16xi32>
      %sign3A_390 = arith.cmpi sgt, %add3A_384, %sign3A_389 : vector<16xi32>
      %sign3A_391 = arith.extui %sign3A_390 : vector<16xi1> to vector<16xi32>
      %sign3A_392 = arith.constant 0 : i32
      %sign3A_393 = vector.broadcast %sign3A_392 : i32 to vector<16xi32>
      %sign3A_394 = arith.cmpi slt, %add3A_384, %sign3A_393 : vector<16xi32>
      %sign3A_395 = arith.extui %sign3A_394 : vector<16xi1> to vector<16xi32>
      %sign3A_396 = arith.subi %sign3A_391, %sign3A_395 : vector<16xi32>
      %sign3A_397 = arith.constant 0 : i32
      %sign3A_398 = arith.cmpi sgt, %jit3A_385, %sign3A_397 : i32
      %sign3A_399 = arith.extui %sign3A_398 : i1 to i32
      %sign3A_400 = arith.constant 0 : i32
      %sign3A_401 = arith.cmpi slt, %jit3A_385, %sign3A_400 : i32
      %sign3A_402 = arith.extui %sign3A_401 : i1 to i32
      %sign3A_403 = arith.subi %sign3A_399, %sign3A_402 : i32
      %ne3A_404 = vector.broadcast %sign3A_403 : i32 to vector<16xi32>
      %ne3A_405 = arith.cmpi ne, %sign3A_396, %ne3A_404 : vector<16xi32>
      %rem3A_406 = vector.broadcast %jit3A_385 : i32 to vector<16xi32>
      %rem3A_407 = arith.remsi %add3A_384, %rem3A_406 : vector<16xi32>
      %ne3A_408 = arith.constant 0 : i32
      %ne3A_409 = vector.broadcast %ne3A_408 : i32 to vector<16xi32>
      %ne3A_410 = arith.cmpi ne, %rem3A_407, %ne3A_409 : vector<16xi32>
      %and3A_411 = arith.andi %ne3A_405, %ne3A_410 : vector<16xi1>
      %sub3A_412 = arith.constant 1 : i32
      %sub3A_413 = vector.broadcast %sub3A_412 : i32 to vector<16xi32>
      %sub3A_414 = arith.subi %div3A_387, %sub3A_413 : vector<16xi32>
      %select_n3A_415 = arith.select %and3A_411, %sub3A_414, %div3A_387 : vector<16xi1>, vector<16xi32>
      %jit3A_416 = arith.constant 24 : i32
      %eq3A_417 = arith.constant 0 : i32
      %eq3A_418 = arith.cmpi eq, %jit3A_416, %eq3A_417 : i32
      %jit3A_419 = arith.constant 1 : i32
      %select_n3A_420 = arith.select %eq3A_418, %jit3A_419, %jit3A_416 : i32
      %rem3A_421 = vector.broadcast %select_n3A_420 : i32 to vector<16xi32>
      %rem3A_422 = arith.remsi %add3A_384, %rem3A_421 : vector<16xi32>
      %ne3A_423 = arith.constant 0 : i32
      %ne3A_424 = vector.broadcast %ne3A_423 : i32 to vector<16xi32>
      %ne3A_425 = arith.cmpi ne, %rem3A_422, %ne3A_424 : vector<16xi32>
      %lt3A_426 = arith.constant 0 : i32
      %lt3A_427 = vector.broadcast %lt3A_426 : i32 to vector<16xi32>
      %lt3A_428 = arith.cmpi slt, %rem3A_422, %lt3A_427 : vector<16xi32>
      %lt3A_429 = arith.constant 0 : i32
      %lt3A_430 = arith.cmpi slt, %select_n3A_420, %lt3A_429 : i32
      %ne3A_431 = vector.broadcast %lt3A_430 : i1 to vector<16xi1>
      %ne3A_432 = vector.broadcast %ne3A_431 : vector<16xi1> to vector<16xi1>
      %ne3A_433 = arith.xori %lt3A_428, %ne3A_432 : vector<16xi1>
      %and3A_434 = arith.andi %ne3A_433, %ne3A_425 : vector<16xi1>
      %add3A_435 = vector.broadcast %select_n3A_420 : i32 to vector<16xi32>
      %add3A_436 = arith.addi %rem3A_422, %add3A_435 : vector<16xi32>
      %select_n3A_437 = arith.select %and3A_434, %add3A_436, %rem3A_422 : vector<16xi1>, vector<16xi32>
      %gather3A_438 = tpu.vector_load_idx %arg11[%select_n3A_415, %select_n3A_437] : memref<512x24xi32, #tpu.memory_space<vmem>>[vector<16xi32>, vector<16xi32>], vector<16xi32>,
      %swap3A_439 = arith.index_cast %scan3A_264 : i32 to index
      %swap3A_440 = arith.constant 32 : index
      %swap3A_441 = tpu.vector_load %arg14[%swap3A_439, %swap3A_440] {strides = array<i32>} : memref<96x128xi32, #tpu.memory_space<vmem>>, vector<16xi32>,
      tpu.vector_store %arg14[%swap3A_439, %swap3A_440], %gather3A_438 {strides = array<i32>} : memref<96x128xi32, #tpu.memory_space<vmem>>, vector<16xi32>,
      %mul3A_442 = arith.constant 128 : i32
      %mul3A_443 = arith.muli %scan3A_264, %mul3A_442 : i32
      %add3A_444 = arith.constant 48 : i32
      %add3A_445 = arith.addi %mul3A_443, %add3A_444 : i32
      %add3A_446 = vector.broadcast %add3A_445 : i32 to vector<16xi32>
      %add3A_447 = arith.addi %add3A_446, %iota3A : vector<16xi32>
      %jit3A_448 = arith.constant 24 : i32
      %div3A_449 = vector.broadcast %jit3A_448 : i32 to vector<16xi32>
      %div3A_450 = arith.divsi %add3A_447, %div3A_449 : vector<16xi32>
      %sign3A_451 = arith.constant 0 : i32
      %sign3A_452 = vector.broadcast %sign3A_451 : i32 to vector<16xi32>
      %sign3A_453 = arith.cmpi sgt, %add3A_447, %sign3A_452 : vector<16xi32>
      %sign3A_454 = arith.extui %sign3A_453 : vector<16xi1> to vector<16xi32>
      %sign3A_455 = arith.constant 0 : i32
      %sign3A_456 = vector.broadcast %sign3A_455 : i32 to vector<16xi32>
      %sign3A_457 = arith.cmpi slt, %add3A_447, %sign3A_456 : vector<16xi32>
      %sign3A_458 = arith.extui %sign3A_457 : vector<16xi1> to vector<16xi32>
      %sign3A_459 = arith.subi %sign3A_454, %sign3A_458 : vector<16xi32>
      %sign3A_460 = arith.constant 0 : i32
      %sign3A_461 = arith.cmpi sgt, %jit3A_448, %sign3A_460 : i32
      %sign3A_462 = arith.extui %sign3A_461 : i1 to i32
      %sign3A_463 = arith.constant 0 : i32
      %sign3A_464 = arith.cmpi slt, %jit3A_448, %sign3A_463 : i32
      %sign3A_465 = arith.extui %sign3A_464 : i1 to i32
      %sign3A_466 = arith.subi %sign3A_462, %sign3A_465 : i32
      %ne3A_467 = vector.broadcast %sign3A_466 : i32 to vector<16xi32>
      %ne3A_468 = arith.cmpi ne, %sign3A_459, %ne3A_467 : vector<16xi32>
      %rem3A_469 = vector.broadcast %jit3A_448 : i32 to vector<16xi32>
      %rem3A_470 = arith.remsi %add3A_447, %rem3A_469 : vector<16xi32>
      %ne3A_471 = arith.constant 0 : i32
      %ne3A_472 = vector.broadcast %ne3A_471 : i32 to vector<16xi32>
      %ne3A_473 = arith.cmpi ne, %rem3A_470, %ne3A_472 : vector<16xi32>
      %and3A_474 = arith.andi %ne3A_468, %ne3A_473 : vector<16xi1>
      %sub3A_475 = arith.constant 1 : i32
      %sub3A_476 = vector.broadcast %sub3A_475 : i32 to vector<16xi32>
      %sub3A_477 = arith.subi %div3A_450, %sub3A_476 : vector<16xi32>
      %select_n3A_478 = arith.select %and3A_474, %sub3A_477, %div3A_450 : vector<16xi1>, vector<16xi32>
      %jit3A_479 = arith.constant 24 : i32
      %eq3A_480 = arith.constant 0 : i32
      %eq3A_481 = arith.cmpi eq, %jit3A_479, %eq3A_480 : i32
      %jit3A_482 = arith.constant 1 : i32
      %select_n3A_483 = arith.select %eq3A_481, %jit3A_482, %jit3A_479 : i32
      %rem3A_484 = vector.broadcast %select_n3A_483 : i32 to vector<16xi32>
      %rem3A_485 = arith.remsi %add3A_447, %rem3A_484 : vector<16xi32>
      %ne3A_486 = arith.constant 0 : i32
      %ne3A_487 = vector.broadcast %ne3A_486 : i32 to vector<16xi32>
      %ne3A_488 = arith.cmpi ne, %rem3A_485, %ne3A_487 : vector<16xi32>
      %lt3A_489 = arith.constant 0 : i32
      %lt3A_490 = vector.broadcast %lt3A_489 : i32 to vector<16xi32>
      %lt3A_491 = arith.cmpi slt, %rem3A_485, %lt3A_490 : vector<16xi32>
      %lt3A_492 = arith.constant 0 : i32
      %lt3A_493 = arith.cmpi slt, %select_n3A_483, %lt3A_492 : i32
      %ne3A_494 = vector.broadcast %lt3A_493 : i1 to vector<16xi1>
      %ne3A_495 = vector.broadcast %ne3A_494 : vector<16xi1> to vector<16xi1>
      %ne3A_496 = arith.xori %lt3A_491, %ne3A_495 : vector<16xi1>
      %and3A_497 = arith.andi %ne3A_496, %ne3A_488 : vector<16xi1>
      %add3A_498 = vector.broadcast %select_n3A_483 : i32 to vector<16xi32>
      %add3A_499 = arith.addi %rem3A_485, %add3A_498 : vector<16xi32>
      %select_n3A_500 = arith.select %and3A_497, %add3A_499, %rem3A_485 : vector<16xi1>, vector<16xi32>
      %gather3A_501 = tpu.vector_load_idx %arg11[%select_n3A_478, %select_n3A_500] : memref<512x24xi32, #tpu.memory_space<vmem>>[vector<16xi32>, vector<16xi32>], vector<16xi32>,
      %swap3A_502 = arith.index_cast %scan3A_264 : i32 to index
      %swap3A_503 = arith.constant 48 : index
      %swap3A_504 = tpu.vector_load %arg14[%swap3A_502, %swap3A_503] {strides = array<i32>} : memref<96x128xi32, #tpu.memory_space<vmem>>, vector<16xi32>,
      tpu.vector_store %arg14[%swap3A_502, %swap3A_503], %gather3A_501 {strides = array<i32>} : memref<96x128xi32, #tpu.memory_space<vmem>>, vector<16xi32>,
      %mul3A_505 = arith.constant 128 : i32
      %mul3A_506 = arith.muli %scan3A_264, %mul3A_505 : i32
      %add3A_507 = arith.constant 64 : i32
      %add3A_508 = arith.addi %mul3A_506, %add3A_507 : i32
      %add3A_509 = vector.broadcast %add3A_508 : i32 to vector<16xi32>
      %add3A_510 = arith.addi %add3A_509, %iota3A : vector<16xi32>
      %jit3A_511 = arith.constant 24 : i32
      %div3A_512 = vector.broadcast %jit3A_511 : i32 to vector<16xi32>
      %div3A_513 = arith.divsi %add3A_510, %div3A_512 : vector<16xi32>
      %sign3A_514 = arith.constant 0 : i32
      %sign3A_515 = vector.broadcast %sign3A_514 : i32 to vector<16xi32>
      %sign3A_516 = arith.cmpi sgt, %add3A_510, %sign3A_515 : vector<16xi32>
      %sign3A_517 = arith.extui %sign3A_516 : vector<16xi1> to vector<16xi32>
      %sign3A_518 = arith.constant 0 : i32
      %sign3A_519 = vector.broadcast %sign3A_518 : i32 to vector<16xi32>
      %sign3A_520 = arith.cmpi slt, %add3A_510, %sign3A_519 : vector<16xi32>
      %sign3A_521 = arith.extui %sign3A_520 : vector<16xi1> to vector<16xi32>
      %sign3A_522 = arith.subi %sign3A_517, %sign3A_521 : vector<16xi32>
      %sign3A_523 = arith.constant 0 : i32
      %sign3A_524 = arith.cmpi sgt, %jit3A_511, %sign3A_523 : i32
      %sign3A_525 = arith.extui %sign3A_524 : i1 to i32
      %sign3A_526 = arith.constant 0 : i32
      %sign3A_527 = arith.cmpi slt, %jit3A_511, %sign3A_526 : i32
      %sign3A_528 = arith.extui %sign3A_527 : i1 to i32
      %sign3A_529 = arith.subi %sign3A_525, %sign3A_528 : i32
      %ne3A_530 = vector.broadcast %sign3A_529 : i32 to vector<16xi32>
      %ne3A_531 = arith.cmpi ne, %sign3A_522, %ne3A_530 : vector<16xi32>
      %rem3A_532 = vector.broadcast %jit3A_511 : i32 to vector<16xi32>
      %rem3A_533 = arith.remsi %add3A_510, %rem3A_532 : vector<16xi32>
      %ne3A_534 = arith.constant 0 : i32
      %ne3A_535 = vector.broadcast %ne3A_534 : i32 to vector<16xi32>
      %ne3A_536 = arith.cmpi ne, %rem3A_533, %ne3A_535 : vector<16xi32>
      %and3A_537 = arith.andi %ne3A_531, %ne3A_536 : vector<16xi1>
      %sub3A_538 = arith.constant 1 : i32
      %sub3A_539 = vector.broadcast %sub3A_538 : i32 to vector<16xi32>
      %sub3A_540 = arith.subi %div3A_513, %sub3A_539 : vector<16xi32>
      %select_n3A_541 = arith.select %and3A_537, %sub3A_540, %div3A_513 : vector<16xi1>, vector<16xi32>
      %jit3A_542 = arith.constant 24 : i32
      %eq3A_543 = arith.constant 0 : i32
      %eq3A_544 = arith.cmpi eq, %jit3A_542, %eq3A_543 : i32
      %jit3A_545 = arith.constant 1 : i32
      %select_n3A_546 = arith.select %eq3A_544, %jit3A_545, %jit3A_542 : i32
      %rem3A_547 = vector.broadcast %select_n3A_546 : i32 to vector<16xi32>
      %rem3A_548 = arith.remsi %add3A_510, %rem3A_547 : vector<16xi32>
      %ne3A_549 = arith.constant 0 : i32
      %ne3A_550 = vector.broadcast %ne3A_549 : i32 to vector<16xi32>
      %ne3A_551 = arith.cmpi ne, %rem3A_548, %ne3A_550 : vector<16xi32>
      %lt3A_552 = arith.constant 0 : i32
      %lt3A_553 = vector.broadcast %lt3A_552 : i32 to vector<16xi32>
      %lt3A_554 = arith.cmpi slt, %rem3A_548, %lt3A_553 : vector<16xi32>
      %lt3A_555 = arith.constant 0 : i32
      %lt3A_556 = arith.cmpi slt, %select_n3A_546, %lt3A_555 : i32
      %ne3A_557 = vector.broadcast %lt3A_556 : i1 to vector<16xi1>
      %ne3A_558 = vector.broadcast %ne3A_557 : vector<16xi1> to vector<16xi1>
      %ne3A_559 = arith.xori %lt3A_554, %ne3A_558 : vector<16xi1>
      %and3A_560 = arith.andi %ne3A_559, %ne3A_551 : vector<16xi1>
      %add3A_561 = vector.broadcast %select_n3A_546 : i32 to vector<16xi32>
      %add3A_562 = arith.addi %rem3A_548, %add3A_561 : vector<16xi32>
      %select_n3A_563 = arith.select %and3A_560, %add3A_562, %rem3A_548 : vector<16xi1>, vector<16xi32>
      %gather3A_564 = tpu.vector_load_idx %arg11[%select_n3A_541, %select_n3A_563] : memref<512x24xi32, #tpu.memory_space<vmem>>[vector<16xi32>, vector<16xi32>], vector<16xi32>,
      %swap3A_565 = arith.index_cast %scan3A_264 : i32 to index
      %swap3A_566 = arith.constant 64 : index
      %swap3A_567 = tpu.vector_load %arg14[%swap3A_565, %swap3A_566] {strides = array<i32>} : memref<96x128xi32, #tpu.memory_space<vmem>>, vector<16xi32>,
      tpu.vector_store %arg14[%swap3A_565, %swap3A_566], %gather3A_564 {strides = array<i32>} : memref<96x128xi32, #tpu.memory_space<vmem>>, vector<16xi32>,
      %mul3A_568 = arith.constant 128 : i32
      %mul3A_569 = arith.muli %scan3A_264, %mul3A_568 : i32
      %add3A_570 = arith.constant 80 : i32
      %add3A_571 = arith.addi %mul3A_569, %add3A_570 : i32
      %add3A_572 = vector.broadcast %add3A_571 : i32 to vector<16xi32>
      %add3A_573 = arith.addi %add3A_572, %iota3A : vector<16xi32>
      %jit3A_574 = arith.constant 24 : i32
      %div3A_575 = vector.broadcast %jit3A_574 : i32 to vector<16xi32>
      %div3A_576 = arith.divsi %add3A_573, %div3A_575 : vector<16xi32>
      %sign3A_577 = arith.constant 0 : i32
      %sign3A_578 = vector.broadcast %sign3A_577 : i32 to vector<16xi32>
      %sign3A_579 = arith.cmpi sgt, %add3A_573, %sign3A_578 : vector<16xi32>
      %sign3A_580 = arith.extui %sign3A_579 : vector<16xi1> to vector<16xi32>
      %sign3A_581 = arith.constant 0 : i32
      %sign3A_582 = vector.broadcast %sign3A_581 : i32 to vector<16xi32>
      %sign3A_583 = arith.cmpi slt, %add3A_573, %sign3A_582 : vector<16xi32>
      %sign3A_584 = arith.extui %sign3A_583 : vector<16xi1> to vector<16xi32>
      %sign3A_585 = arith.subi %sign3A_580, %sign3A_584 : vector<16xi32>
      %sign3A_586 = arith.constant 0 : i32
      %sign3A_587 = arith.cmpi sgt, %jit3A_574, %sign3A_586 : i32
      %sign3A_588 = arith.extui %sign3A_587 : i1 to i32
      %sign3A_589 = arith.constant 0 : i32
      %sign3A_590 = arith.cmpi slt, %jit3A_574, %sign3A_589 : i32
      %sign3A_591 = arith.extui %sign3A_590 : i1 to i32
      %sign3A_592 = arith.subi %sign3A_588, %sign3A_591 : i32
      %ne3A_593 = vector.broadcast %sign3A_592 : i32 to vector<16xi32>
      %ne3A_594 = arith.cmpi ne, %sign3A_585, %ne3A_593 : vector<16xi32>
      %rem3A_595 = vector.broadcast %jit3A_574 : i32 to vector<16xi32>
      %rem3A_596 = arith.remsi %add3A_573, %rem3A_595 : vector<16xi32>
      %ne3A_597 = arith.constant 0 : i32
      %ne3A_598 = vector.broadcast %ne3A_597 : i32 to vector<16xi32>
      %ne3A_599 = arith.cmpi ne, %rem3A_596, %ne3A_598 : vector<16xi32>
      %and3A_600 = arith.andi %ne3A_594, %ne3A_599 : vector<16xi1>
      %sub3A_601 = arith.constant 1 : i32
      %sub3A_602 = vector.broadcast %sub3A_601 : i32 to vector<16xi32>
      %sub3A_603 = arith.subi %div3A_576, %sub3A_602 : vector<16xi32>
      %select_n3A_604 = arith.select %and3A_600, %sub3A_603, %div3A_576 : vector<16xi1>, vector<16xi32>
      %jit3A_605 = arith.constant 24 : i32
      %eq3A_606 = arith.constant 0 : i32
      %eq3A_607 = arith.cmpi eq, %jit3A_605, %eq3A_606 : i32
      %jit3A_608 = arith.constant 1 : i32
      %select_n3A_609 = arith.select %eq3A_607, %jit3A_608, %jit3A_605 : i32
      %rem3A_610 = vector.broadcast %select_n3A_609 : i32 to vector<16xi32>
      %rem3A_611 = arith.remsi %add3A_573, %rem3A_610 : vector<16xi32>
      %ne3A_612 = arith.constant 0 : i32
      %ne3A_613 = vector.broadcast %ne3A_612 : i32 to vector<16xi32>
      %ne3A_614 = arith.cmpi ne, %rem3A_611, %ne3A_613 : vector<16xi32>
      %lt3A_615 = arith.constant 0 : i32
      %lt3A_616 = vector.broadcast %lt3A_615 : i32 to vector<16xi32>
      %lt3A_617 = arith.cmpi slt, %rem3A_611, %lt3A_616 : vector<16xi32>
      %lt3A_618 = arith.constant 0 : i32
      %lt3A_619 = arith.cmpi slt, %select_n3A_609, %lt3A_618 : i32
      %ne3A_620 = vector.broadcast %lt3A_619 : i1 to vector<16xi1>
      %ne3A_621 = vector.broadcast %ne3A_620 : vector<16xi1> to vector<16xi1>
      %ne3A_622 = arith.xori %lt3A_617, %ne3A_621 : vector<16xi1>
      %and3A_623 = arith.andi %ne3A_622, %ne3A_614 : vector<16xi1>
      %add3A_624 = vector.broadcast %select_n3A_609 : i32 to vector<16xi32>
      %add3A_625 = arith.addi %rem3A_611, %add3A_624 : vector<16xi32>
      %select_n3A_626 = arith.select %and3A_623, %add3A_625, %rem3A_611 : vector<16xi1>, vector<16xi32>
      %gather3A_627 = tpu.vector_load_idx %arg11[%select_n3A_604, %select_n3A_626] : memref<512x24xi32, #tpu.memory_space<vmem>>[vector<16xi32>, vector<16xi32>], vector<16xi32>,
      %swap3A_628 = arith.index_cast %scan3A_264 : i32 to index
      %swap3A_629 = arith.constant 80 : index
      %swap3A_630 = tpu.vector_load %arg14[%swap3A_628, %swap3A_629] {strides = array<i32>} : memref<96x128xi32, #tpu.memory_space<vmem>>, vector<16xi32>,
      tpu.vector_store %arg14[%swap3A_628, %swap3A_629], %gather3A_627 {strides = array<i32>} : memref<96x128xi32, #tpu.memory_space<vmem>>, vector<16xi32>,
      %mul3A_631 = arith.constant 128 : i32
      %mul3A_632 = arith.muli %scan3A_264, %mul3A_631 : i32
      %add3A_633 = arith.constant 96 : i32
      %add3A_634 = arith.addi %mul3A_632, %add3A_633 : i32
      %add3A_635 = vector.broadcast %add3A_634 : i32 to vector<16xi32>
      %add3A_636 = arith.addi %add3A_635, %iota3A : vector<16xi32>
      %jit3A_637 = arith.constant 24 : i32
      %div3A_638 = vector.broadcast %jit3A_637 : i32 to vector<16xi32>
      %div3A_639 = arith.divsi %add3A_636, %div3A_638 : vector<16xi32>
      %sign3A_640 = arith.constant 0 : i32
      %sign3A_641 = vector.broadcast %sign3A_640 : i32 to vector<16xi32>
      %sign3A_642 = arith.cmpi sgt, %add3A_636, %sign3A_641 : vector<16xi32>
      %sign3A_643 = arith.extui %sign3A_642 : vector<16xi1> to vector<16xi32>
      %sign3A_644 = arith.constant 0 : i32
      %sign3A_645 = vector.broadcast %sign3A_644 : i32 to vector<16xi32>
      %sign3A_646 = arith.cmpi slt, %add3A_636, %sign3A_645 : vector<16xi32>
      %sign3A_647 = arith.extui %sign3A_646 : vector<16xi1> to vector<16xi32>
      %sign3A_648 = arith.subi %sign3A_643, %sign3A_647 : vector<16xi32>
      %sign3A_649 = arith.constant 0 : i32
      %sign3A_650 = arith.cmpi sgt, %jit3A_637, %sign3A_649 : i32
      %sign3A_651 = arith.extui %sign3A_650 : i1 to i32
      %sign3A_652 = arith.constant 0 : i32
      %sign3A_653 = arith.cmpi slt, %jit3A_637, %sign3A_652 : i32
      %sign3A_654 = arith.extui %sign3A_653 : i1 to i32
      %sign3A_655 = arith.subi %sign3A_651, %sign3A_654 : i32
      %ne3A_656 = vector.broadcast %sign3A_655 : i32 to vector<16xi32>
      %ne3A_657 = arith.cmpi ne, %sign3A_648, %ne3A_656 : vector<16xi32>
      %rem3A_658 = vector.broadcast %jit3A_637 : i32 to vector<16xi32>
      %rem3A_659 = arith.remsi %add3A_636, %rem3A_658 : vector<16xi32>
      %ne3A_660 = arith.constant 0 : i32
      %ne3A_661 = vector.broadcast %ne3A_660 : i32 to vector<16xi32>
      %ne3A_662 = arith.cmpi ne, %rem3A_659, %ne3A_661 : vector<16xi32>
      %and3A_663 = arith.andi %ne3A_657, %ne3A_662 : vector<16xi1>
      %sub3A_664 = arith.constant 1 : i32
      %sub3A_665 = vector.broadcast %sub3A_664 : i32 to vector<16xi32>
      %sub3A_666 = arith.subi %div3A_639, %sub3A_665 : vector<16xi32>
      %select_n3A_667 = arith.select %and3A_663, %sub3A_666, %div3A_639 : vector<16xi1>, vector<16xi32>
      %jit3A_668 = arith.constant 24 : i32
      %eq3A_669 = arith.constant 0 : i32
      %eq3A_670 = arith.cmpi eq, %jit3A_668, %eq3A_669 : i32
      %jit3A_671 = arith.constant 1 : i32
      %select_n3A_672 = arith.select %eq3A_670, %jit3A_671, %jit3A_668 : i32
      %rem3A_673 = vector.broadcast %select_n3A_672 : i32 to vector<16xi32>
      %rem3A_674 = arith.remsi %add3A_636, %rem3A_673 : vector<16xi32>
      %ne3A_675 = arith.constant 0 : i32
      %ne3A_676 = vector.broadcast %ne3A_675 : i32 to vector<16xi32>
      %ne3A_677 = arith.cmpi ne, %rem3A_674, %ne3A_676 : vector<16xi32>
      %lt3A_678 = arith.constant 0 : i32
      %lt3A_679 = vector.broadcast %lt3A_678 : i32 to vector<16xi32>
      %lt3A_680 = arith.cmpi slt, %rem3A_674, %lt3A_679 : vector<16xi32>
      %lt3A_681 = arith.constant 0 : i32
      %lt3A_682 = arith.cmpi slt, %select_n3A_672, %lt3A_681 : i32
      %ne3A_683 = vector.broadcast %lt3A_682 : i1 to vector<16xi1>
      %ne3A_684 = vector.broadcast %ne3A_683 : vector<16xi1> to vector<16xi1>
      %ne3A_685 = arith.xori %lt3A_680, %ne3A_684 : vector<16xi1>
      %and3A_686 = arith.andi %ne3A_685, %ne3A_677 : vector<16xi1>
      %add3A_687 = vector.broadcast %select_n3A_672 : i32 to vector<16xi32>
      %add3A_688 = arith.addi %rem3A_674, %add3A_687 : vector<16xi32>
      %select_n3A_689 = arith.select %and3A_686, %add3A_688, %rem3A_674 : vector<16xi1>, vector<16xi32>
      %gather3A_690 = tpu.vector_load_idx %arg11[%select_n3A_667, %select_n3A_689] : memref<512x24xi32, #tpu.memory_space<vmem>>[vector<16xi32>, vector<16xi32>], vector<16xi32>,
      %swap3A_691 = arith.index_cast %scan3A_264 : i32 to index
      %swap3A_692 = arith.constant 96 : index
      %swap3A_693 = tpu.vector_load %arg14[%swap3A_691, %swap3A_692] {strides = array<i32>} : memref<96x128xi32, #tpu.memory_space<vmem>>, vector<16xi32>,
      tpu.vector_store %arg14[%swap3A_691, %swap3A_692], %gather3A_690 {strides = array<i32>} : memref<96x128xi32, #tpu.memory_space<vmem>>, vector<16xi32>,
      %mul3A_694 = arith.constant 128 : i32
      %mul3A_695 = arith.muli %scan3A_264, %mul3A_694 : i32
      %add3A_696 = arith.constant 112 : i32
      %add3A_697 = arith.addi %mul3A_695, %add3A_696 : i32
      %add3A_698 = vector.broadcast %add3A_697 : i32 to vector<16xi32>
      %add3A_699 = arith.addi %add3A_698, %iota3A : vector<16xi32>
      %jit3A_700 = arith.constant 24 : i32
      %div3A_701 = vector.broadcast %jit3A_700 : i32 to vector<16xi32>
      %div3A_702 = arith.divsi %add3A_699, %div3A_701 : vector<16xi32>
      %sign3A_703 = arith.constant 0 : i32
      %sign3A_704 = vector.broadcast %sign3A_703 : i32 to vector<16xi32>
      %sign3A_705 = arith.cmpi sgt, %add3A_699, %sign3A_704 : vector<16xi32>
      %sign3A_706 = arith.extui %sign3A_705 : vector<16xi1> to vector<16xi32>
      %sign3A_707 = arith.constant 0 : i32
      %sign3A_708 = vector.broadcast %sign3A_707 : i32 to vector<16xi32>
      %sign3A_709 = arith.cmpi slt, %add3A_699, %sign3A_708 : vector<16xi32>
      %sign3A_710 = arith.extui %sign3A_709 : vector<16xi1> to vector<16xi32>
      %sign3A_711 = arith.subi %sign3A_706, %sign3A_710 : vector<16xi32>
      %sign3A_712 = arith.constant 0 : i32
      %sign3A_713 = arith.cmpi sgt, %jit3A_700, %sign3A_712 : i32
      %sign3A_714 = arith.extui %sign3A_713 : i1 to i32
      %sign3A_715 = arith.constant 0 : i32
      %sign3A_716 = arith.cmpi slt, %jit3A_700, %sign3A_715 : i32
      %sign3A_717 = arith.extui %sign3A_716 : i1 to i32
      %sign3A_718 = arith.subi %sign3A_714, %sign3A_717 : i32
      %ne3A_719 = vector.broadcast %sign3A_718 : i32 to vector<16xi32>
      %ne3A_720 = arith.cmpi ne, %sign3A_711, %ne3A_719 : vector<16xi32>
      %rem3A_721 = vector.broadcast %jit3A_700 : i32 to vector<16xi32>
      %rem3A_722 = arith.remsi %add3A_699, %rem3A_721 : vector<16xi32>
      %ne3A_723 = arith.constant 0 : i32
      %ne3A_724 = vector.broadcast %ne3A_723 : i32 to vector<16xi32>
      %ne3A_725 = arith.cmpi ne, %rem3A_722, %ne3A_724 : vector<16xi32>
      %and3A_726 = arith.andi %ne3A_720, %ne3A_725 : vector<16xi1>
      %sub3A_727 = arith.constant 1 : i32
      %sub3A_728 = vector.broadcast %sub3A_727 : i32 to vector<16xi32>
      %sub3A_729 = arith.subi %div3A_702, %sub3A_728 : vector<16xi32>
      %select_n3A_730 = arith.select %and3A_726, %sub3A_729, %div3A_702 : vector<16xi1>, vector<16xi32>
      %jit3A_731 = arith.constant 24 : i32
      %eq3A_732 = arith.constant 0 : i32
      %eq3A_733 = arith.cmpi eq, %jit3A_731, %eq3A_732 : i32
      %jit3A_734 = arith.constant 1 : i32
      %select_n3A_735 = arith.select %eq3A_733, %jit3A_734, %jit3A_731 : i32
      %rem3A_736 = vector.broadcast %select_n3A_735 : i32 to vector<16xi32>
      %rem3A_737 = arith.remsi %add3A_699, %rem3A_736 : vector<16xi32>
      %ne3A_738 = arith.constant 0 : i32
      %ne3A_739 = vector.broadcast %ne3A_738 : i32 to vector<16xi32>
      %ne3A_740 = arith.cmpi ne, %rem3A_737, %ne3A_739 : vector<16xi32>
      %lt3A_741 = arith.constant 0 : i32
      %lt3A_742 = vector.broadcast %lt3A_741 : i32 to vector<16xi32>
      %lt3A_743 = arith.cmpi slt, %rem3A_737, %lt3A_742 : vector<16xi32>
      %lt3A_744 = arith.constant 0 : i32
      %lt3A_745 = arith.cmpi slt, %select_n3A_735, %lt3A_744 : i32
      %ne3A_746 = vector.broadcast %lt3A_745 : i1 to vector<16xi1>
      %ne3A_747 = vector.broadcast %ne3A_746 : vector<16xi1> to vector<16xi1>
      %ne3A_748 = arith.xori %lt3A_743, %ne3A_747 : vector<16xi1>
      %and3A_749 = arith.andi %ne3A_748, %ne3A_740 : vector<16xi1>
      %add3A_750 = vector.broadcast %select_n3A_735 : i32 to vector<16xi32>
      %add3A_751 = arith.addi %rem3A_737, %add3A_750 : vector<16xi32>
      %select_n3A_752 = arith.select %and3A_749, %add3A_751, %rem3A_737 : vector<16xi1>, vector<16xi32>
      %gather3A_753 = tpu.vector_load_idx %arg11[%select_n3A_730, %select_n3A_752] : memref<512x24xi32, #tpu.memory_space<vmem>>[vector<16xi32>, vector<16xi32>], vector<16xi32>,
      %swap3A_754 = arith.index_cast %scan3A_264 : i32 to index
      %swap3A_755 = arith.constant 112 : index
      %swap3A_756 = tpu.vector_load %arg14[%swap3A_754, %swap3A_755] {strides = array<i32>} : memref<96x128xi32, #tpu.memory_space<vmem>>, vector<16xi32>,
      tpu.vector_store %arg14[%swap3A_754, %swap3A_755], %gather3A_753 {strides = array<i32>} : memref<96x128xi32, #tpu.memory_space<vmem>>, vector<16xi32>,
    }
    %scan3A_250 = arith.constant 96 : i32
    %scan3A_251 = arith.constant 0 : i32
    %scan3A_252 = arith.constant 5.000000e-02 : f32
    %scan3A_253 = arith.constant 0 : i32
    %scan3A_254 = arith.constant 16 : i32
    %scan3A_255 = arith.addi %scan3A_253, %scan3A_254 : i32
    %scan3A_256 = arith.constant 1 : i32
    scf.for %scan3A_264 = %scan3A_253 to %scan3A_255 step %scan3A_256  : i32 {
      %mul3A_265 = arith.constant 5 : i32
      %mul3A_266 = arith.muli %scan3A_264, %mul3A_265 : i32
      %add3A_267 = arith.constant 0 : i32
      %add3A_268 = arith.addi %mul3A_266, %add3A_267 : i32
      %dma_start3A_269 = arith.constant 0 : i32
      %dma_start3A_270 = arith.constant 0 : i32
      %dma_start3A_271 = tpu.memref_slice %arg17[%dma_start3A_269, %dma_start3A_270] : memref<640x32xf32, #tpu.memory_space<vmem>> -> memref<128x32xf32, #tpu.memory_space<vmem>>
      %dma_start3A_272 = arith.constant 0 : i32
      %dma_start3A_273 = tpu.memref_slice %arg15[%add3A_268, %dma_start3A_272] : memref<80x128xi32, #tpu.memory_space<vmem>> -> memref<1x128xi32, #tpu.memory_space<vmem>>
      %dma_start3A_274 = tpu.memref_squeeze %dma_start3A_273 : memref<1x128xi32, #tpu.memory_space<vmem>> -> memref<128xi32, #tpu.memory_space<vmem>>
      %dma_start3A_275 = arith.constant 0 : i32
      %dma_start3A_276 = arith.constant 0 : i32
      %dma_start3A_277 = tpu.memref_slice %arg4[%dma_start3A_275, %dma_start3A_276] : memref<1000000x32xf32, #tpu.memory_space<hbm>> -> memref<1000000x32xf32, #tpu.memory_space<hbm>>
      tpu.enqueue_indirect_dma source(%dma_start3A_277 : memref<1000000x32xf32, #tpu.memory_space<hbm>>) target(%dma_start3A_271 : memref<128x32xf32, #tpu.memory_space<vmem>>) offsets(%dma_start3A_274 : memref<128xi32, #tpu.memory_space<vmem>>) semaphore(%arg20 : memref<!tpu.dma_semaphore, #tpu.memory_space<semaphore_mem>>)
      %mul3A_278 = arith.constant 5 : i32
      %mul3A_279 = arith.muli %scan3A_264, %mul3A_278 : i32
      %add3A_280 = arith.constant 1 : i32
      %add3A_281 = arith.addi %mul3A_279, %add3A_280 : i32
      %dma_start3A_282 = arith.constant 128 : i32
      %dma_start3A_283 = arith.constant 0 : i32
      %dma_start3A_284 = tpu.memref_slice %arg17[%dma_start3A_282, %dma_start3A_283] : memref<640x32xf32, #tpu.memory_space<vmem>> -> memref<128x32xf32, #tpu.memory_space<vmem>>
      %dma_start3A_285 = arith.constant 0 : i32
      %dma_start3A_286 = tpu.memref_slice %arg15[%add3A_281, %dma_start3A_285] : memref<80x128xi32, #tpu.memory_space<vmem>> -> memref<1x128xi32, #tpu.memory_space<vmem>>
      %dma_start3A_287 = tpu.memref_squeeze %dma_start3A_286 : memref<1x128xi32, #tpu.memory_space<vmem>> -> memref<128xi32, #tpu.memory_space<vmem>>
      %dma_start3A_288 = arith.constant 0 : i32
      %dma_start3A_289 = arith.constant 0 : i32
      %dma_start3A_290 = tpu.memref_slice %arg4[%dma_start3A_288, %dma_start3A_289] : memref<1000000x32xf32, #tpu.memory_space<hbm>> -> memref<1000000x32xf32, #tpu.memory_space<hbm>>
      tpu.enqueue_indirect_dma source(%dma_start3A_290 : memref<1000000x32xf32, #tpu.memory_space<hbm>>) target(%dma_start3A_284 : memref<128x32xf32, #tpu.memory_space<vmem>>) offsets(%dma_start3A_287 : memref<128xi32, #tpu.memory_space<vmem>>) semaphore(%arg20 : memref<!tpu.dma_semaphore, #tpu.memory_space<semaphore_mem>>)
      %mul3A_291 = arith.constant 5 : i32
      %mul3A_292 = arith.muli %scan3A_264, %mul3A_291 : i32
      %add3A_293 = arith.constant 2 : i32
      %add3A_294 = arith.addi %mul3A_292, %add3A_293 : i32
      %dma_start3A_295 = arith.constant 256 : i32
      %dma_start3A_296 = arith.constant 0 : i32
      %dma_start3A_297 = tpu.memref_slice %arg17[%dma_start3A_295, %dma_start3A_296] : memref<640x32xf32, #tpu.memory_space<vmem>> -> memref<128x32xf32, #tpu.memory_space<vmem>>
      %dma_start3A_298 = arith.constant 0 : i32
      %dma_start3A_299 = tpu.memref_slice %arg15[%add3A_294, %dma_start3A_298] : memref<80x128xi32, #tpu.memory_space<vmem>> -> memref<1x128xi32, #tpu.memory_space<vmem>>
      %dma_start3A_300 = tpu.memref_squeeze %dma_start3A_299 : memref<1x128xi32, #tpu.memory_space<vmem>> -> memref<128xi32, #tpu.memory_space<vmem>>
      %dma_start3A_301 = arith.constant 0 : i32
      %dma_start3A_302 = arith.constant 0 : i32
      %dma_start3A_303 = tpu.memref_slice %arg4[%dma_start3A_301, %dma_start3A_302] : memref<1000000x32xf32, #tpu.memory_space<hbm>> -> memref<1000000x32xf32, #tpu.memory_space<hbm>>
      tpu.enqueue_indirect_dma source(%dma_start3A_303 : memref<1000000x32xf32, #tpu.memory_space<hbm>>) target(%dma_start3A_297 : memref<128x32xf32, #tpu.memory_space<vmem>>) offsets(%dma_start3A_300 : memref<128xi32, #tpu.memory_space<vmem>>) semaphore(%arg20 : memref<!tpu.dma_semaphore, #tpu.memory_space<semaphore_mem>>)
      %mul3A_304 = arith.constant 5 : i32
      %mul3A_305 = arith.muli %scan3A_264, %mul3A_304 : i32
      %add3A_306 = arith.constant 3 : i32
      %add3A_307 = arith.addi %mul3A_305, %add3A_306 : i32
      %dma_start3A_308 = arith.constant 384 : i32
      %dma_start3A_309 = arith.constant 0 : i32
      %dma_start3A_310 = tpu.memref_slice %arg17[%dma_start3A_308, %dma_start3A_309] : memref<640x32xf32, #tpu.memory_space<vmem>> -> memref<128x32xf32, #tpu.memory_space<vmem>>
      %dma_start3A_311 = arith.constant 0 : i32
      %dma_start3A_312 = tpu.memref_slice %arg15[%add3A_307, %dma_start3A_311] : memref<80x128xi32, #tpu.memory_space<vmem>> -> memref<1x128xi32, #tpu.memory_space<vmem>>
      %dma_start3A_313 = tpu.memref_squeeze %dma_start3A_312 : memref<1x128xi32, #tpu.memory_space<vmem>> -> memref<128xi32, #tpu.memory_space<vmem>>
      %dma_start3A_314 = arith.constant 0 : i32
      %dma_start3A_315 = arith.constant 0 : i32
      %dma_start3A_316 = tpu.memref_slice %arg4[%dma_start3A_314, %dma_start3A_315] : memref<1000000x32xf32, #tpu.memory_space<hbm>> -> memref<1000000x32xf32, #tpu.memory_space<hbm>>
      tpu.enqueue_indirect_dma source(%dma_start3A_316 : memref<1000000x32xf32, #tpu.memory_space<hbm>>) target(%dma_start3A_310 : memref<128x32xf32, #tpu.memory_space<vmem>>) offsets(%dma_start3A_313 : memref<128xi32, #tpu.memory_space<vmem>>) semaphore(%arg20 : memref<!tpu.dma_semaphore, #tpu.memory_space<semaphore_mem>>)
      %mul3A_317 = arith.constant 5 : i32
      %mul3A_318 = arith.muli %scan3A_264, %mul3A_317 : i32
      %add3A_319 = arith.constant 4 : i32
      %add3A_320 = arith.addi %mul3A_318, %add3A_319 : i32
      %dma_start3A_321 = arith.constant 512 : i32
      %dma_start3A_322 = arith.constant 0 : i32
      %dma_start3A_323 = tpu.memref_slice %arg17[%dma_start3A_321, %dma_start3A_322] : memref<640x32xf32, #tpu.memory_space<vmem>> -> memref<128x32xf32, #tpu.memory_space<vmem>>
      %dma_start3A_324 = arith.constant 0 : i32
      %dma_start3A_325 = tpu.memref_slice %arg15[%add3A_320, %dma_start3A_324] : memref<80x128xi32, #tpu.memory_space<vmem>> -> memref<1x128xi32, #tpu.memory_space<vmem>>
      %dma_start3A_326 = tpu.memref_squeeze %dma_start3A_325 : memref<1x128xi32, #tpu.memory_space<vmem>> -> memref<128xi32, #tpu.memory_space<vmem>>
      %dma_start3A_327 = arith.constant 0 : i32
      %dma_start3A_328 = arith.constant 0 : i32
      %dma_start3A_329 = tpu.memref_slice %arg4[%dma_start3A_327, %dma_start3A_328] : memref<1000000x32xf32, #tpu.memory_space<hbm>> -> memref<1000000x32xf32, #tpu.memory_space<hbm>>
      tpu.enqueue_indirect_dma source(%dma_start3A_329 : memref<1000000x32xf32, #tpu.memory_space<hbm>>) target(%dma_start3A_323 : memref<128x32xf32, #tpu.memory_space<vmem>>) offsets(%dma_start3A_326 : memref<128xi32, #tpu.memory_space<vmem>>) semaphore(%arg20 : memref<!tpu.dma_semaphore, #tpu.memory_space<semaphore_mem>>)
      %dma_wait3A_330 = arith.constant 0 : i32
      %dma_wait3A_331 = arith.constant 0 : i32
      %dma_wait3A_332 = tpu.memref_slice %arg17[%dma_wait3A_330, %dma_wait3A_331] : memref<640x32xf32, #tpu.memory_space<vmem>> -> memref<128x32xf32, #tpu.memory_space<vmem>>
      %dma_wait3A_333 = arith.constant 0 : i32
      %dma_wait3A_334 = tpu.memref_slice %arg15[%add3A_268, %dma_wait3A_333] : memref<80x128xi32, #tpu.memory_space<vmem>> -> memref<1x128xi32, #tpu.memory_space<vmem>>
      %dma_wait3A_335 = tpu.memref_squeeze %dma_wait3A_334 : memref<1x128xi32, #tpu.memory_space<vmem>> -> memref<128xi32, #tpu.memory_space<vmem>>
      %dma_wait3A_336 = arith.constant 0 : i32
      %dma_wait3A_337 = arith.constant 0 : i32
      %dma_wait3A_338 = tpu.memref_slice %arg4[%dma_wait3A_336, %dma_wait3A_337] : memref<1000000x32xf32, #tpu.memory_space<hbm>> -> memref<1000000x32xf32, #tpu.memory_space<hbm>>
      tpu.wait_indirect_dma semaphore(%arg20 : memref<!tpu.dma_semaphore, #tpu.memory_space<semaphore_mem>>) src(%dma_wait3A_338 : memref<1000000x32xf32, #tpu.memory_space<hbm>>) dst(%dma_wait3A_332 : memref<128x32xf32, #tpu.memory_space<vmem>>)
      %dma_wait3A_339 = arith.constant 128 : i32
      %dma_wait3A_340 = arith.constant 0 : i32
      %dma_wait3A_341 = tpu.memref_slice %arg17[%dma_wait3A_339, %dma_wait3A_340] : memref<640x32xf32, #tpu.memory_space<vmem>> -> memref<128x32xf32, #tpu.memory_space<vmem>>
      %dma_wait3A_342 = arith.constant 0 : i32
      %dma_wait3A_343 = tpu.memref_slice %arg15[%add3A_281, %dma_wait3A_342] : memref<80x128xi32, #tpu.memory_space<vmem>> -> memref<1x128xi32, #tpu.memory_space<vmem>>
      %dma_wait3A_344 = tpu.memref_squeeze %dma_wait3A_343 : memref<1x128xi32, #tpu.memory_space<vmem>> -> memref<128xi32, #tpu.memory_space<vmem>>
      %dma_wait3A_345 = arith.constant 0 : i32
      %dma_wait3A_346 = arith.constant 0 : i32
      %dma_wait3A_347 = tpu.memref_slice %arg4[%dma_wait3A_345, %dma_wait3A_346] : memref<1000000x32xf32, #tpu.memory_space<hbm>> -> memref<1000000x32xf32, #tpu.memory_space<hbm>>
      tpu.wait_indirect_dma semaphore(%arg20 : memref<!tpu.dma_semaphore, #tpu.memory_space<semaphore_mem>>) src(%dma_wait3A_347 : memref<1000000x32xf32, #tpu.memory_space<hbm>>) dst(%dma_wait3A_341 : memref<128x32xf32, #tpu.memory_space<vmem>>)
      %dma_wait3A_348 = arith.constant 256 : i32
      %dma_wait3A_349 = arith.constant 0 : i32
      %dma_wait3A_350 = tpu.memref_slice %arg17[%dma_wait3A_348, %dma_wait3A_349] : memref<640x32xf32, #tpu.memory_space<vmem>> -> memref<128x32xf32, #tpu.memory_space<vmem>>
      %dma_wait3A_351 = arith.constant 0 : i32
      %dma_wait3A_352 = tpu.memref_slice %arg15[%add3A_294, %dma_wait3A_351] : memref<80x128xi32, #tpu.memory_space<vmem>> -> memref<1x128xi32, #tpu.memory_space<vmem>>
      %dma_wait3A_353 = tpu.memref_squeeze %dma_wait3A_352 : memref<1x128xi32, #tpu.memory_space<vmem>> -> memref<128xi32, #tpu.memory_space<vmem>>
      %dma_wait3A_354 = arith.constant 0 : i32
      %dma_wait3A_355 = arith.constant 0 : i32
      %dma_wait3A_356 = tpu.memref_slice %arg4[%dma_wait3A_354, %dma_wait3A_355] : memref<1000000x32xf32, #tpu.memory_space<hbm>> -> memref<1000000x32xf32, #tpu.memory_space<hbm>>
      tpu.wait_indirect_dma semaphore(%arg20 : memref<!tpu.dma_semaphore, #tpu.memory_space<semaphore_mem>>) src(%dma_wait3A_356 : memref<1000000x32xf32, #tpu.memory_space<hbm>>) dst(%dma_wait3A_350 : memref<128x32xf32, #tpu.memory_space<vmem>>)
      %dma_wait3A_357 = arith.constant 384 : i32
      %dma_wait3A_358 = arith.constant 0 : i32
      %dma_wait3A_359 = tpu.memref_slice %arg17[%dma_wait3A_357, %dma_wait3A_358] : memref<640x32xf32, #tpu.memory_space<vmem>> -> memref<128x32xf32, #tpu.memory_space<vmem>>
      %dma_wait3A_360 = arith.constant 0 : i32
      %dma_wait3A_361 = tpu.memref_slice %arg15[%add3A_307, %dma_wait3A_360] : memref<80x128xi32, #tpu.memory_space<vmem>> -> memref<1x128xi32, #tpu.memory_space<vmem>>
      %dma_wait3A_362 = tpu.memref_squeeze %dma_wait3A_361 : memref<1x128xi32, #tpu.memory_space<vmem>> -> memref<128xi32, #tpu.memory_space<vmem>>
      %dma_wait3A_363 = arith.constant 0 : i32
      %dma_wait3A_364 = arith.constant 0 : i32
      %dma_wait3A_365 = tpu.memref_slice %arg4[%dma_wait3A_363, %dma_wait3A_364] : memref<1000000x32xf32, #tpu.memory_space<hbm>> -> memref<1000000x32xf32, #tpu.memory_space<hbm>>
      tpu.wait_indirect_dma semaphore(%arg20 : memref<!tpu.dma_semaphore, #tpu.memory_space<semaphore_mem>>) src(%dma_wait3A_365 : memref<1000000x32xf32, #tpu.memory_space<hbm>>) dst(%dma_wait3A_359 : memref<128x32xf32, #tpu.memory_space<vmem>>)
      %dma_wait3A_366 = arith.constant 512 : i32
      %dma_wait3A_367 = arith.constant 0 : i32
      %dma_wait3A_368 = tpu.memref_slice %arg17[%dma_wait3A_366, %dma_wait3A_367] : memref<640x32xf32, #tpu.memory_space<vmem>> -> memref<128x32xf32, #tpu.memory_space<vmem>>
      %dma_wait3A_369 = arith.constant 0 : i32
      %dma_wait3A_370 = tpu.memref_slice %arg15[%add3A_320, %dma_wait3A_369] : memref<80x128xi32, #tpu.memory_space<vmem>> -> memref<1x128xi32, #tpu.memory_space<vmem>>
      %dma_wait3A_371 = tpu.memref_squeeze %dma_wait3A_370 : memref<1x128xi32, #tpu.memory_space<vmem>> -> memref<128xi32, #tpu.memory_space<vmem>>
      %dma_wait3A_372 = arith.constant 0 : i32
      %dma_wait3A_373 = arith.constant 0 : i32
      %dma_wait3A_374 = tpu.memref_slice %arg4[%dma_wait3A_372, %dma_wait3A_373] : memref<1000000x32xf32, #tpu.memory_space<hbm>> -> memref<1000000x32xf32, #tpu.memory_space<hbm>>
      tpu.wait_indirect_dma semaphore(%arg20 : memref<!tpu.dma_semaphore, #tpu.memory_space<semaphore_mem>>) src(%dma_wait3A_374 : memref<1000000x32xf32, #tpu.memory_space<hbm>>) dst(%dma_wait3A_368 : memref<128x32xf32, #tpu.memory_space<vmem>>)
      %scan3A_375 = arith.constant 0 : i32
      %scan3A_376 = arith.constant 0 : i32
      %scan3A_377 = arith.constant 32 : i32
      %scan3A_378 = arith.addi %scan3A_376, %scan3A_377 : i32
      %scan3A_379 = arith.constant 1 : i32
      scf.for %scan3A_381 = %scan3A_376 to %scan3A_378 step %scan3A_379  : i32 {
        %mul3A_382 = arith.constant 20 : i32
        %mul3A_383 = arith.muli %scan3A_381, %mul3A_382 : i32
        %add3A_384 = arith.constant 0 : i32
        %add3A_385 = arith.addi %mul3A_383, %add3A_384 : i32
        %get3A = arith.index_cast %add3A_385 : i32 to index
        %get3A_386 = arith.constant 0 : index
        %get3A_387 = tpu.vector_load %arg17[%get3A, %get3A_386] {strides = array<i32>} : memref<640x32xf32, #tpu.memory_space<vmem>>, vector<16xf32>,
        %add3A_388 = arith.addf %broadcast_in_dim3A_3, %get3A_387 : vector<16xf32>
        %add3A_389 = arith.constant 0 : i32
        %add3A_390 = arith.addi %mul3A_383, %add3A_389 : i32
        %get3A_391 = arith.index_cast %add3A_390 : i32 to index
        %get3A_392 = arith.constant 16 : index
        %get3A_393 = tpu.vector_load %arg17[%get3A_391, %get3A_392] {strides = array<i32>} : memref<640x32xf32, #tpu.memory_space<vmem>>, vector<16xf32>,
        %add3A_394 = arith.addf %broadcast_in_dim3A_3, %get3A_393 : vector<16xf32>
        %add3A_395 = arith.constant 1 : i32
        %add3A_396 = arith.addi %mul3A_383, %add3A_395 : i32
        %get3A_397 = arith.index_cast %add3A_396 : i32 to index
        %get3A_398 = arith.constant 0 : index
        %get3A_399 = tpu.vector_load %arg17[%get3A_397, %get3A_398] {strides = array<i32>} : memref<640x32xf32, #tpu.memory_space<vmem>>, vector<16xf32>,
        %add3A_400 = arith.addf %add3A_388, %get3A_399 : vector<16xf32>
        %add3A_401 = arith.constant 1 : i32
        %add3A_402 = arith.addi %mul3A_383, %add3A_401 : i32
        %get3A_403 = arith.index_cast %add3A_402 : i32 to index
        %get3A_404 = arith.constant 16 : index
        %get3A_405 = tpu.vector_load %arg17[%get3A_403, %get3A_404] {strides = array<i32>} : memref<640x32xf32, #tpu.memory_space<vmem>>, vector<16xf32>,
        %add3A_406 = arith.addf %add3A_394, %get3A_405 : vector<16xf32>
        %add3A_407 = arith.constant 2 : i32
        %add3A_408 = arith.addi %mul3A_383, %add3A_407 : i32
        %get3A_409 = arith.index_cast %add3A_408 : i32 to index
        %get3A_410 = arith.constant 0 : index
        %get3A_411 = tpu.vector_load %arg17[%get3A_409, %get3A_410] {strides = array<i32>} : memref<640x32xf32, #tpu.memory_space<vmem>>, vector<16xf32>,
        %add3A_412 = arith.addf %add3A_400, %get3A_411 : vector<16xf32>
        %add3A_413 = arith.constant 2 : i32
        %add3A_414 = arith.addi %mul3A_383, %add3A_413 : i32
        %get3A_415 = arith.index_cast %add3A_414 : i32 to index
        %get3A_416 = arith.constant 16 : index
        %get3A_417 = tpu.vector_load %arg17[%get3A_415, %get3A_416] {strides = array<i32>} : memref<640x32xf32, #tpu.memory_space<vmem>>, vector<16xf32>,
        %add3A_418 = arith.addf %add3A_406, %get3A_417 : vector<16xf32>
        %add3A_419 = arith.constant 3 : i32
        %add3A_420 = arith.addi %mul3A_383, %add3A_419 : i32
        %get3A_421 = arith.index_cast %add3A_420 : i32 to index
        %get3A_422 = arith.constant 0 : index
        %get3A_423 = tpu.vector_load %arg17[%get3A_421, %get3A_422] {strides = array<i32>} : memref<640x32xf32, #tpu.memory_space<vmem>>, vector<16xf32>,
        %add3A_424 = arith.addf %add3A_412, %get3A_423 : vector<16xf32>
        %add3A_425 = arith.constant 3 : i32
        %add3A_426 = arith.addi %mul3A_383, %add3A_425 : i32
        %get3A_427 = arith.index_cast %add3A_426 : i32 to index
        %get3A_428 = arith.constant 16 : index
        %get3A_429 = tpu.vector_load %arg17[%get3A_427, %get3A_428] {strides = array<i32>} : memref<640x32xf32, #tpu.memory_space<vmem>>, vector<16xf32>,
        %add3A_430 = arith.addf %add3A_418, %get3A_429 : vector<16xf32>
        %add3A_431 = arith.constant 4 : i32
        %add3A_432 = arith.addi %mul3A_383, %add3A_431 : i32
        %get3A_433 = arith.index_cast %add3A_432 : i32 to index
        %get3A_434 = arith.constant 0 : index
        %get3A_435 = tpu.vector_load %arg17[%get3A_433, %get3A_434] {strides = array<i32>} : memref<640x32xf32, #tpu.memory_space<vmem>>, vector<16xf32>,
        %add3A_436 = arith.addf %add3A_424, %get3A_435 : vector<16xf32>
        %add3A_437 = arith.constant 4 : i32
        %add3A_438 = arith.addi %mul3A_383, %add3A_437 : i32
        %get3A_439 = arith.index_cast %add3A_438 : i32 to index
        %get3A_440 = arith.constant 16 : index
        %get3A_441 = tpu.vector_load %arg17[%get3A_439, %get3A_440] {strides = array<i32>} : memref<640x32xf32, #tpu.memory_space<vmem>>, vector<16xf32>,
        %add3A_442 = arith.addf %add3A_430, %get3A_441 : vector<16xf32>
        %add3A_443 = arith.constant 5 : i32
        %add3A_444 = arith.addi %mul3A_383, %add3A_443 : i32
        %get3A_445 = arith.index_cast %add3A_444 : i32 to index
        %get3A_446 = arith.constant 0 : index
        %get3A_447 = tpu.vector_load %arg17[%get3A_445, %get3A_446] {strides = array<i32>} : memref<640x32xf32, #tpu.memory_space<vmem>>, vector<16xf32>,
        %add3A_448 = arith.addf %add3A_436, %get3A_447 : vector<16xf32>
        %add3A_449 = arith.constant 5 : i32
        %add3A_450 = arith.addi %mul3A_383, %add3A_449 : i32
        %get3A_451 = arith.index_cast %add3A_450 : i32 to index
        %get3A_452 = arith.constant 16 : index
        %get3A_453 = tpu.vector_load %arg17[%get3A_451, %get3A_452] {strides = array<i32>} : memref<640x32xf32, #tpu.memory_space<vmem>>, vector<16xf32>,
        %add3A_454 = arith.addf %add3A_442, %get3A_453 : vector<16xf32>
        %add3A_455 = arith.constant 6 : i32
        %add3A_456 = arith.addi %mul3A_383, %add3A_455 : i32
        %get3A_457 = arith.index_cast %add3A_456 : i32 to index
        %get3A_458 = arith.constant 0 : index
        %get3A_459 = tpu.vector_load %arg17[%get3A_457, %get3A_458] {strides = array<i32>} : memref<640x32xf32, #tpu.memory_space<vmem>>, vector<16xf32>,
        %add3A_460 = arith.addf %add3A_448, %get3A_459 : vector<16xf32>
        %add3A_461 = arith.constant 6 : i32
        %add3A_462 = arith.addi %mul3A_383, %add3A_461 : i32
        %get3A_463 = arith.index_cast %add3A_462 : i32 to index
        %get3A_464 = arith.constant 16 : index
        %get3A_465 = tpu.vector_load %arg17[%get3A_463, %get3A_464] {strides = array<i32>} : memref<640x32xf32, #tpu.memory_space<vmem>>, vector<16xf32>,
        %add3A_466 = arith.addf %add3A_454, %get3A_465 : vector<16xf32>
        %add3A_467 = arith.constant 7 : i32
        %add3A_468 = arith.addi %mul3A_383, %add3A_467 : i32
        %get3A_469 = arith.index_cast %add3A_468 : i32 to index
        %get3A_470 = arith.constant 0 : index
        %get3A_471 = tpu.vector_load %arg17[%get3A_469, %get3A_470] {strides = array<i32>} : memref<640x32xf32, #tpu.memory_space<vmem>>, vector<16xf32>,
        %add3A_472 = arith.addf %add3A_460, %get3A_471 : vector<16xf32>
        %add3A_473 = arith.constant 7 : i32
        %add3A_474 = arith.addi %mul3A_383, %add3A_473 : i32
        %get3A_475 = arith.index_cast %add3A_474 : i32 to index
        %get3A_476 = arith.constant 16 : index
        %get3A_477 = tpu.vector_load %arg17[%get3A_475, %get3A_476] {strides = array<i32>} : memref<640x32xf32, #tpu.memory_space<vmem>>, vector<16xf32>,
        %add3A_478 = arith.addf %add3A_466, %get3A_477 : vector<16xf32>
        %add3A_479 = arith.constant 8 : i32
        %add3A_480 = arith.addi %mul3A_383, %add3A_479 : i32
        %get3A_481 = arith.index_cast %add3A_480 : i32 to index
        %get3A_482 = arith.constant 0 : index
        %get3A_483 = tpu.vector_load %arg17[%get3A_481, %get3A_482] {strides = array<i32>} : memref<640x32xf32, #tpu.memory_space<vmem>>, vector<16xf32>,
        %add3A_484 = arith.addf %add3A_472, %get3A_483 : vector<16xf32>
        %add3A_485 = arith.constant 8 : i32
        %add3A_486 = arith.addi %mul3A_383, %add3A_485 : i32
        %get3A_487 = arith.index_cast %add3A_486 : i32 to index
        %get3A_488 = arith.constant 16 : index
        %get3A_489 = tpu.vector_load %arg17[%get3A_487, %get3A_488] {strides = array<i32>} : memref<640x32xf32, #tpu.memory_space<vmem>>, vector<16xf32>,
        %add3A_490 = arith.addf %add3A_478, %get3A_489 : vector<16xf32>
        %add3A_491 = arith.constant 9 : i32
        %add3A_492 = arith.addi %mul3A_383, %add3A_491 : i32
        %get3A_493 = arith.index_cast %add3A_492 : i32 to index
        %get3A_494 = arith.constant 0 : index
        %get3A_495 = tpu.vector_load %arg17[%get3A_493, %get3A_494] {strides = array<i32>} : memref<640x32xf32, #tpu.memory_space<vmem>>, vector<16xf32>,
        %add3A_496 = arith.addf %add3A_484, %get3A_495 : vector<16xf32>
        %add3A_497 = arith.constant 9 : i32
        %add3A_498 = arith.addi %mul3A_383, %add3A_497 : i32
        %get3A_499 = arith.index_cast %add3A_498 : i32 to index
        %get3A_500 = arith.constant 16 : index
        %get3A_501 = tpu.vector_load %arg17[%get3A_499, %get3A_500] {strides = array<i32>} : memref<640x32xf32, #tpu.memory_space<vmem>>, vector<16xf32>,
        %add3A_502 = arith.addf %add3A_490, %get3A_501 : vector<16xf32>
        %add3A_503 = arith.constant 10 : i32
        %add3A_504 = arith.addi %mul3A_383, %add3A_503 : i32
        %get3A_505 = arith.index_cast %add3A_504 : i32 to index
        %get3A_506 = arith.constant 0 : index
        %get3A_507 = tpu.vector_load %arg17[%get3A_505, %get3A_506] {strides = array<i32>} : memref<640x32xf32, #tpu.memory_space<vmem>>, vector<16xf32>,
        %add3A_508 = arith.addf %add3A_496, %get3A_507 : vector<16xf32>
        %add3A_509 = arith.constant 10 : i32
        %add3A_510 = arith.addi %mul3A_383, %add3A_509 : i32
        %get3A_511 = arith.index_cast %add3A_510 : i32 to index
        %get3A_512 = arith.constant 16 : index
        %get3A_513 = tpu.vector_load %arg17[%get3A_511, %get3A_512] {strides = array<i32>} : memref<640x32xf32, #tpu.memory_space<vmem>>, vector<16xf32>,
        %add3A_514 = arith.addf %add3A_502, %get3A_513 : vector<16xf32>
        %add3A_515 = arith.constant 11 : i32
        %add3A_516 = arith.addi %mul3A_383, %add3A_515 : i32
        %get3A_517 = arith.index_cast %add3A_516 : i32 to index
        %get3A_518 = arith.constant 0 : index
        %get3A_519 = tpu.vector_load %arg17[%get3A_517, %get3A_518] {strides = array<i32>} : memref<640x32xf32, #tpu.memory_space<vmem>>, vector<16xf32>,
        %add3A_520 = arith.addf %add3A_508, %get3A_519 : vector<16xf32>
        %add3A_521 = arith.constant 11 : i32
        %add3A_522 = arith.addi %mul3A_383, %add3A_521 : i32
        %get3A_523 = arith.index_cast %add3A_522 : i32 to index
        %get3A_524 = arith.constant 16 : index
        %get3A_525 = tpu.vector_load %arg17[%get3A_523, %get3A_524] {strides = array<i32>} : memref<640x32xf32, #tpu.memory_space<vmem>>, vector<16xf32>,
        %add3A_526 = arith.addf %add3A_514, %get3A_525 : vector<16xf32>
        %add3A_527 = arith.constant 12 : i32
        %add3A_528 = arith.addi %mul3A_383, %add3A_527 : i32
        %get3A_529 = arith.index_cast %add3A_528 : i32 to index
        %get3A_530 = arith.constant 0 : index
        %get3A_531 = tpu.vector_load %arg17[%get3A_529, %get3A_530] {strides = array<i32>} : memref<640x32xf32, #tpu.memory_space<vmem>>, vector<16xf32>,
        %add3A_532 = arith.addf %add3A_520, %get3A_531 : vector<16xf32>
        %add3A_533 = arith.constant 12 : i32
        %add3A_534 = arith.addi %mul3A_383, %add3A_533 : i32
        %get3A_535 = arith.index_cast %add3A_534 : i32 to index
        %get3A_536 = arith.constant 16 : index
        %get3A_537 = tpu.vector_load %arg17[%get3A_535, %get3A_536] {strides = array<i32>} : memref<640x32xf32, #tpu.memory_space<vmem>>, vector<16xf32>,
        %add3A_538 = arith.addf %add3A_526, %get3A_537 : vector<16xf32>
        %add3A_539 = arith.constant 13 : i32
        %add3A_540 = arith.addi %mul3A_383, %add3A_539 : i32
        %get3A_541 = arith.index_cast %add3A_540 : i32 to index
        %get3A_542 = arith.constant 0 : index
        %get3A_543 = tpu.vector_load %arg17[%get3A_541, %get3A_542] {strides = array<i32>} : memref<640x32xf32, #tpu.memory_space<vmem>>, vector<16xf32>,
        %add3A_544 = arith.addf %add3A_532, %get3A_543 : vector<16xf32>
        %add3A_545 = arith.constant 13 : i32
        %add3A_546 = arith.addi %mul3A_383, %add3A_545 : i32
        %get3A_547 = arith.index_cast %add3A_546 : i32 to index
        %get3A_548 = arith.constant 16 : index
        %get3A_549 = tpu.vector_load %arg17[%get3A_547, %get3A_548] {strides = array<i32>} : memref<640x32xf32, #tpu.memory_space<vmem>>, vector<16xf32>,
        %add3A_550 = arith.addf %add3A_538, %get3A_549 : vector<16xf32>
        %add3A_551 = arith.constant 14 : i32
        %add3A_552 = arith.addi %mul3A_383, %add3A_551 : i32
        %get3A_553 = arith.index_cast %add3A_552 : i32 to index
        %get3A_554 = arith.constant 0 : index
        %get3A_555 = tpu.vector_load %arg17[%get3A_553, %get3A_554] {strides = array<i32>} : memref<640x32xf32, #tpu.memory_space<vmem>>, vector<16xf32>,
        %add3A_556 = arith.addf %add3A_544, %get3A_555 : vector<16xf32>
        %add3A_557 = arith.constant 14 : i32
        %add3A_558 = arith.addi %mul3A_383, %add3A_557 : i32
        %get3A_559 = arith.index_cast %add3A_558 : i32 to index
        %get3A_560 = arith.constant 16 : index
        %get3A_561 = tpu.vector_load %arg17[%get3A_559, %get3A_560] {strides = array<i32>} : memref<640x32xf32, #tpu.memory_space<vmem>>, vector<16xf32>,
        %add3A_562 = arith.addf %add3A_550, %get3A_561 : vector<16xf32>
        %add3A_563 = arith.constant 15 : i32
        %add3A_564 = arith.addi %mul3A_383, %add3A_563 : i32
        %get3A_565 = arith.index_cast %add3A_564 : i32 to index
        %get3A_566 = arith.constant 0 : index
        %get3A_567 = tpu.vector_load %arg17[%get3A_565, %get3A_566] {strides = array<i32>} : memref<640x32xf32, #tpu.memory_space<vmem>>, vector<16xf32>,
        %add3A_568 = arith.addf %add3A_556, %get3A_567 : vector<16xf32>
        %add3A_569 = arith.constant 15 : i32
        %add3A_570 = arith.addi %mul3A_383, %add3A_569 : i32
        %get3A_571 = arith.index_cast %add3A_570 : i32 to index
        %get3A_572 = arith.constant 16 : index
        %get3A_573 = tpu.vector_load %arg17[%get3A_571, %get3A_572] {strides = array<i32>} : memref<640x32xf32, #tpu.memory_space<vmem>>, vector<16xf32>,
        %add3A_574 = arith.addf %add3A_562, %get3A_573 : vector<16xf32>
        %add3A_575 = arith.constant 16 : i32
        %add3A_576 = arith.addi %mul3A_383, %add3A_575 : i32
        %get3A_577 = arith.index_cast %add3A_576 : i32 to index
        %get3A_578 = arith.constant 0 : index
        %get3A_579 = tpu.vector_load %arg17[%get3A_577, %get3A_578] {strides = array<i32>} : memref<640x32xf32, #tpu.memory_space<vmem>>, vector<16xf32>,
        %add3A_580 = arith.addf %add3A_568, %get3A_579 : vector<16xf32>
        %add3A_581 = arith.constant 16 : i32
        %add3A_582 = arith.addi %mul3A_383, %add3A_581 : i32
        %get3A_583 = arith.index_cast %add3A_582 : i32 to index
        %get3A_584 = arith.constant 16 : index
        %get3A_585 = tpu.vector_load %arg17[%get3A_583, %get3A_584] {strides = array<i32>} : memref<640x32xf32, #tpu.memory_space<vmem>>, vector<16xf32>,
        %add3A_586 = arith.addf %add3A_574, %get3A_585 : vector<16xf32>
        %add3A_587 = arith.constant 17 : i32
        %add3A_588 = arith.addi %mul3A_383, %add3A_587 : i32
        %get3A_589 = arith.index_cast %add3A_588 : i32 to index
        %get3A_590 = arith.constant 0 : index
        %get3A_591 = tpu.vector_load %arg17[%get3A_589, %get3A_590] {strides = array<i32>} : memref<640x32xf32, #tpu.memory_space<vmem>>, vector<16xf32>,
        %add3A_592 = arith.addf %add3A_580, %get3A_591 : vector<16xf32>
        %add3A_593 = arith.constant 17 : i32
        %add3A_594 = arith.addi %mul3A_383, %add3A_593 : i32
        %get3A_595 = arith.index_cast %add3A_594 : i32 to index
        %get3A_596 = arith.constant 16 : index
        %get3A_597 = tpu.vector_load %arg17[%get3A_595, %get3A_596] {strides = array<i32>} : memref<640x32xf32, #tpu.memory_space<vmem>>, vector<16xf32>,
        %add3A_598 = arith.addf %add3A_586, %get3A_597 : vector<16xf32>
        %add3A_599 = arith.constant 18 : i32
        %add3A_600 = arith.addi %mul3A_383, %add3A_599 : i32
        %get3A_601 = arith.index_cast %add3A_600 : i32 to index
        %get3A_602 = arith.constant 0 : index
        %get3A_603 = tpu.vector_load %arg17[%get3A_601, %get3A_602] {strides = array<i32>} : memref<640x32xf32, #tpu.memory_space<vmem>>, vector<16xf32>,
        %add3A_604 = arith.addf %add3A_592, %get3A_603 : vector<16xf32>
        %add3A_605 = arith.constant 18 : i32
        %add3A_606 = arith.addi %mul3A_383, %add3A_605 : i32
        %get3A_607 = arith.index_cast %add3A_606 : i32 to index
        %get3A_608 = arith.constant 16 : index
        %get3A_609 = tpu.vector_load %arg17[%get3A_607, %get3A_608] {strides = array<i32>} : memref<640x32xf32, #tpu.memory_space<vmem>>, vector<16xf32>,
        %add3A_610 = arith.addf %add3A_598, %get3A_609 : vector<16xf32>
        %add3A_611 = arith.constant 19 : i32
        %add3A_612 = arith.addi %mul3A_383, %add3A_611 : i32
        %get3A_613 = arith.index_cast %add3A_612 : i32 to index
        %get3A_614 = arith.constant 0 : index
        %get3A_615 = tpu.vector_load %arg17[%get3A_613, %get3A_614] {strides = array<i32>} : memref<640x32xf32, #tpu.memory_space<vmem>>, vector<16xf32>,
        %add3A_616 = arith.addf %add3A_604, %get3A_615 : vector<16xf32>
        %add3A_617 = arith.constant 19 : i32
        %add3A_618 = arith.addi %mul3A_383, %add3A_617 : i32
        %get3A_619 = arith.index_cast %add3A_618 : i32 to index
        %get3A_620 = arith.constant 16 : index
        %get3A_621 = tpu.vector_load %arg17[%get3A_619, %get3A_620] {strides = array<i32>} : memref<640x32xf32, #tpu.memory_space<vmem>>, vector<16xf32>,
        %add3A_622 = arith.addf %add3A_610, %get3A_621 : vector<16xf32>
        %mul3A_623 = arith.constant 32 : i32
        %mul3A_624 = arith.muli %scan3A_264, %mul3A_623 : i32
        %add3A_625 = arith.addi %mul3A_624, %scan3A_381 : i32
        %mul3A_626 = vector.broadcast %scan3A_252 : f32 to vector<16xf32>
        %mul3A_627 = arith.mulf %add3A_616, %mul3A_626 : vector<16xf32>
        %swap3A = arith.index_cast %add3A_625 : i32 to index
        %swap3A_628 = arith.constant 0 : index
        %swap3A_629 = tpu.vector_load %arg16[%swap3A, %swap3A_628] {strides = array<i32>} : memref<512x32xf32, #tpu.memory_space<vmem>>, vector<16xf32>,
        tpu.vector_store %arg16[%swap3A, %swap3A_628], %mul3A_627 {strides = array<i32>} : memref<512x32xf32, #tpu.memory_space<vmem>>, vector<16xf32>,
        %mul3A_630 = vector.broadcast %scan3A_252 : f32 to vector<16xf32>
        %mul3A_631 = arith.mulf %add3A_622, %mul3A_630 : vector<16xf32>
        %swap3A_632 = arith.index_cast %add3A_625 : i32 to index
        %swap3A_633 = arith.constant 16 : index
        %swap3A_634 = tpu.vector_load %arg16[%swap3A_632, %swap3A_633] {strides = array<i32>} : memref<512x32xf32, #tpu.memory_space<vmem>>, vector<16xf32>,
        tpu.vector_store %arg16[%swap3A_632, %swap3A_633], %mul3A_631 {strides = array<i32>} : memref<512x32xf32, #tpu.memory_space<vmem>>, vector<16xf32>,
      }
      %scan3A_380 = arith.constant 32 : i32
    }
    %scan3A_257 = arith.constant 16 : i32
    %scan3A_258 = arith.constant 0 : i32
    %scan3A_259 = arith.constant 0 : i32
    %scan3A_260 = arith.constant 16 : i32
    %scan3A_261 = arith.addi %scan3A_259, %scan3A_260 : i32
    %scan3A_262 = arith.constant 1 : i32
    scf.for %scan3A_264 = %scan3A_259 to %scan3A_261 step %scan3A_262  : i32 {
      %mul3A_265 = arith.constant 6 : i32
      %mul3A_266 = arith.muli %scan3A_264, %mul3A_265 : i32
      %add3A_267 = arith.constant 0 : i32
      %add3A_268 = arith.addi %mul3A_266, %add3A_267 : i32
      %dma_start3A_269 = arith.constant 0 : i32
      %dma_start3A_270 = arith.constant 0 : i32
      %dma_start3A_271 = tpu.memref_slice %arg18[%dma_start3A_269, %dma_start3A_270] : memref<768x32xf32, #tpu.memory_space<vmem>> -> memref<128x32xf32, #tpu.memory_space<vmem>>
      %dma_start3A_272 = arith.constant 0 : i32
      %dma_start3A_273 = tpu.memref_slice %arg14[%add3A_268, %dma_start3A_272] : memref<96x128xi32, #tpu.memory_space<vmem>> -> memref<1x128xi32, #tpu.memory_space<vmem>>
      %dma_start3A_274 = tpu.memref_squeeze %dma_start3A_273 : memref<1x128xi32, #tpu.memory_space<vmem>> -> memref<128xi32, #tpu.memory_space<vmem>>
      %dma_start3A_275 = arith.constant 0 : i32
      %dma_start3A_276 = arith.constant 0 : i32
      %dma_start3A_277 = tpu.memref_slice %arg5[%dma_start3A_275, %dma_start3A_276] : memref<999999x32xf32, #tpu.memory_space<hbm>> -> memref<999999x32xf32, #tpu.memory_space<hbm>>
      tpu.enqueue_indirect_dma source(%dma_start3A_277 : memref<999999x32xf32, #tpu.memory_space<hbm>>) target(%dma_start3A_271 : memref<128x32xf32, #tpu.memory_space<vmem>>) offsets(%dma_start3A_274 : memref<128xi32, #tpu.memory_space<vmem>>) semaphore(%arg20 : memref<!tpu.dma_semaphore, #tpu.memory_space<semaphore_mem>>)
      %mul3A_278 = arith.constant 6 : i32
      %mul3A_279 = arith.muli %scan3A_264, %mul3A_278 : i32
      %add3A_280 = arith.constant 1 : i32
      %add3A_281 = arith.addi %mul3A_279, %add3A_280 : i32
      %dma_start3A_282 = arith.constant 128 : i32
      %dma_start3A_283 = arith.constant 0 : i32
      %dma_start3A_284 = tpu.memref_slice %arg18[%dma_start3A_282, %dma_start3A_283] : memref<768x32xf32, #tpu.memory_space<vmem>> -> memref<128x32xf32, #tpu.memory_space<vmem>>
      %dma_start3A_285 = arith.constant 0 : i32
      %dma_start3A_286 = tpu.memref_slice %arg14[%add3A_281, %dma_start3A_285] : memref<96x128xi32, #tpu.memory_space<vmem>> -> memref<1x128xi32, #tpu.memory_space<vmem>>
      %dma_start3A_287 = tpu.memref_squeeze %dma_start3A_286 : memref<1x128xi32, #tpu.memory_space<vmem>> -> memref<128xi32, #tpu.memory_space<vmem>>
      %dma_start3A_288 = arith.constant 0 : i32
      %dma_start3A_289 = arith.constant 0 : i32
      %dma_start3A_290 = tpu.memref_slice %arg5[%dma_start3A_288, %dma_start3A_289] : memref<999999x32xf32, #tpu.memory_space<hbm>> -> memref<999999x32xf32, #tpu.memory_space<hbm>>
      tpu.enqueue_indirect_dma source(%dma_start3A_290 : memref<999999x32xf32, #tpu.memory_space<hbm>>) target(%dma_start3A_284 : memref<128x32xf32, #tpu.memory_space<vmem>>) offsets(%dma_start3A_287 : memref<128xi32, #tpu.memory_space<vmem>>) semaphore(%arg20 : memref<!tpu.dma_semaphore, #tpu.memory_space<semaphore_mem>>)
      %mul3A_291 = arith.constant 6 : i32
      %mul3A_292 = arith.muli %scan3A_264, %mul3A_291 : i32
      %add3A_293 = arith.constant 2 : i32
      %add3A_294 = arith.addi %mul3A_292, %add3A_293 : i32
      %dma_start3A_295 = arith.constant 256 : i32
      %dma_start3A_296 = arith.constant 0 : i32
      %dma_start3A_297 = tpu.memref_slice %arg18[%dma_start3A_295, %dma_start3A_296] : memref<768x32xf32, #tpu.memory_space<vmem>> -> memref<128x32xf32, #tpu.memory_space<vmem>>
      %dma_start3A_298 = arith.constant 0 : i32
      %dma_start3A_299 = tpu.memref_slice %arg14[%add3A_294, %dma_start3A_298] : memref<96x128xi32, #tpu.memory_space<vmem>> -> memref<1x128xi32, #tpu.memory_space<vmem>>
      %dma_start3A_300 = tpu.memref_squeeze %dma_start3A_299 : memref<1x128xi32, #tpu.memory_space<vmem>> -> memref<128xi32, #tpu.memory_space<vmem>>
      %dma_start3A_301 = arith.constant 0 : i32
      %dma_start3A_302 = arith.constant 0 : i32
      %dma_start3A_303 = tpu.memref_slice %arg5[%dma_start3A_301, %dma_start3A_302] : memref<999999x32xf32, #tpu.memory_space<hbm>> -> memref<999999x32xf32, #tpu.memory_space<hbm>>
      tpu.enqueue_indirect_dma source(%dma_start3A_303 : memref<999999x32xf32, #tpu.memory_space<hbm>>) target(%dma_start3A_297 : memref<128x32xf32, #tpu.memory_space<vmem>>) offsets(%dma_start3A_300 : memref<128xi32, #tpu.memory_space<vmem>>) semaphore(%arg20 : memref<!tpu.dma_semaphore, #tpu.memory_space<semaphore_mem>>)
      %mul3A_304 = arith.constant 6 : i32
      %mul3A_305 = arith.muli %scan3A_264, %mul3A_304 : i32
      %add3A_306 = arith.constant 3 : i32
      %add3A_307 = arith.addi %mul3A_305, %add3A_306 : i32
      %dma_start3A_308 = arith.constant 384 : i32
      %dma_start3A_309 = arith.constant 0 : i32
      %dma_start3A_310 = tpu.memref_slice %arg18[%dma_start3A_308, %dma_start3A_309] : memref<768x32xf32, #tpu.memory_space<vmem>> -> memref<128x32xf32, #tpu.memory_space<vmem>>
      %dma_start3A_311 = arith.constant 0 : i32
      %dma_start3A_312 = tpu.memref_slice %arg14[%add3A_307, %dma_start3A_311] : memref<96x128xi32, #tpu.memory_space<vmem>> -> memref<1x128xi32, #tpu.memory_space<vmem>>
      %dma_start3A_313 = tpu.memref_squeeze %dma_start3A_312 : memref<1x128xi32, #tpu.memory_space<vmem>> -> memref<128xi32, #tpu.memory_space<vmem>>
      %dma_start3A_314 = arith.constant 0 : i32
      %dma_start3A_315 = arith.constant 0 : i32
      %dma_start3A_316 = tpu.memref_slice %arg5[%dma_start3A_314, %dma_start3A_315] : memref<999999x32xf32, #tpu.memory_space<hbm>> -> memref<999999x32xf32, #tpu.memory_space<hbm>>
      tpu.enqueue_indirect_dma source(%dma_start3A_316 : memref<999999x32xf32, #tpu.memory_space<hbm>>) target(%dma_start3A_310 : memref<128x32xf32, #tpu.memory_space<vmem>>) offsets(%dma_start3A_313 : memref<128xi32, #tpu.memory_space<vmem>>) semaphore(%arg20 : memref<!tpu.dma_semaphore, #tpu.memory_space<semaphore_mem>>)
      %mul3A_317 = arith.constant 6 : i32
      %mul3A_318 = arith.muli %scan3A_264, %mul3A_317 : i32
      %add3A_319 = arith.constant 4 : i32
      %add3A_320 = arith.addi %mul3A_318, %add3A_319 : i32
      %dma_start3A_321 = arith.constant 512 : i32
      %dma_start3A_322 = arith.constant 0 : i32
      %dma_start3A_323 = tpu.memref_slice %arg18[%dma_start3A_321, %dma_start3A_322] : memref<768x32xf32, #tpu.memory_space<vmem>> -> memref<128x32xf32, #tpu.memory_space<vmem>>
      %dma_start3A_324 = arith.constant 0 : i32
      %dma_start3A_325 = tpu.memref_slice %arg14[%add3A_320, %dma_start3A_324] : memref<96x128xi32, #tpu.memory_space<vmem>> -> memref<1x128xi32, #tpu.memory_space<vmem>>
      %dma_start3A_326 = tpu.memref_squeeze %dma_start3A_325 : memref<1x128xi32, #tpu.memory_space<vmem>> -> memref<128xi32, #tpu.memory_space<vmem>>
      %dma_start3A_327 = arith.constant 0 : i32
      %dma_start3A_328 = arith.constant 0 : i32
      %dma_start3A_329 = tpu.memref_slice %arg5[%dma_start3A_327, %dma_start3A_328] : memref<999999x32xf32, #tpu.memory_space<hbm>> -> memref<999999x32xf32, #tpu.memory_space<hbm>>
      tpu.enqueue_indirect_dma source(%dma_start3A_329 : memref<999999x32xf32, #tpu.memory_space<hbm>>) target(%dma_start3A_323 : memref<128x32xf32, #tpu.memory_space<vmem>>) offsets(%dma_start3A_326 : memref<128xi32, #tpu.memory_space<vmem>>) semaphore(%arg20 : memref<!tpu.dma_semaphore, #tpu.memory_space<semaphore_mem>>)
      %mul3A_330 = arith.constant 6 : i32
      %mul3A_331 = arith.muli %scan3A_264, %mul3A_330 : i32
      %add3A_332 = arith.constant 5 : i32
      %add3A_333 = arith.addi %mul3A_331, %add3A_332 : i32
      %dma_start3A_334 = arith.constant 640 : i32
      %dma_start3A_335 = arith.constant 0 : i32
      %dma_start3A_336 = tpu.memref_slice %arg18[%dma_start3A_334, %dma_start3A_335] : memref<768x32xf32, #tpu.memory_space<vmem>> -> memref<128x32xf32, #tpu.memory_space<vmem>>
      %dma_start3A_337 = arith.constant 0 : i32
      %dma_start3A_338 = tpu.memref_slice %arg14[%add3A_333, %dma_start3A_337] : memref<96x128xi32, #tpu.memory_space<vmem>> -> memref<1x128xi32, #tpu.memory_space<vmem>>
      %dma_start3A_339 = tpu.memref_squeeze %dma_start3A_338 : memref<1x128xi32, #tpu.memory_space<vmem>> -> memref<128xi32, #tpu.memory_space<vmem>>
      %dma_start3A_340 = arith.constant 0 : i32
      %dma_start3A_341 = arith.constant 0 : i32
      %dma_start3A_342 = tpu.memref_slice %arg5[%dma_start3A_340, %dma_start3A_341] : memref<999999x32xf32, #tpu.memory_space<hbm>> -> memref<999999x32xf32, #tpu.memory_space<hbm>>
      tpu.enqueue_indirect_dma source(%dma_start3A_342 : memref<999999x32xf32, #tpu.memory_space<hbm>>) target(%dma_start3A_336 : memref<128x32xf32, #tpu.memory_space<vmem>>) offsets(%dma_start3A_339 : memref<128xi32, #tpu.memory_space<vmem>>) semaphore(%arg20 : memref<!tpu.dma_semaphore, #tpu.memory_space<semaphore_mem>>)
      %dma_wait3A_343 = arith.constant 0 : i32
      %dma_wait3A_344 = arith.constant 0 : i32
      %dma_wait3A_345 = tpu.memref_slice %arg18[%dma_wait3A_343, %dma_wait3A_344] : memref<768x32xf32, #tpu.memory_space<vmem>> -> memref<128x32xf32, #tpu.memory_space<vmem>>
      %dma_wait3A_346 = arith.constant 0 : i32
      %dma_wait3A_347 = tpu.memref_slice %arg14[%add3A_268, %dma_wait3A_346] : memref<96x128xi32, #tpu.memory_space<vmem>> -> memref<1x128xi32, #tpu.memory_space<vmem>>
      %dma_wait3A_348 = tpu.memref_squeeze %dma_wait3A_347 : memref<1x128xi32, #tpu.memory_space<vmem>> -> memref<128xi32, #tpu.memory_space<vmem>>
      %dma_wait3A_349 = arith.constant 0 : i32
      %dma_wait3A_350 = arith.constant 0 : i32
      %dma_wait3A_351 = tpu.memref_slice %arg5[%dma_wait3A_349, %dma_wait3A_350] : memref<999999x32xf32, #tpu.memory_space<hbm>> -> memref<999999x32xf32, #tpu.memory_space<hbm>>
      tpu.wait_indirect_dma semaphore(%arg20 : memref<!tpu.dma_semaphore, #tpu.memory_space<semaphore_mem>>) src(%dma_wait3A_351 : memref<999999x32xf32, #tpu.memory_space<hbm>>) dst(%dma_wait3A_345 : memref<128x32xf32, #tpu.memory_space<vmem>>)
      %dma_wait3A_352 = arith.constant 128 : i32
      %dma_wait3A_353 = arith.constant 0 : i32
      %dma_wait3A_354 = tpu.memref_slice %arg18[%dma_wait3A_352, %dma_wait3A_353] : memref<768x32xf32, #tpu.memory_space<vmem>> -> memref<128x32xf32, #tpu.memory_space<vmem>>
      %dma_wait3A_355 = arith.constant 0 : i32
      %dma_wait3A_356 = tpu.memref_slice %arg14[%add3A_281, %dma_wait3A_355] : memref<96x128xi32, #tpu.memory_space<vmem>> -> memref<1x128xi32, #tpu.memory_space<vmem>>
      %dma_wait3A_357 = tpu.memref_squeeze %dma_wait3A_356 : memref<1x128xi32, #tpu.memory_space<vmem>> -> memref<128xi32, #tpu.memory_space<vmem>>
      %dma_wait3A_358 = arith.constant 0 : i32
      %dma_wait3A_359 = arith.constant 0 : i32
      %dma_wait3A_360 = tpu.memref_slice %arg5[%dma_wait3A_358, %dma_wait3A_359] : memref<999999x32xf32, #tpu.memory_space<hbm>> -> memref<999999x32xf32, #tpu.memory_space<hbm>>
      tpu.wait_indirect_dma semaphore(%arg20 : memref<!tpu.dma_semaphore, #tpu.memory_space<semaphore_mem>>) src(%dma_wait3A_360 : memref<999999x32xf32, #tpu.memory_space<hbm>>) dst(%dma_wait3A_354 : memref<128x32xf32, #tpu.memory_space<vmem>>)
      %dma_wait3A_361 = arith.constant 256 : i32
      %dma_wait3A_362 = arith.constant 0 : i32
      %dma_wait3A_363 = tpu.memref_slice %arg18[%dma_wait3A_361, %dma_wait3A_362] : memref<768x32xf32, #tpu.memory_space<vmem>> -> memref<128x32xf32, #tpu.memory_space<vmem>>
      %dma_wait3A_364 = arith.constant 0 : i32
      %dma_wait3A_365 = tpu.memref_slice %arg14[%add3A_294, %dma_wait3A_364] : memref<96x128xi32, #tpu.memory_space<vmem>> -> memref<1x128xi32, #tpu.memory_space<vmem>>
      %dma_wait3A_366 = tpu.memref_squeeze %dma_wait3A_365 : memref<1x128xi32, #tpu.memory_space<vmem>> -> memref<128xi32, #tpu.memory_space<vmem>>
      %dma_wait3A_367 = arith.constant 0 : i32
      %dma_wait3A_368 = arith.constant 0 : i32
      %dma_wait3A_369 = tpu.memref_slice %arg5[%dma_wait3A_367, %dma_wait3A_368] : memref<999999x32xf32, #tpu.memory_space<hbm>> -> memref<999999x32xf32, #tpu.memory_space<hbm>>
      tpu.wait_indirect_dma semaphore(%arg20 : memref<!tpu.dma_semaphore, #tpu.memory_space<semaphore_mem>>) src(%dma_wait3A_369 : memref<999999x32xf32, #tpu.memory_space<hbm>>) dst(%dma_wait3A_363 : memref<128x32xf32, #tpu.memory_space<vmem>>)
      %dma_wait3A_370 = arith.constant 384 : i32
      %dma_wait3A_371 = arith.constant 0 : i32
      %dma_wait3A_372 = tpu.memref_slice %arg18[%dma_wait3A_370, %dma_wait3A_371] : memref<768x32xf32, #tpu.memory_space<vmem>> -> memref<128x32xf32, #tpu.memory_space<vmem>>
      %dma_wait3A_373 = arith.constant 0 : i32
      %dma_wait3A_374 = tpu.memref_slice %arg14[%add3A_307, %dma_wait3A_373] : memref<96x128xi32, #tpu.memory_space<vmem>> -> memref<1x128xi32, #tpu.memory_space<vmem>>
      %dma_wait3A_375 = tpu.memref_squeeze %dma_wait3A_374 : memref<1x128xi32, #tpu.memory_space<vmem>> -> memref<128xi32, #tpu.memory_space<vmem>>
      %dma_wait3A_376 = arith.constant 0 : i32
      %dma_wait3A_377 = arith.constant 0 : i32
      %dma_wait3A_378 = tpu.memref_slice %arg5[%dma_wait3A_376, %dma_wait3A_377] : memref<999999x32xf32, #tpu.memory_space<hbm>> -> memref<999999x32xf32, #tpu.memory_space<hbm>>
      tpu.wait_indirect_dma semaphore(%arg20 : memref<!tpu.dma_semaphore, #tpu.memory_space<semaphore_mem>>) src(%dma_wait3A_378 : memref<999999x32xf32, #tpu.memory_space<hbm>>) dst(%dma_wait3A_372 : memref<128x32xf32, #tpu.memory_space<vmem>>)
      %dma_wait3A_379 = arith.constant 512 : i32
      %dma_wait3A_380 = arith.constant 0 : i32
      %dma_wait3A_381 = tpu.memref_slice %arg18[%dma_wait3A_379, %dma_wait3A_380] : memref<768x32xf32, #tpu.memory_space<vmem>> -> memref<128x32xf32, #tpu.memory_space<vmem>>
      %dma_wait3A_382 = arith.constant 0 : i32
      %dma_wait3A_383 = tpu.memref_slice %arg14[%add3A_320, %dma_wait3A_382] : memref<96x128xi32, #tpu.memory_space<vmem>> -> memref<1x128xi32, #tpu.memory_space<vmem>>
      %dma_wait3A_384 = tpu.memref_squeeze %dma_wait3A_383 : memref<1x128xi32, #tpu.memory_space<vmem>> -> memref<128xi32, #tpu.memory_space<vmem>>
      %dma_wait3A_385 = arith.constant 0 : i32
      %dma_wait3A_386 = arith.constant 0 : i32
      %dma_wait3A_387 = tpu.memref_slice %arg5[%dma_wait3A_385, %dma_wait3A_386] : memref<999999x32xf32, #tpu.memory_space<hbm>> -> memref<999999x32xf32, #tpu.memory_space<hbm>>
      tpu.wait_indirect_dma semaphore(%arg20 : memref<!tpu.dma_semaphore, #tpu.memory_space<semaphore_mem>>) src(%dma_wait3A_387 : memref<999999x32xf32, #tpu.memory_space<hbm>>) dst(%dma_wait3A_381 : memref<128x32xf32, #tpu.memory_space<vmem>>)
      %dma_wait3A_388 = arith.constant 640 : i32
      %dma_wait3A_389 = arith.constant 0 : i32
      %dma_wait3A_390 = tpu.memref_slice %arg18[%dma_wait3A_388, %dma_wait3A_389] : memref<768x32xf32, #tpu.memory_space<vmem>> -> memref<128x32xf32, #tpu.memory_space<vmem>>
      %dma_wait3A_391 = arith.constant 0 : i32
      %dma_wait3A_392 = tpu.memref_slice %arg14[%add3A_333, %dma_wait3A_391] : memref<96x128xi32, #tpu.memory_space<vmem>> -> memref<1x128xi32, #tpu.memory_space<vmem>>
      %dma_wait3A_393 = tpu.memref_squeeze %dma_wait3A_392 : memref<1x128xi32, #tpu.memory_space<vmem>> -> memref<128xi32, #tpu.memory_space<vmem>>
      %dma_wait3A_394 = arith.constant 0 : i32
      %dma_wait3A_395 = arith.constant 0 : i32
      %dma_wait3A_396 = tpu.memref_slice %arg5[%dma_wait3A_394, %dma_wait3A_395] : memref<999999x32xf32, #tpu.memory_space<hbm>> -> memref<999999x32xf32, #tpu.memory_space<hbm>>
      tpu.wait_indirect_dma semaphore(%arg20 : memref<!tpu.dma_semaphore, #tpu.memory_space<semaphore_mem>>) src(%dma_wait3A_396 : memref<999999x32xf32, #tpu.memory_space<hbm>>) dst(%dma_wait3A_390 : memref<128x32xf32, #tpu.memory_space<vmem>>)
      %mul3A_397 = arith.constant 32 : i32
      %mul3A_398 = arith.muli %scan3A_264, %mul3A_397 : i32
      %add3A_399 = arith.constant 0 : i32
      %add3A_400 = arith.addi %mul3A_398, %add3A_399 : i32
      %add3A_401 = vector.broadcast %add3A_400 : i32 to vector<16xi32>
      %add3A_402 = arith.addi %add3A_401, %iota3A : vector<16xi32>
      %jit3A = arith.constant 128 : i32
      %div3A = vector.broadcast %jit3A : i32 to vector<16xi32>
      %div3A_403 = arith.divsi %add3A_402, %div3A : vector<16xi32>
      %sign3A = arith.constant 0 : i32
      %sign3A_404 = vector.broadcast %sign3A : i32 to vector<16xi32>
      %sign3A_405 = arith.cmpi sgt, %add3A_402, %sign3A_404 : vector<16xi32>
      %sign3A_406 = arith.extui %sign3A_405 : vector<16xi1> to vector<16xi32>
      %sign3A_407 = arith.constant 0 : i32
      %sign3A_408 = vector.broadcast %sign3A_407 : i32 to vector<16xi32>
      %sign3A_409 = arith.cmpi slt, %add3A_402, %sign3A_408 : vector<16xi32>
      %sign3A_410 = arith.extui %sign3A_409 : vector<16xi1> to vector<16xi32>
      %sign3A_411 = arith.subi %sign3A_406, %sign3A_410 : vector<16xi32>
      %sign3A_412 = arith.constant 0 : i32
      %sign3A_413 = arith.cmpi sgt, %jit3A, %sign3A_412 : i32
      %sign3A_414 = arith.extui %sign3A_413 : i1 to i32
      %sign3A_415 = arith.constant 0 : i32
      %sign3A_416 = arith.cmpi slt, %jit3A, %sign3A_415 : i32
      %sign3A_417 = arith.extui %sign3A_416 : i1 to i32
      %sign3A_418 = arith.subi %sign3A_414, %sign3A_417 : i32
      %ne3A = vector.broadcast %sign3A_418 : i32 to vector<16xi32>
      %ne3A_419 = arith.cmpi ne, %sign3A_411, %ne3A : vector<16xi32>
      %rem3A = vector.broadcast %jit3A : i32 to vector<16xi32>
      %rem3A_420 = arith.remsi %add3A_402, %rem3A : vector<16xi32>
      %ne3A_421 = arith.constant 0 : i32
      %ne3A_422 = vector.broadcast %ne3A_421 : i32 to vector<16xi32>
      %ne3A_423 = arith.cmpi ne, %rem3A_420, %ne3A_422 : vector<16xi32>
      %and3A = arith.andi %ne3A_419, %ne3A_423 : vector<16xi1>
      %sub3A = arith.constant 1 : i32
      %sub3A_424 = vector.broadcast %sub3A : i32 to vector<16xi32>
      %sub3A_425 = arith.subi %div3A_403, %sub3A_424 : vector<16xi32>
      %select_n3A = arith.select %and3A, %sub3A_425, %div3A_403 : vector<16xi1>, vector<16xi32>
      %jit3A_426 = arith.constant 128 : i32
      %eq3A = arith.constant 0 : i32
      %eq3A_427 = arith.cmpi eq, %jit3A_426, %eq3A : i32
      %jit3A_428 = arith.constant 1 : i32
      %select_n3A_429 = arith.select %eq3A_427, %jit3A_428, %jit3A_426 : i32
      %rem3A_430 = vector.broadcast %select_n3A_429 : i32 to vector<16xi32>
      %rem3A_431 = arith.remsi %add3A_402, %rem3A_430 : vector<16xi32>
      %ne3A_432 = arith.constant 0 : i32
      %ne3A_433 = vector.broadcast %ne3A_432 : i32 to vector<16xi32>
      %ne3A_434 = arith.cmpi ne, %rem3A_431, %ne3A_433 : vector<16xi32>
      %lt3A = arith.constant 0 : i32
      %lt3A_435 = vector.broadcast %lt3A : i32 to vector<16xi32>
      %lt3A_436 = arith.cmpi slt, %rem3A_431, %lt3A_435 : vector<16xi32>
      %lt3A_437 = arith.constant 0 : i32
      %lt3A_438 = arith.cmpi slt, %select_n3A_429, %lt3A_437 : i32
      %ne3A_439 = vector.broadcast %lt3A_438 : i1 to vector<16xi1>
      %ne3A_440 = vector.broadcast %ne3A_439 : vector<16xi1> to vector<16xi1>
      %ne3A_441 = arith.xori %lt3A_436, %ne3A_440 : vector<16xi1>
      %and3A_442 = arith.andi %ne3A_441, %ne3A_434 : vector<16xi1>
      %add3A_443 = vector.broadcast %select_n3A_429 : i32 to vector<16xi32>
      %add3A_444 = arith.addi %rem3A_431, %add3A_443 : vector<16xi32>
      %select_n3A_445 = arith.select %and3A_442, %add3A_444, %rem3A_431 : vector<16xi1>, vector<16xi32>
      %gather3A = tpu.vector_load_idx %arg13[%select_n3A, %select_n3A_445] : memref<4x128xi32, #tpu.memory_space<vmem>>[vector<16xi32>, vector<16xi32>], vector<16xi32>,
      %jit3A_446 = arith.constant 128 : i32
      %div3A_447 = vector.broadcast %jit3A_446 : i32 to vector<16xi32>
      %div3A_448 = arith.divsi %add3A_402, %div3A_447 : vector<16xi32>
      %sign3A_449 = arith.constant 0 : i32
      %sign3A_450 = vector.broadcast %sign3A_449 : i32 to vector<16xi32>
      %sign3A_451 = arith.cmpi sgt, %add3A_402, %sign3A_450 : vector<16xi32>
      %sign3A_452 = arith.extui %sign3A_451 : vector<16xi1> to vector<16xi32>
      %sign3A_453 = arith.constant 0 : i32
      %sign3A_454 = vector.broadcast %sign3A_453 : i32 to vector<16xi32>
      %sign3A_455 = arith.cmpi slt, %add3A_402, %sign3A_454 : vector<16xi32>
      %sign3A_456 = arith.extui %sign3A_455 : vector<16xi1> to vector<16xi32>
      %sign3A_457 = arith.subi %sign3A_452, %sign3A_456 : vector<16xi32>
      %sign3A_458 = arith.constant 0 : i32
      %sign3A_459 = arith.cmpi sgt, %jit3A_446, %sign3A_458 : i32
      %sign3A_460 = arith.extui %sign3A_459 : i1 to i32
      %sign3A_461 = arith.constant 0 : i32
      %sign3A_462 = arith.cmpi slt, %jit3A_446, %sign3A_461 : i32
      %sign3A_463 = arith.extui %sign3A_462 : i1 to i32
      %sign3A_464 = arith.subi %sign3A_460, %sign3A_463 : i32
      %ne3A_465 = vector.broadcast %sign3A_464 : i32 to vector<16xi32>
      %ne3A_466 = arith.cmpi ne, %sign3A_457, %ne3A_465 : vector<16xi32>
      %rem3A_467 = vector.broadcast %jit3A_446 : i32 to vector<16xi32>
      %rem3A_468 = arith.remsi %add3A_402, %rem3A_467 : vector<16xi32>
      %ne3A_469 = arith.constant 0 : i32
      %ne3A_470 = vector.broadcast %ne3A_469 : i32 to vector<16xi32>
      %ne3A_471 = arith.cmpi ne, %rem3A_468, %ne3A_470 : vector<16xi32>
      %and3A_472 = arith.andi %ne3A_466, %ne3A_471 : vector<16xi1>
      %sub3A_473 = arith.constant 1 : i32
      %sub3A_474 = vector.broadcast %sub3A_473 : i32 to vector<16xi32>
      %sub3A_475 = arith.subi %div3A_448, %sub3A_474 : vector<16xi32>
      %select_n3A_476 = arith.select %and3A_472, %sub3A_475, %div3A_448 : vector<16xi1>, vector<16xi32>
      %jit3A_477 = arith.constant 128 : i32
      %eq3A_478 = arith.constant 0 : i32
      %eq3A_479 = arith.cmpi eq, %jit3A_477, %eq3A_478 : i32
      %jit3A_480 = arith.constant 1 : i32
      %select_n3A_481 = arith.select %eq3A_479, %jit3A_480, %jit3A_477 : i32
      %rem3A_482 = vector.broadcast %select_n3A_481 : i32 to vector<16xi32>
      %rem3A_483 = arith.remsi %add3A_402, %rem3A_482 : vector<16xi32>
      %ne3A_484 = arith.constant 0 : i32
      %ne3A_485 = vector.broadcast %ne3A_484 : i32 to vector<16xi32>
      %ne3A_486 = arith.cmpi ne, %rem3A_483, %ne3A_485 : vector<16xi32>
      %lt3A_487 = arith.constant 0 : i32
      %lt3A_488 = vector.broadcast %lt3A_487 : i32 to vector<16xi32>
      %lt3A_489 = arith.cmpi slt, %rem3A_483, %lt3A_488 : vector<16xi32>
      %lt3A_490 = arith.constant 0 : i32
      %lt3A_491 = arith.cmpi slt, %select_n3A_481, %lt3A_490 : i32
      %ne3A_492 = vector.broadcast %lt3A_491 : i1 to vector<16xi1>
      %ne3A_493 = vector.broadcast %ne3A_492 : vector<16xi1> to vector<16xi1>
      %ne3A_494 = arith.xori %lt3A_489, %ne3A_493 : vector<16xi1>
      %and3A_495 = arith.andi %ne3A_494, %ne3A_486 : vector<16xi1>
      %add3A_496 = vector.broadcast %select_n3A_481 : i32 to vector<16xi32>
      %add3A_497 = arith.addi %rem3A_483, %add3A_496 : vector<16xi32>
      %select_n3A_498 = arith.select %and3A_495, %add3A_497, %rem3A_483 : vector<16xi1>, vector<16xi32>
      %gather3A_499 = tpu.vector_load_idx %arg12[%select_n3A_476, %select_n3A_498] : memref<4x128xi32, #tpu.memory_space<vmem>>[vector<16xi32>, vector<16xi32>], vector<16xi32>,
      %broadcast_in_dim3A_500 = arith.constant 0 : i32
      %broadcast_in_dim3A_501 = vector.broadcast %broadcast_in_dim3A_500 : i32 to vector<16xi32>
      %gather3A_502 = tpu.vector_load_idx %arg16[%add3A_402, %broadcast_in_dim3A_501] : memref<512x32xf32, #tpu.memory_space<vmem>>[vector<16xi32>, vector<16xi32>], vector<16xf32>,
      %broadcast_in_dim3A_503 = arith.constant 1 : i32
      %broadcast_in_dim3A_504 = vector.broadcast %broadcast_in_dim3A_503 : i32 to vector<16xi32>
      %gather3A_505 = tpu.vector_load_idx %arg16[%add3A_402, %broadcast_in_dim3A_504] : memref<512x32xf32, #tpu.memory_space<vmem>>[vector<16xi32>, vector<16xi32>], vector<16xf32>,
      %broadcast_in_dim3A_506 = arith.constant 2 : i32
      %broadcast_in_dim3A_507 = vector.broadcast %broadcast_in_dim3A_506 : i32 to vector<16xi32>
      %gather3A_508 = tpu.vector_load_idx %arg16[%add3A_402, %broadcast_in_dim3A_507] : memref<512x32xf32, #tpu.memory_space<vmem>>[vector<16xi32>, vector<16xi32>], vector<16xf32>,
      %broadcast_in_dim3A_509 = arith.constant 3 : i32
      %broadcast_in_dim3A_510 = vector.broadcast %broadcast_in_dim3A_509 : i32 to vector<16xi32>
      %gather3A_511 = tpu.vector_load_idx %arg16[%add3A_402, %broadcast_in_dim3A_510] : memref<512x32xf32, #tpu.memory_space<vmem>>[vector<16xi32>, vector<16xi32>], vector<16xf32>,
      %broadcast_in_dim3A_512 = arith.constant 4 : i32
      %broadcast_in_dim3A_513 = vector.broadcast %broadcast_in_dim3A_512 : i32 to vector<16xi32>
      %gather3A_514 = tpu.vector_load_idx %arg16[%add3A_402, %broadcast_in_dim3A_513] : memref<512x32xf32, #tpu.memory_space<vmem>>[vector<16xi32>, vector<16xi32>], vector<16xf32>,
      %broadcast_in_dim3A_515 = arith.constant 5 : i32
      %broadcast_in_dim3A_516 = vector.broadcast %broadcast_in_dim3A_515 : i32 to vector<16xi32>
      %gather3A_517 = tpu.vector_load_idx %arg16[%add3A_402, %broadcast_in_dim3A_516] : memref<512x32xf32, #tpu.memory_space<vmem>>[vector<16xi32>, vector<16xi32>], vector<16xf32>,
      %broadcast_in_dim3A_518 = arith.constant 6 : i32
      %broadcast_in_dim3A_519 = vector.broadcast %broadcast_in_dim3A_518 : i32 to vector<16xi32>
      %gather3A_520 = tpu.vector_load_idx %arg16[%add3A_402, %broadcast_in_dim3A_519] : memref<512x32xf32, #tpu.memory_space<vmem>>[vector<16xi32>, vector<16xi32>], vector<16xf32>,
      %broadcast_in_dim3A_521 = arith.constant 7 : i32
      %broadcast_in_dim3A_522 = vector.broadcast %broadcast_in_dim3A_521 : i32 to vector<16xi32>
      %gather3A_523 = tpu.vector_load_idx %arg16[%add3A_402, %broadcast_in_dim3A_522] : memref<512x32xf32, #tpu.memory_space<vmem>>[vector<16xi32>, vector<16xi32>], vector<16xf32>,
      %broadcast_in_dim3A_524 = arith.constant 8 : i32
      %broadcast_in_dim3A_525 = vector.broadcast %broadcast_in_dim3A_524 : i32 to vector<16xi32>
      %gather3A_526 = tpu.vector_load_idx %arg16[%add3A_402, %broadcast_in_dim3A_525] : memref<512x32xf32, #tpu.memory_space<vmem>>[vector<16xi32>, vector<16xi32>], vector<16xf32>,
      %broadcast_in_dim3A_527 = arith.constant 9 : i32
      %broadcast_in_dim3A_528 = vector.broadcast %broadcast_in_dim3A_527 : i32 to vector<16xi32>
      %gather3A_529 = tpu.vector_load_idx %arg16[%add3A_402, %broadcast_in_dim3A_528] : memref<512x32xf32, #tpu.memory_space<vmem>>[vector<16xi32>, vector<16xi32>], vector<16xf32>,
      %broadcast_in_dim3A_530 = arith.constant 10 : i32
      %broadcast_in_dim3A_531 = vector.broadcast %broadcast_in_dim3A_530 : i32 to vector<16xi32>
      %gather3A_532 = tpu.vector_load_idx %arg16[%add3A_402, %broadcast_in_dim3A_531] : memref<512x32xf32, #tpu.memory_space<vmem>>[vector<16xi32>, vector<16xi32>], vector<16xf32>,
      %broadcast_in_dim3A_533 = arith.constant 11 : i32
      %broadcast_in_dim3A_534 = vector.broadcast %broadcast_in_dim3A_533 : i32 to vector<16xi32>
      %gather3A_535 = tpu.vector_load_idx %arg16[%add3A_402, %broadcast_in_dim3A_534] : memref<512x32xf32, #tpu.memory_space<vmem>>[vector<16xi32>, vector<16xi32>], vector<16xf32>,
      %broadcast_in_dim3A_536 = arith.constant 12 : i32
      %broadcast_in_dim3A_537 = vector.broadcast %broadcast_in_dim3A_536 : i32 to vector<16xi32>
      %gather3A_538 = tpu.vector_load_idx %arg16[%add3A_402, %broadcast_in_dim3A_537] : memref<512x32xf32, #tpu.memory_space<vmem>>[vector<16xi32>, vector<16xi32>], vector<16xf32>,
      %broadcast_in_dim3A_539 = arith.constant 13 : i32
      %broadcast_in_dim3A_540 = vector.broadcast %broadcast_in_dim3A_539 : i32 to vector<16xi32>
      %gather3A_541 = tpu.vector_load_idx %arg16[%add3A_402, %broadcast_in_dim3A_540] : memref<512x32xf32, #tpu.memory_space<vmem>>[vector<16xi32>, vector<16xi32>], vector<16xf32>,
      %broadcast_in_dim3A_542 = arith.constant 14 : i32
      %broadcast_in_dim3A_543 = vector.broadcast %broadcast_in_dim3A_542 : i32 to vector<16xi32>
      %gather3A_544 = tpu.vector_load_idx %arg16[%add3A_402, %broadcast_in_dim3A_543] : memref<512x32xf32, #tpu.memory_space<vmem>>[vector<16xi32>, vector<16xi32>], vector<16xf32>,
      %broadcast_in_dim3A_545 = arith.constant 15 : i32
      %broadcast_in_dim3A_546 = vector.broadcast %broadcast_in_dim3A_545 : i32 to vector<16xi32>
      %gather3A_547 = tpu.vector_load_idx %arg16[%add3A_402, %broadcast_in_dim3A_546] : memref<512x32xf32, #tpu.memory_space<vmem>>[vector<16xi32>, vector<16xi32>], vector<16xf32>,
      %broadcast_in_dim3A_548 = arith.constant 16 : i32
      %broadcast_in_dim3A_549 = vector.broadcast %broadcast_in_dim3A_548 : i32 to vector<16xi32>
      %gather3A_550 = tpu.vector_load_idx %arg16[%add3A_402, %broadcast_in_dim3A_549] : memref<512x32xf32, #tpu.memory_space<vmem>>[vector<16xi32>, vector<16xi32>], vector<16xf32>,
      %broadcast_in_dim3A_551 = arith.constant 17 : i32
      %broadcast_in_dim3A_552 = vector.broadcast %broadcast_in_dim3A_551 : i32 to vector<16xi32>
      %gather3A_553 = tpu.vector_load_idx %arg16[%add3A_402, %broadcast_in_dim3A_552] : memref<512x32xf32, #tpu.memory_space<vmem>>[vector<16xi32>, vector<16xi32>], vector<16xf32>,
      %broadcast_in_dim3A_554 = arith.constant 18 : i32
      %broadcast_in_dim3A_555 = vector.broadcast %broadcast_in_dim3A_554 : i32 to vector<16xi32>
      %gather3A_556 = tpu.vector_load_idx %arg16[%add3A_402, %broadcast_in_dim3A_555] : memref<512x32xf32, #tpu.memory_space<vmem>>[vector<16xi32>, vector<16xi32>], vector<16xf32>,
      %broadcast_in_dim3A_557 = arith.constant 19 : i32
      %broadcast_in_dim3A_558 = vector.broadcast %broadcast_in_dim3A_557 : i32 to vector<16xi32>
      %gather3A_559 = tpu.vector_load_idx %arg16[%add3A_402, %broadcast_in_dim3A_558] : memref<512x32xf32, #tpu.memory_space<vmem>>[vector<16xi32>, vector<16xi32>], vector<16xf32>,
      %broadcast_in_dim3A_560 = arith.constant 20 : i32
      %broadcast_in_dim3A_561 = vector.broadcast %broadcast_in_dim3A_560 : i32 to vector<16xi32>
      %gather3A_562 = tpu.vector_load_idx %arg16[%add3A_402, %broadcast_in_dim3A_561] : memref<512x32xf32, #tpu.memory_space<vmem>>[vector<16xi32>, vector<16xi32>], vector<16xf32>,
      %broadcast_in_dim3A_563 = arith.constant 21 : i32
      %broadcast_in_dim3A_564 = vector.broadcast %broadcast_in_dim3A_563 : i32 to vector<16xi32>
      %gather3A_565 = tpu.vector_load_idx %arg16[%add3A_402, %broadcast_in_dim3A_564] : memref<512x32xf32, #tpu.memory_space<vmem>>[vector<16xi32>, vector<16xi32>], vector<16xf32>,
      %broadcast_in_dim3A_566 = arith.constant 22 : i32
      %broadcast_in_dim3A_567 = vector.broadcast %broadcast_in_dim3A_566 : i32 to vector<16xi32>
      %gather3A_568 = tpu.vector_load_idx %arg16[%add3A_402, %broadcast_in_dim3A_567] : memref<512x32xf32, #tpu.memory_space<vmem>>[vector<16xi32>, vector<16xi32>], vector<16xf32>,
      %broadcast_in_dim3A_569 = arith.constant 23 : i32
      %broadcast_in_dim3A_570 = vector.broadcast %broadcast_in_dim3A_569 : i32 to vector<16xi32>
      %gather3A_571 = tpu.vector_load_idx %arg16[%add3A_402, %broadcast_in_dim3A_570] : memref<512x32xf32, #tpu.memory_space<vmem>>[vector<16xi32>, vector<16xi32>], vector<16xf32>,
      %broadcast_in_dim3A_572 = arith.constant 24 : i32
      %broadcast_in_dim3A_573 = vector.broadcast %broadcast_in_dim3A_572 : i32 to vector<16xi32>
      %gather3A_574 = tpu.vector_load_idx %arg16[%add3A_402, %broadcast_in_dim3A_573] : memref<512x32xf32, #tpu.memory_space<vmem>>[vector<16xi32>, vector<16xi32>], vector<16xf32>,
      %broadcast_in_dim3A_575 = arith.constant 25 : i32
      %broadcast_in_dim3A_576 = vector.broadcast %broadcast_in_dim3A_575 : i32 to vector<16xi32>
      %gather3A_577 = tpu.vector_load_idx %arg16[%add3A_402, %broadcast_in_dim3A_576] : memref<512x32xf32, #tpu.memory_space<vmem>>[vector<16xi32>, vector<16xi32>], vector<16xf32>,
      %broadcast_in_dim3A_578 = arith.constant 26 : i32
      %broadcast_in_dim3A_579 = vector.broadcast %broadcast_in_dim3A_578 : i32 to vector<16xi32>
      %gather3A_580 = tpu.vector_load_idx %arg16[%add3A_402, %broadcast_in_dim3A_579] : memref<512x32xf32, #tpu.memory_space<vmem>>[vector<16xi32>, vector<16xi32>], vector<16xf32>,
      %broadcast_in_dim3A_581 = arith.constant 27 : i32
      %broadcast_in_dim3A_582 = vector.broadcast %broadcast_in_dim3A_581 : i32 to vector<16xi32>
      %gather3A_583 = tpu.vector_load_idx %arg16[%add3A_402, %broadcast_in_dim3A_582] : memref<512x32xf32, #tpu.memory_space<vmem>>[vector<16xi32>, vector<16xi32>], vector<16xf32>,
      %broadcast_in_dim3A_584 = arith.constant 28 : i32
      %broadcast_in_dim3A_585 = vector.broadcast %broadcast_in_dim3A_584 : i32 to vector<16xi32>
      %gather3A_586 = tpu.vector_load_idx %arg16[%add3A_402, %broadcast_in_dim3A_585] : memref<512x32xf32, #tpu.memory_space<vmem>>[vector<16xi32>, vector<16xi32>], vector<16xf32>,
      %broadcast_in_dim3A_587 = arith.constant 29 : i32
      %broadcast_in_dim3A_588 = vector.broadcast %broadcast_in_dim3A_587 : i32 to vector<16xi32>
      %gather3A_589 = tpu.vector_load_idx %arg16[%add3A_402, %broadcast_in_dim3A_588] : memref<512x32xf32, #tpu.memory_space<vmem>>[vector<16xi32>, vector<16xi32>], vector<16xf32>,
      %broadcast_in_dim3A_590 = arith.constant 30 : i32
      %broadcast_in_dim3A_591 = vector.broadcast %broadcast_in_dim3A_590 : i32 to vector<16xi32>
      %gather3A_592 = tpu.vector_load_idx %arg16[%add3A_402, %broadcast_in_dim3A_591] : memref<512x32xf32, #tpu.memory_space<vmem>>[vector<16xi32>, vector<16xi32>], vector<16xf32>,
      %broadcast_in_dim3A_593 = arith.constant 31 : i32
      %broadcast_in_dim3A_594 = vector.broadcast %broadcast_in_dim3A_593 : i32 to vector<16xi32>
      %gather3A_595 = tpu.vector_load_idx %arg16[%add3A_402, %broadcast_in_dim3A_594] : memref<512x32xf32, #tpu.memory_space<vmem>>[vector<16xi32>, vector<16xi32>], vector<16xf32>,
      %add3A_596 = arith.constant 0 : i32
      %add3A_597 = vector.broadcast %add3A_596 : i32 to vector<16xi32>
      %add3A_598 = arith.addi %add3A_597, %iota3A : vector<16xi32>
      %mul3A_599 = arith.constant 24 : i32
      %mul3A_600 = vector.broadcast %mul3A_599 : i32 to vector<16xi32>
      %mul3A_601 = arith.muli %add3A_598, %mul3A_600 : vector<16xi32>
      %scan3A_602 = arith.constant 0 : i32
      %scan3A_603 = arith.constant 0 : i32
      %scan3A_604 = arith.constant 24 : i32
      %scan3A_605 = arith.addi %scan3A_603, %scan3A_604 : i32
      %scan3A_606 = arith.constant 1 : i32
      scf.for %scan3A_830 = %scan3A_603 to %scan3A_605 step %scan3A_606  : i32 {
        %broadcast_in_dim3A_831 = vector.broadcast %scan3A_830 : i32 to vector<16xi32>
        %add3A_832 = vector.broadcast %scan3A_830 : i32 to vector<16xi32>
        %add3A_833 = arith.addi %mul3A_601, %add3A_832 : vector<16xi32>
        %broadcast_in_dim3A_834 = arith.constant 0 : i32
        %broadcast_in_dim3A_835 = vector.broadcast %broadcast_in_dim3A_834 : i32 to vector<16xi32>
        %gather3A_836 = tpu.vector_load_idx %arg18[%add3A_833, %broadcast_in_dim3A_835] : memref<768x32xf32, #tpu.memory_space<vmem>>[vector<16xi32>, vector<16xi32>], vector<16xf32>,
        %mul3A_837 = arith.mulf %gather3A_502, %gather3A_836 : vector<16xf32>
        %add3A_838 = arith.addf %broadcast_in_dim3A_3, %mul3A_837 : vector<16xf32>
        %add3A_839 = vector.broadcast %scan3A_830 : i32 to vector<16xi32>
        %add3A_840 = arith.addi %mul3A_601, %add3A_839 : vector<16xi32>
        %broadcast_in_dim3A_841 = arith.constant 1 : i32
        %broadcast_in_dim3A_842 = vector.broadcast %broadcast_in_dim3A_841 : i32 to vector<16xi32>
        %gather3A_843 = tpu.vector_load_idx %arg18[%add3A_840, %broadcast_in_dim3A_842] : memref<768x32xf32, #tpu.memory_space<vmem>>[vector<16xi32>, vector<16xi32>], vector<16xf32>,
        %mul3A_844 = arith.mulf %gather3A_505, %gather3A_843 : vector<16xf32>
        %add3A_845 = arith.addf %add3A_838, %mul3A_844 : vector<16xf32>
        %add3A_846 = vector.broadcast %scan3A_830 : i32 to vector<16xi32>
        %add3A_847 = arith.addi %mul3A_601, %add3A_846 : vector<16xi32>
        %broadcast_in_dim3A_848 = arith.constant 2 : i32
        %broadcast_in_dim3A_849 = vector.broadcast %broadcast_in_dim3A_848 : i32 to vector<16xi32>
        %gather3A_850 = tpu.vector_load_idx %arg18[%add3A_847, %broadcast_in_dim3A_849] : memref<768x32xf32, #tpu.memory_space<vmem>>[vector<16xi32>, vector<16xi32>], vector<16xf32>,
        %mul3A_851 = arith.mulf %gather3A_508, %gather3A_850 : vector<16xf32>
        %add3A_852 = arith.addf %add3A_845, %mul3A_851 : vector<16xf32>
        %add3A_853 = vector.broadcast %scan3A_830 : i32 to vector<16xi32>
        %add3A_854 = arith.addi %mul3A_601, %add3A_853 : vector<16xi32>
        %broadcast_in_dim3A_855 = arith.constant 3 : i32
        %broadcast_in_dim3A_856 = vector.broadcast %broadcast_in_dim3A_855 : i32 to vector<16xi32>
        %gather3A_857 = tpu.vector_load_idx %arg18[%add3A_854, %broadcast_in_dim3A_856] : memref<768x32xf32, #tpu.memory_space<vmem>>[vector<16xi32>, vector<16xi32>], vector<16xf32>,
        %mul3A_858 = arith.mulf %gather3A_511, %gather3A_857 : vector<16xf32>
        %add3A_859 = arith.addf %add3A_852, %mul3A_858 : vector<16xf32>
        %add3A_860 = vector.broadcast %scan3A_830 : i32 to vector<16xi32>
        %add3A_861 = arith.addi %mul3A_601, %add3A_860 : vector<16xi32>
        %broadcast_in_dim3A_862 = arith.constant 4 : i32
        %broadcast_in_dim3A_863 = vector.broadcast %broadcast_in_dim3A_862 : i32 to vector<16xi32>
        %gather3A_864 = tpu.vector_load_idx %arg18[%add3A_861, %broadcast_in_dim3A_863] : memref<768x32xf32, #tpu.memory_space<vmem>>[vector<16xi32>, vector<16xi32>], vector<16xf32>,
        %mul3A_865 = arith.mulf %gather3A_514, %gather3A_864 : vector<16xf32>
        %add3A_866 = arith.addf %add3A_859, %mul3A_865 : vector<16xf32>
        %add3A_867 = vector.broadcast %scan3A_830 : i32 to vector<16xi32>
        %add3A_868 = arith.addi %mul3A_601, %add3A_867 : vector<16xi32>
        %broadcast_in_dim3A_869 = arith.constant 5 : i32
        %broadcast_in_dim3A_870 = vector.broadcast %broadcast_in_dim3A_869 : i32 to vector<16xi32>
        %gather3A_871 = tpu.vector_load_idx %arg18[%add3A_868, %broadcast_in_dim3A_870] : memref<768x32xf32, #tpu.memory_space<vmem>>[vector<16xi32>, vector<16xi32>], vector<16xf32>,
        %mul3A_872 = arith.mulf %gather3A_517, %gather3A_871 : vector<16xf32>
        %add3A_873 = arith.addf %add3A_866, %mul3A_872 : vector<16xf32>
        %add3A_874 = vector.broadcast %scan3A_830 : i32 to vector<16xi32>
        %add3A_875 = arith.addi %mul3A_601, %add3A_874 : vector<16xi32>
        %broadcast_in_dim3A_876 = arith.constant 6 : i32
        %broadcast_in_dim3A_877 = vector.broadcast %broadcast_in_dim3A_876 : i32 to vector<16xi32>
        %gather3A_878 = tpu.vector_load_idx %arg18[%add3A_875, %broadcast_in_dim3A_877] : memref<768x32xf32, #tpu.memory_space<vmem>>[vector<16xi32>, vector<16xi32>], vector<16xf32>,
        %mul3A_879 = arith.mulf %gather3A_520, %gather3A_878 : vector<16xf32>
        %add3A_880 = arith.addf %add3A_873, %mul3A_879 : vector<16xf32>
        %add3A_881 = vector.broadcast %scan3A_830 : i32 to vector<16xi32>
        %add3A_882 = arith.addi %mul3A_601, %add3A_881 : vector<16xi32>
        %broadcast_in_dim3A_883 = arith.constant 7 : i32
        %broadcast_in_dim3A_884 = vector.broadcast %broadcast_in_dim3A_883 : i32 to vector<16xi32>
        %gather3A_885 = tpu.vector_load_idx %arg18[%add3A_882, %broadcast_in_dim3A_884] : memref<768x32xf32, #tpu.memory_space<vmem>>[vector<16xi32>, vector<16xi32>], vector<16xf32>,
        %mul3A_886 = arith.mulf %gather3A_523, %gather3A_885 : vector<16xf32>
        %add3A_887 = arith.addf %add3A_880, %mul3A_886 : vector<16xf32>
        %add3A_888 = vector.broadcast %scan3A_830 : i32 to vector<16xi32>
        %add3A_889 = arith.addi %mul3A_601, %add3A_888 : vector<16xi32>
        %broadcast_in_dim3A_890 = arith.constant 8 : i32
        %broadcast_in_dim3A_891 = vector.broadcast %broadcast_in_dim3A_890 : i32 to vector<16xi32>
        %gather3A_892 = tpu.vector_load_idx %arg18[%add3A_889, %broadcast_in_dim3A_891] : memref<768x32xf32, #tpu.memory_space<vmem>>[vector<16xi32>, vector<16xi32>], vector<16xf32>,
        %mul3A_893 = arith.mulf %gather3A_526, %gather3A_892 : vector<16xf32>
        %add3A_894 = arith.addf %add3A_887, %mul3A_893 : vector<16xf32>
        %add3A_895 = vector.broadcast %scan3A_830 : i32 to vector<16xi32>
        %add3A_896 = arith.addi %mul3A_601, %add3A_895 : vector<16xi32>
        %broadcast_in_dim3A_897 = arith.constant 9 : i32
        %broadcast_in_dim3A_898 = vector.broadcast %broadcast_in_dim3A_897 : i32 to vector<16xi32>
        %gather3A_899 = tpu.vector_load_idx %arg18[%add3A_896, %broadcast_in_dim3A_898] : memref<768x32xf32, #tpu.memory_space<vmem>>[vector<16xi32>, vector<16xi32>], vector<16xf32>,
        %mul3A_900 = arith.mulf %gather3A_529, %gather3A_899 : vector<16xf32>
        %add3A_901 = arith.addf %add3A_894, %mul3A_900 : vector<16xf32>
        %add3A_902 = vector.broadcast %scan3A_830 : i32 to vector<16xi32>
        %add3A_903 = arith.addi %mul3A_601, %add3A_902 : vector<16xi32>
        %broadcast_in_dim3A_904 = arith.constant 10 : i32
        %broadcast_in_dim3A_905 = vector.broadcast %broadcast_in_dim3A_904 : i32 to vector<16xi32>
        %gather3A_906 = tpu.vector_load_idx %arg18[%add3A_903, %broadcast_in_dim3A_905] : memref<768x32xf32, #tpu.memory_space<vmem>>[vector<16xi32>, vector<16xi32>], vector<16xf32>,
        %mul3A_907 = arith.mulf %gather3A_532, %gather3A_906 : vector<16xf32>
        %add3A_908 = arith.addf %add3A_901, %mul3A_907 : vector<16xf32>
        %add3A_909 = vector.broadcast %scan3A_830 : i32 to vector<16xi32>
        %add3A_910 = arith.addi %mul3A_601, %add3A_909 : vector<16xi32>
        %broadcast_in_dim3A_911 = arith.constant 11 : i32
        %broadcast_in_dim3A_912 = vector.broadcast %broadcast_in_dim3A_911 : i32 to vector<16xi32>
        %gather3A_913 = tpu.vector_load_idx %arg18[%add3A_910, %broadcast_in_dim3A_912] : memref<768x32xf32, #tpu.memory_space<vmem>>[vector<16xi32>, vector<16xi32>], vector<16xf32>,
        %mul3A_914 = arith.mulf %gather3A_535, %gather3A_913 : vector<16xf32>
        %add3A_915 = arith.addf %add3A_908, %mul3A_914 : vector<16xf32>
        %add3A_916 = vector.broadcast %scan3A_830 : i32 to vector<16xi32>
        %add3A_917 = arith.addi %mul3A_601, %add3A_916 : vector<16xi32>
        %broadcast_in_dim3A_918 = arith.constant 12 : i32
        %broadcast_in_dim3A_919 = vector.broadcast %broadcast_in_dim3A_918 : i32 to vector<16xi32>
        %gather3A_920 = tpu.vector_load_idx %arg18[%add3A_917, %broadcast_in_dim3A_919] : memref<768x32xf32, #tpu.memory_space<vmem>>[vector<16xi32>, vector<16xi32>], vector<16xf32>,
        %mul3A_921 = arith.mulf %gather3A_538, %gather3A_920 : vector<16xf32>
        %add3A_922 = arith.addf %add3A_915, %mul3A_921 : vector<16xf32>
        %add3A_923 = vector.broadcast %scan3A_830 : i32 to vector<16xi32>
        %add3A_924 = arith.addi %mul3A_601, %add3A_923 : vector<16xi32>
        %broadcast_in_dim3A_925 = arith.constant 13 : i32
        %broadcast_in_dim3A_926 = vector.broadcast %broadcast_in_dim3A_925 : i32 to vector<16xi32>
        %gather3A_927 = tpu.vector_load_idx %arg18[%add3A_924, %broadcast_in_dim3A_926] : memref<768x32xf32, #tpu.memory_space<vmem>>[vector<16xi32>, vector<16xi32>], vector<16xf32>,
        %mul3A_928 = arith.mulf %gather3A_541, %gather3A_927 : vector<16xf32>
        %add3A_929 = arith.addf %add3A_922, %mul3A_928 : vector<16xf32>
        %add3A_930 = vector.broadcast %scan3A_830 : i32 to vector<16xi32>
        %add3A_931 = arith.addi %mul3A_601, %add3A_930 : vector<16xi32>
        %broadcast_in_dim3A_932 = arith.constant 14 : i32
        %broadcast_in_dim3A_933 = vector.broadcast %broadcast_in_dim3A_932 : i32 to vector<16xi32>
        %gather3A_934 = tpu.vector_load_idx %arg18[%add3A_931, %broadcast_in_dim3A_933] : memref<768x32xf32, #tpu.memory_space<vmem>>[vector<16xi32>, vector<16xi32>], vector<16xf32>,
        %mul3A_935 = arith.mulf %gather3A_544, %gather3A_934 : vector<16xf32>
        %add3A_936 = arith.addf %add3A_929, %mul3A_935 : vector<16xf32>
        %add3A_937 = vector.broadcast %scan3A_830 : i32 to vector<16xi32>
        %add3A_938 = arith.addi %mul3A_601, %add3A_937 : vector<16xi32>
        %broadcast_in_dim3A_939 = arith.constant 15 : i32
        %broadcast_in_dim3A_940 = vector.broadcast %broadcast_in_dim3A_939 : i32 to vector<16xi32>
        %gather3A_941 = tpu.vector_load_idx %arg18[%add3A_938, %broadcast_in_dim3A_940] : memref<768x32xf32, #tpu.memory_space<vmem>>[vector<16xi32>, vector<16xi32>], vector<16xf32>,
        %mul3A_942 = arith.mulf %gather3A_547, %gather3A_941 : vector<16xf32>
        %add3A_943 = arith.addf %add3A_936, %mul3A_942 : vector<16xf32>
        %add3A_944 = vector.broadcast %scan3A_830 : i32 to vector<16xi32>
        %add3A_945 = arith.addi %mul3A_601, %add3A_944 : vector<16xi32>
        %broadcast_in_dim3A_946 = arith.constant 16 : i32
        %broadcast_in_dim3A_947 = vector.broadcast %broadcast_in_dim3A_946 : i32 to vector<16xi32>
        %gather3A_948 = tpu.vector_load_idx %arg18[%add3A_945, %broadcast_in_dim3A_947] : memref<768x32xf32, #tpu.memory_space<vmem>>[vector<16xi32>, vector<16xi32>], vector<16xf32>,
        %mul3A_949 = arith.mulf %gather3A_550, %gather3A_948 : vector<16xf32>
        %add3A_950 = arith.addf %add3A_943, %mul3A_949 : vector<16xf32>
        %add3A_951 = vector.broadcast %scan3A_830 : i32 to vector<16xi32>
        %add3A_952 = arith.addi %mul3A_601, %add3A_951 : vector<16xi32>
        %broadcast_in_dim3A_953 = arith.constant 17 : i32
        %broadcast_in_dim3A_954 = vector.broadcast %broadcast_in_dim3A_953 : i32 to vector<16xi32>
        %gather3A_955 = tpu.vector_load_idx %arg18[%add3A_952, %broadcast_in_dim3A_954] : memref<768x32xf32, #tpu.memory_space<vmem>>[vector<16xi32>, vector<16xi32>], vector<16xf32>,
        %mul3A_956 = arith.mulf %gather3A_553, %gather3A_955 : vector<16xf32>
        %add3A_957 = arith.addf %add3A_950, %mul3A_956 : vector<16xf32>
        %add3A_958 = vector.broadcast %scan3A_830 : i32 to vector<16xi32>
        %add3A_959 = arith.addi %mul3A_601, %add3A_958 : vector<16xi32>
        %broadcast_in_dim3A_960 = arith.constant 18 : i32
        %broadcast_in_dim3A_961 = vector.broadcast %broadcast_in_dim3A_960 : i32 to vector<16xi32>
        %gather3A_962 = tpu.vector_load_idx %arg18[%add3A_959, %broadcast_in_dim3A_961] : memref<768x32xf32, #tpu.memory_space<vmem>>[vector<16xi32>, vector<16xi32>], vector<16xf32>,
        %mul3A_963 = arith.mulf %gather3A_556, %gather3A_962 : vector<16xf32>
        %add3A_964 = arith.addf %add3A_957, %mul3A_963 : vector<16xf32>
        %add3A_965 = vector.broadcast %scan3A_830 : i32 to vector<16xi32>
        %add3A_966 = arith.addi %mul3A_601, %add3A_965 : vector<16xi32>
        %broadcast_in_dim3A_967 = arith.constant 19 : i32
        %broadcast_in_dim3A_968 = vector.broadcast %broadcast_in_dim3A_967 : i32 to vector<16xi32>
        %gather3A_969 = tpu.vector_load_idx %arg18[%add3A_966, %broadcast_in_dim3A_968] : memref<768x32xf32, #tpu.memory_space<vmem>>[vector<16xi32>, vector<16xi32>], vector<16xf32>,
        %mul3A_970 = arith.mulf %gather3A_559, %gather3A_969 : vector<16xf32>
        %add3A_971 = arith.addf %add3A_964, %mul3A_970 : vector<16xf32>
        %add3A_972 = vector.broadcast %scan3A_830 : i32 to vector<16xi32>
        %add3A_973 = arith.addi %mul3A_601, %add3A_972 : vector<16xi32>
        %broadcast_in_dim3A_974 = arith.constant 20 : i32
        %broadcast_in_dim3A_975 = vector.broadcast %broadcast_in_dim3A_974 : i32 to vector<16xi32>
        %gather3A_976 = tpu.vector_load_idx %arg18[%add3A_973, %broadcast_in_dim3A_975] : memref<768x32xf32, #tpu.memory_space<vmem>>[vector<16xi32>, vector<16xi32>], vector<16xf32>,
        %mul3A_977 = arith.mulf %gather3A_562, %gather3A_976 : vector<16xf32>
        %add3A_978 = arith.addf %add3A_971, %mul3A_977 : vector<16xf32>
        %add3A_979 = vector.broadcast %scan3A_830 : i32 to vector<16xi32>
        %add3A_980 = arith.addi %mul3A_601, %add3A_979 : vector<16xi32>
        %broadcast_in_dim3A_981 = arith.constant 21 : i32
        %broadcast_in_dim3A_982 = vector.broadcast %broadcast_in_dim3A_981 : i32 to vector<16xi32>
        %gather3A_983 = tpu.vector_load_idx %arg18[%add3A_980, %broadcast_in_dim3A_982] : memref<768x32xf32, #tpu.memory_space<vmem>>[vector<16xi32>, vector<16xi32>], vector<16xf32>,
        %mul3A_984 = arith.mulf %gather3A_565, %gather3A_983 : vector<16xf32>
        %add3A_985 = arith.addf %add3A_978, %mul3A_984 : vector<16xf32>
        %add3A_986 = vector.broadcast %scan3A_830 : i32 to vector<16xi32>
        %add3A_987 = arith.addi %mul3A_601, %add3A_986 : vector<16xi32>
        %broadcast_in_dim3A_988 = arith.constant 22 : i32
        %broadcast_in_dim3A_989 = vector.broadcast %broadcast_in_dim3A_988 : i32 to vector<16xi32>
        %gather3A_990 = tpu.vector_load_idx %arg18[%add3A_987, %broadcast_in_dim3A_989] : memref<768x32xf32, #tpu.memory_space<vmem>>[vector<16xi32>, vector<16xi32>], vector<16xf32>,
        %mul3A_991 = arith.mulf %gather3A_568, %gather3A_990 : vector<16xf32>
        %add3A_992 = arith.addf %add3A_985, %mul3A_991 : vector<16xf32>
        %add3A_993 = vector.broadcast %scan3A_830 : i32 to vector<16xi32>
        %add3A_994 = arith.addi %mul3A_601, %add3A_993 : vector<16xi32>
        %broadcast_in_dim3A_995 = arith.constant 23 : i32
        %broadcast_in_dim3A_996 = vector.broadcast %broadcast_in_dim3A_995 : i32 to vector<16xi32>
        %gather3A_997 = tpu.vector_load_idx %arg18[%add3A_994, %broadcast_in_dim3A_996] : memref<768x32xf32, #tpu.memory_space<vmem>>[vector<16xi32>, vector<16xi32>], vector<16xf32>,
        %mul3A_998 = arith.mulf %gather3A_571, %gather3A_997 : vector<16xf32>
        %add3A_999 = arith.addf %add3A_992, %mul3A_998 : vector<16xf32>
        %add3A_1000 = vector.broadcast %scan3A_830 : i32 to vector<16xi32>
        %add3A_1001 = arith.addi %mul3A_601, %add3A_1000 : vector<16xi32>
        %broadcast_in_dim3A_1002 = arith.constant 24 : i32
        %broadcast_in_dim3A_1003 = vector.broadcast %broadcast_in_dim3A_1002 : i32 to vector<16xi32>
        %gather3A_1004 = tpu.vector_load_idx %arg18[%add3A_1001, %broadcast_in_dim3A_1003] : memref<768x32xf32, #tpu.memory_space<vmem>>[vector<16xi32>, vector<16xi32>], vector<16xf32>,
        %mul3A_1005 = arith.mulf %gather3A_574, %gather3A_1004 : vector<16xf32>
        %add3A_1006 = arith.addf %add3A_999, %mul3A_1005 : vector<16xf32>
        %add3A_1007 = vector.broadcast %scan3A_830 : i32 to vector<16xi32>
        %add3A_1008 = arith.addi %mul3A_601, %add3A_1007 : vector<16xi32>
        %broadcast_in_dim3A_1009 = arith.constant 25 : i32
        %broadcast_in_dim3A_1010 = vector.broadcast %broadcast_in_dim3A_1009 : i32 to vector<16xi32>
        %gather3A_1011 = tpu.vector_load_idx %arg18[%add3A_1008, %broadcast_in_dim3A_1010] : memref<768x32xf32, #tpu.memory_space<vmem>>[vector<16xi32>, vector<16xi32>], vector<16xf32>,
        %mul3A_1012 = arith.mulf %gather3A_577, %gather3A_1011 : vector<16xf32>
        %add3A_1013 = arith.addf %add3A_1006, %mul3A_1012 : vector<16xf32>
        %add3A_1014 = vector.broadcast %scan3A_830 : i32 to vector<16xi32>
        %add3A_1015 = arith.addi %mul3A_601, %add3A_1014 : vector<16xi32>
        %broadcast_in_dim3A_1016 = arith.constant 26 : i32
        %broadcast_in_dim3A_1017 = vector.broadcast %broadcast_in_dim3A_1016 : i32 to vector<16xi32>
        %gather3A_1018 = tpu.vector_load_idx %arg18[%add3A_1015, %broadcast_in_dim3A_1017] : memref<768x32xf32, #tpu.memory_space<vmem>>[vector<16xi32>, vector<16xi32>], vector<16xf32>,
        %mul3A_1019 = arith.mulf %gather3A_580, %gather3A_1018 : vector<16xf32>
        %add3A_1020 = arith.addf %add3A_1013, %mul3A_1019 : vector<16xf32>
        %add3A_1021 = vector.broadcast %scan3A_830 : i32 to vector<16xi32>
        %add3A_1022 = arith.addi %mul3A_601, %add3A_1021 : vector<16xi32>
        %broadcast_in_dim3A_1023 = arith.constant 27 : i32
        %broadcast_in_dim3A_1024 = vector.broadcast %broadcast_in_dim3A_1023 : i32 to vector<16xi32>
        %gather3A_1025 = tpu.vector_load_idx %arg18[%add3A_1022, %broadcast_in_dim3A_1024] : memref<768x32xf32, #tpu.memory_space<vmem>>[vector<16xi32>, vector<16xi32>], vector<16xf32>,
        %mul3A_1026 = arith.mulf %gather3A_583, %gather3A_1025 : vector<16xf32>
        %add3A_1027 = arith.addf %add3A_1020, %mul3A_1026 : vector<16xf32>
        %add3A_1028 = vector.broadcast %scan3A_830 : i32 to vector<16xi32>
        %add3A_1029 = arith.addi %mul3A_601, %add3A_1028 : vector<16xi32>
        %broadcast_in_dim3A_1030 = arith.constant 28 : i32
        %broadcast_in_dim3A_1031 = vector.broadcast %broadcast_in_dim3A_1030 : i32 to vector<16xi32>
        %gather3A_1032 = tpu.vector_load_idx %arg18[%add3A_1029, %broadcast_in_dim3A_1031] : memref<768x32xf32, #tpu.memory_space<vmem>>[vector<16xi32>, vector<16xi32>], vector<16xf32>,
        %mul3A_1033 = arith.mulf %gather3A_586, %gather3A_1032 : vector<16xf32>
        %add3A_1034 = arith.addf %add3A_1027, %mul3A_1033 : vector<16xf32>
        %add3A_1035 = vector.broadcast %scan3A_830 : i32 to vector<16xi32>
        %add3A_1036 = arith.addi %mul3A_601, %add3A_1035 : vector<16xi32>
        %broadcast_in_dim3A_1037 = arith.constant 29 : i32
        %broadcast_in_dim3A_1038 = vector.broadcast %broadcast_in_dim3A_1037 : i32 to vector<16xi32>
        %gather3A_1039 = tpu.vector_load_idx %arg18[%add3A_1036, %broadcast_in_dim3A_1038] : memref<768x32xf32, #tpu.memory_space<vmem>>[vector<16xi32>, vector<16xi32>], vector<16xf32>,
        %mul3A_1040 = arith.mulf %gather3A_589, %gather3A_1039 : vector<16xf32>
        %add3A_1041 = arith.addf %add3A_1034, %mul3A_1040 : vector<16xf32>
        %add3A_1042 = vector.broadcast %scan3A_830 : i32 to vector<16xi32>
        %add3A_1043 = arith.addi %mul3A_601, %add3A_1042 : vector<16xi32>
        %broadcast_in_dim3A_1044 = arith.constant 30 : i32
        %broadcast_in_dim3A_1045 = vector.broadcast %broadcast_in_dim3A_1044 : i32 to vector<16xi32>
        %gather3A_1046 = tpu.vector_load_idx %arg18[%add3A_1043, %broadcast_in_dim3A_1045] : memref<768x32xf32, #tpu.memory_space<vmem>>[vector<16xi32>, vector<16xi32>], vector<16xf32>,
        %mul3A_1047 = arith.mulf %gather3A_592, %gather3A_1046 : vector<16xf32>
        %add3A_1048 = arith.addf %add3A_1041, %mul3A_1047 : vector<16xf32>
        %add3A_1049 = vector.broadcast %scan3A_830 : i32 to vector<16xi32>
        %add3A_1050 = arith.addi %mul3A_601, %add3A_1049 : vector<16xi32>
        %broadcast_in_dim3A_1051 = arith.constant 31 : i32
        %broadcast_in_dim3A_1052 = vector.broadcast %broadcast_in_dim3A_1051 : i32 to vector<16xi32>
        %gather3A_1053 = tpu.vector_load_idx %arg18[%add3A_1050, %broadcast_in_dim3A_1052] : memref<768x32xf32, #tpu.memory_space<vmem>>[vector<16xi32>, vector<16xi32>], vector<16xf32>,
        %mul3A_1054 = arith.mulf %gather3A_595, %gather3A_1053 : vector<16xf32>
        %add3A_1055 = arith.addf %add3A_1048, %mul3A_1054 : vector<16xf32>
        %shift_right_logical3A = vector.broadcast %scan3A_830 : i32 to vector<16xi32>
        %shift_right_logical3A_1056 = arith.shrui %gather3A_499, %shift_right_logical3A : vector<16xi32>
        %and3A_1057 = arith.constant 1 : i32
        %and3A_1058 = vector.broadcast %and3A_1057 : i32 to vector<16xi32>
        %and3A_1059 = arith.andi %shift_right_logical3A_1056, %and3A_1058 : vector<16xi32>
        %convert_element_type3A = arith.sitofp %and3A_1059 : vector<16xi32> to vector<16xf32>
        %mul3A_1060 = arith.constant 2.000000e+00 : f32
        %mul3A_1061 = vector.broadcast %mul3A_1060 : f32 to vector<16xf32>
        %mul3A_1062 = arith.mulf %convert_element_type3A, %mul3A_1061 : vector<16xf32>
        %sub3A_1063 = arith.constant 1.000000e+00 : f32
        %sub3A_1064 = vector.broadcast %sub3A_1063 : f32 to vector<16xf32>
        %sub3A_1065 = arith.subf %mul3A_1062, %sub3A_1064 : vector<16xf32>
        %lt3A_1066 = arith.cmpi slt, %broadcast_in_dim3A_831, %gather3A : vector<16xi32>
        %mul3A_1067 = arith.mulf %sub3A_1065, %add3A_1055 : vector<16xf32>
        %jit3A_1068 = arith.constant 4.000000e+01 : f32
        %broadcast_in_dim3A_1069 = vector.broadcast %jit3A_1068 : f32 to vector<16xf32>
        %select_n3A_1070 = arith.select %lt3A_1066, %mul3A_1067, %broadcast_in_dim3A_1069 : vector<16xi1>, vector<16xf32>
        tpu.vector_store_idx %arg19[%add3A_402, %broadcast_in_dim3A_831], %select_n3A_1070 : memref<512x24xf32, #tpu.memory_space<vmem>>[vector<16xi32>, vector<16xi32>], vector<16xf32>,
      }
      %scan3A_607 = arith.constant 24 : i32
      %mul3A_608 = arith.constant 32 : i32
      %mul3A_609 = arith.muli %scan3A_264, %mul3A_608 : i32
      %add3A_610 = arith.constant 16 : i32
      %add3A_611 = arith.addi %mul3A_609, %add3A_610 : i32
      %add3A_612 = vector.broadcast %add3A_611 : i32 to vector<16xi32>
      %add3A_613 = arith.addi %add3A_612, %iota3A : vector<16xi32>
      %jit3A_614 = arith.constant 128 : i32
      %div3A_615 = vector.broadcast %jit3A_614 : i32 to vector<16xi32>
      %div3A_616 = arith.divsi %add3A_613, %div3A_615 : vector<16xi32>
      %sign3A_617 = arith.constant 0 : i32
      %sign3A_618 = vector.broadcast %sign3A_617 : i32 to vector<16xi32>
      %sign3A_619 = arith.cmpi sgt, %add3A_613, %sign3A_618 : vector<16xi32>
      %sign3A_620 = arith.extui %sign3A_619 : vector<16xi1> to vector<16xi32>
      %sign3A_621 = arith.constant 0 : i32
      %sign3A_622 = vector.broadcast %sign3A_621 : i32 to vector<16xi32>
      %sign3A_623 = arith.cmpi slt, %add3A_613, %sign3A_622 : vector<16xi32>
      %sign3A_624 = arith.extui %sign3A_623 : vector<16xi1> to vector<16xi32>
      %sign3A_625 = arith.subi %sign3A_620, %sign3A_624 : vector<16xi32>
      %sign3A_626 = arith.constant 0 : i32
      %sign3A_627 = arith.cmpi sgt, %jit3A_614, %sign3A_626 : i32
      %sign3A_628 = arith.extui %sign3A_627 : i1 to i32
      %sign3A_629 = arith.constant 0 : i32
      %sign3A_630 = arith.cmpi slt, %jit3A_614, %sign3A_629 : i32
      %sign3A_631 = arith.extui %sign3A_630 : i1 to i32
      %sign3A_632 = arith.subi %sign3A_628, %sign3A_631 : i32
      %ne3A_633 = vector.broadcast %sign3A_632 : i32 to vector<16xi32>
      %ne3A_634 = arith.cmpi ne, %sign3A_625, %ne3A_633 : vector<16xi32>
      %rem3A_635 = vector.broadcast %jit3A_614 : i32 to vector<16xi32>
      %rem3A_636 = arith.remsi %add3A_613, %rem3A_635 : vector<16xi32>
      %ne3A_637 = arith.constant 0 : i32
      %ne3A_638 = vector.broadcast %ne3A_637 : i32 to vector<16xi32>
      %ne3A_639 = arith.cmpi ne, %rem3A_636, %ne3A_638 : vector<16xi32>
      %and3A_640 = arith.andi %ne3A_634, %ne3A_639 : vector<16xi1>
      %sub3A_641 = arith.constant 1 : i32
      %sub3A_642 = vector.broadcast %sub3A_641 : i32 to vector<16xi32>
      %sub3A_643 = arith.subi %div3A_616, %sub3A_642 : vector<16xi32>
      %select_n3A_644 = arith.select %and3A_640, %sub3A_643, %div3A_616 : vector<16xi1>, vector<16xi32>
      %jit3A_645 = arith.constant 128 : i32
      %eq3A_646 = arith.constant 0 : i32
      %eq3A_647 = arith.cmpi eq, %jit3A_645, %eq3A_646 : i32
      %jit3A_648 = arith.constant 1 : i32
      %select_n3A_649 = arith.select %eq3A_647, %jit3A_648, %jit3A_645 : i32
      %rem3A_650 = vector.broadcast %select_n3A_649 : i32 to vector<16xi32>
      %rem3A_651 = arith.remsi %add3A_613, %rem3A_650 : vector<16xi32>
      %ne3A_652 = arith.constant 0 : i32
      %ne3A_653 = vector.broadcast %ne3A_652 : i32 to vector<16xi32>
      %ne3A_654 = arith.cmpi ne, %rem3A_651, %ne3A_653 : vector<16xi32>
      %lt3A_655 = arith.constant 0 : i32
      %lt3A_656 = vector.broadcast %lt3A_655 : i32 to vector<16xi32>
      %lt3A_657 = arith.cmpi slt, %rem3A_651, %lt3A_656 : vector<16xi32>
      %lt3A_658 = arith.constant 0 : i32
      %lt3A_659 = arith.cmpi slt, %select_n3A_649, %lt3A_658 : i32
      %ne3A_660 = vector.broadcast %lt3A_659 : i1 to vector<16xi1>
      %ne3A_661 = vector.broadcast %ne3A_660 : vector<16xi1> to vector<16xi1>
      %ne3A_662 = arith.xori %lt3A_657, %ne3A_661 : vector<16xi1>
      %and3A_663 = arith.andi %ne3A_662, %ne3A_654 : vector<16xi1>
      %add3A_664 = vector.broadcast %select_n3A_649 : i32 to vector<16xi32>
      %add3A_665 = arith.addi %rem3A_651, %add3A_664 : vector<16xi32>
      %select_n3A_666 = arith.select %and3A_663, %add3A_665, %rem3A_651 : vector<16xi1>, vector<16xi32>
      %gather3A_667 = tpu.vector_load_idx %arg13[%select_n3A_644, %select_n3A_666] : memref<4x128xi32, #tpu.memory_space<vmem>>[vector<16xi32>, vector<16xi32>], vector<16xi32>,
      %jit3A_668 = arith.constant 128 : i32
      %div3A_669 = vector.broadcast %jit3A_668 : i32 to vector<16xi32>
      %div3A_670 = arith.divsi %add3A_613, %div3A_669 : vector<16xi32>
      %sign3A_671 = arith.constant 0 : i32
      %sign3A_672 = vector.broadcast %sign3A_671 : i32 to vector<16xi32>
      %sign3A_673 = arith.cmpi sgt, %add3A_613, %sign3A_672 : vector<16xi32>
      %sign3A_674 = arith.extui %sign3A_673 : vector<16xi1> to vector<16xi32>
      %sign3A_675 = arith.constant 0 : i32
      %sign3A_676 = vector.broadcast %sign3A_675 : i32 to vector<16xi32>
      %sign3A_677 = arith.cmpi slt, %add3A_613, %sign3A_676 : vector<16xi32>
      %sign3A_678 = arith.extui %sign3A_677 : vector<16xi1> to vector<16xi32>
      %sign3A_679 = arith.subi %sign3A_674, %sign3A_678 : vector<16xi32>
      %sign3A_680 = arith.constant 0 : i32
      %sign3A_681 = arith.cmpi sgt, %jit3A_668, %sign3A_680 : i32
      %sign3A_682 = arith.extui %sign3A_681 : i1 to i32
      %sign3A_683 = arith.constant 0 : i32
      %sign3A_684 = arith.cmpi slt, %jit3A_668, %sign3A_683 : i32
      %sign3A_685 = arith.extui %sign3A_684 : i1 to i32
      %sign3A_686 = arith.subi %sign3A_682, %sign3A_685 : i32
      %ne3A_687 = vector.broadcast %sign3A_686 : i32 to vector<16xi32>
      %ne3A_688 = arith.cmpi ne, %sign3A_679, %ne3A_687 : vector<16xi32>
      %rem3A_689 = vector.broadcast %jit3A_668 : i32 to vector<16xi32>
      %rem3A_690 = arith.remsi %add3A_613, %rem3A_689 : vector<16xi32>
      %ne3A_691 = arith.constant 0 : i32
      %ne3A_692 = vector.broadcast %ne3A_691 : i32 to vector<16xi32>
      %ne3A_693 = arith.cmpi ne, %rem3A_690, %ne3A_692 : vector<16xi32>
      %and3A_694 = arith.andi %ne3A_688, %ne3A_693 : vector<16xi1>
      %sub3A_695 = arith.constant 1 : i32
      %sub3A_696 = vector.broadcast %sub3A_695 : i32 to vector<16xi32>
      %sub3A_697 = arith.subi %div3A_670, %sub3A_696 : vector<16xi32>
      %select_n3A_698 = arith.select %and3A_694, %sub3A_697, %div3A_670 : vector<16xi1>, vector<16xi32>
      %jit3A_699 = arith.constant 128 : i32
      %eq3A_700 = arith.constant 0 : i32
      %eq3A_701 = arith.cmpi eq, %jit3A_699, %eq3A_700 : i32
      %jit3A_702 = arith.constant 1 : i32
      %select_n3A_703 = arith.select %eq3A_701, %jit3A_702, %jit3A_699 : i32
      %rem3A_704 = vector.broadcast %select_n3A_703 : i32 to vector<16xi32>
      %rem3A_705 = arith.remsi %add3A_613, %rem3A_704 : vector<16xi32>
      %ne3A_706 = arith.constant 0 : i32
      %ne3A_707 = vector.broadcast %ne3A_706 : i32 to vector<16xi32>
      %ne3A_708 = arith.cmpi ne, %rem3A_705, %ne3A_707 : vector<16xi32>
      %lt3A_709 = arith.constant 0 : i32
      %lt3A_710 = vector.broadcast %lt3A_709 : i32 to vector<16xi32>
      %lt3A_711 = arith.cmpi slt, %rem3A_705, %lt3A_710 : vector<16xi32>
      %lt3A_712 = arith.constant 0 : i32
      %lt3A_713 = arith.cmpi slt, %select_n3A_703, %lt3A_712 : i32
      %ne3A_714 = vector.broadcast %lt3A_713 : i1 to vector<16xi1>
      %ne3A_715 = vector.broadcast %ne3A_714 : vector<16xi1> to vector<16xi1>
      %ne3A_716 = arith.xori %lt3A_711, %ne3A_715 : vector<16xi1>
      %and3A_717 = arith.andi %ne3A_716, %ne3A_708 : vector<16xi1>
      %add3A_718 = vector.broadcast %select_n3A_703 : i32 to vector<16xi32>
      %add3A_719 = arith.addi %rem3A_705, %add3A_718 : vector<16xi32>
      %select_n3A_720 = arith.select %and3A_717, %add3A_719, %rem3A_705 : vector<16xi1>, vector<16xi32>
      %gather3A_721 = tpu.vector_load_idx %arg12[%select_n3A_698, %select_n3A_720] : memref<4x128xi32, #tpu.memory_space<vmem>>[vector<16xi32>, vector<16xi32>], vector<16xi32>,
      %broadcast_in_dim3A_722 = arith.constant 0 : i32
      %broadcast_in_dim3A_723 = vector.broadcast %broadcast_in_dim3A_722 : i32 to vector<16xi32>
      %gather3A_724 = tpu.vector_load_idx %arg16[%add3A_613, %broadcast_in_dim3A_723] : memref<512x32xf32, #tpu.memory_space<vmem>>[vector<16xi32>, vector<16xi32>], vector<16xf32>,
      %broadcast_in_dim3A_725 = arith.constant 1 : i32
      %broadcast_in_dim3A_726 = vector.broadcast %broadcast_in_dim3A_725 : i32 to vector<16xi32>
      %gather3A_727 = tpu.vector_load_idx %arg16[%add3A_613, %broadcast_in_dim3A_726] : memref<512x32xf32, #tpu.memory_space<vmem>>[vector<16xi32>, vector<16xi32>], vector<16xf32>,
      %broadcast_in_dim3A_728 = arith.constant 2 : i32
      %broadcast_in_dim3A_729 = vector.broadcast %broadcast_in_dim3A_728 : i32 to vector<16xi32>
      %gather3A_730 = tpu.vector_load_idx %arg16[%add3A_613, %broadcast_in_dim3A_729] : memref<512x32xf32, #tpu.memory_space<vmem>>[vector<16xi32>, vector<16xi32>], vector<16xf32>,
      %broadcast_in_dim3A_731 = arith.constant 3 : i32
      %broadcast_in_dim3A_732 = vector.broadcast %broadcast_in_dim3A_731 : i32 to vector<16xi32>
      %gather3A_733 = tpu.vector_load_idx %arg16[%add3A_613, %broadcast_in_dim3A_732] : memref<512x32xf32, #tpu.memory_space<vmem>>[vector<16xi32>, vector<16xi32>], vector<16xf32>,
      %broadcast_in_dim3A_734 = arith.constant 4 : i32
      %broadcast_in_dim3A_735 = vector.broadcast %broadcast_in_dim3A_734 : i32 to vector<16xi32>
      %gather3A_736 = tpu.vector_load_idx %arg16[%add3A_613, %broadcast_in_dim3A_735] : memref<512x32xf32, #tpu.memory_space<vmem>>[vector<16xi32>, vector<16xi32>], vector<16xf32>,
      %broadcast_in_dim3A_737 = arith.constant 5 : i32
      %broadcast_in_dim3A_738 = vector.broadcast %broadcast_in_dim3A_737 : i32 to vector<16xi32>
      %gather3A_739 = tpu.vector_load_idx %arg16[%add3A_613, %broadcast_in_dim3A_738] : memref<512x32xf32, #tpu.memory_space<vmem>>[vector<16xi32>, vector<16xi32>], vector<16xf32>,
      %broadcast_in_dim3A_740 = arith.constant 6 : i32
      %broadcast_in_dim3A_741 = vector.broadcast %broadcast_in_dim3A_740 : i32 to vector<16xi32>
      %gather3A_742 = tpu.vector_load_idx %arg16[%add3A_613, %broadcast_in_dim3A_741] : memref<512x32xf32, #tpu.memory_space<vmem>>[vector<16xi32>, vector<16xi32>], vector<16xf32>,
      %broadcast_in_dim3A_743 = arith.constant 7 : i32
      %broadcast_in_dim3A_744 = vector.broadcast %broadcast_in_dim3A_743 : i32 to vector<16xi32>
      %gather3A_745 = tpu.vector_load_idx %arg16[%add3A_613, %broadcast_in_dim3A_744] : memref<512x32xf32, #tpu.memory_space<vmem>>[vector<16xi32>, vector<16xi32>], vector<16xf32>,
      %broadcast_in_dim3A_746 = arith.constant 8 : i32
      %broadcast_in_dim3A_747 = vector.broadcast %broadcast_in_dim3A_746 : i32 to vector<16xi32>
      %gather3A_748 = tpu.vector_load_idx %arg16[%add3A_613, %broadcast_in_dim3A_747] : memref<512x32xf32, #tpu.memory_space<vmem>>[vector<16xi32>, vector<16xi32>], vector<16xf32>,
      %broadcast_in_dim3A_749 = arith.constant 9 : i32
      %broadcast_in_dim3A_750 = vector.broadcast %broadcast_in_dim3A_749 : i32 to vector<16xi32>
      %gather3A_751 = tpu.vector_load_idx %arg16[%add3A_613, %broadcast_in_dim3A_750] : memref<512x32xf32, #tpu.memory_space<vmem>>[vector<16xi32>, vector<16xi32>], vector<16xf32>,
      %broadcast_in_dim3A_752 = arith.constant 10 : i32
      %broadcast_in_dim3A_753 = vector.broadcast %broadcast_in_dim3A_752 : i32 to vector<16xi32>
      %gather3A_754 = tpu.vector_load_idx %arg16[%add3A_613, %broadcast_in_dim3A_753] : memref<512x32xf32, #tpu.memory_space<vmem>>[vector<16xi32>, vector<16xi32>], vector<16xf32>,
      %broadcast_in_dim3A_755 = arith.constant 11 : i32
      %broadcast_in_dim3A_756 = vector.broadcast %broadcast_in_dim3A_755 : i32 to vector<16xi32>
      %gather3A_757 = tpu.vector_load_idx %arg16[%add3A_613, %broadcast_in_dim3A_756] : memref<512x32xf32, #tpu.memory_space<vmem>>[vector<16xi32>, vector<16xi32>], vector<16xf32>,
      %broadcast_in_dim3A_758 = arith.constant 12 : i32
      %broadcast_in_dim3A_759 = vector.broadcast %broadcast_in_dim3A_758 : i32 to vector<16xi32>
      %gather3A_760 = tpu.vector_load_idx %arg16[%add3A_613, %broadcast_in_dim3A_759] : memref<512x32xf32, #tpu.memory_space<vmem>>[vector<16xi32>, vector<16xi32>], vector<16xf32>,
      %broadcast_in_dim3A_761 = arith.constant 13 : i32
      %broadcast_in_dim3A_762 = vector.broadcast %broadcast_in_dim3A_761 : i32 to vector<16xi32>
      %gather3A_763 = tpu.vector_load_idx %arg16[%add3A_613, %broadcast_in_dim3A_762] : memref<512x32xf32, #tpu.memory_space<vmem>>[vector<16xi32>, vector<16xi32>], vector<16xf32>,
      %broadcast_in_dim3A_764 = arith.constant 14 : i32
      %broadcast_in_dim3A_765 = vector.broadcast %broadcast_in_dim3A_764 : i32 to vector<16xi32>
      %gather3A_766 = tpu.vector_load_idx %arg16[%add3A_613, %broadcast_in_dim3A_765] : memref<512x32xf32, #tpu.memory_space<vmem>>[vector<16xi32>, vector<16xi32>], vector<16xf32>,
      %broadcast_in_dim3A_767 = arith.constant 15 : i32
      %broadcast_in_dim3A_768 = vector.broadcast %broadcast_in_dim3A_767 : i32 to vector<16xi32>
      %gather3A_769 = tpu.vector_load_idx %arg16[%add3A_613, %broadcast_in_dim3A_768] : memref<512x32xf32, #tpu.memory_space<vmem>>[vector<16xi32>, vector<16xi32>], vector<16xf32>,
      %broadcast_in_dim3A_770 = arith.constant 16 : i32
      %broadcast_in_dim3A_771 = vector.broadcast %broadcast_in_dim3A_770 : i32 to vector<16xi32>
      %gather3A_772 = tpu.vector_load_idx %arg16[%add3A_613, %broadcast_in_dim3A_771] : memref<512x32xf32, #tpu.memory_space<vmem>>[vector<16xi32>, vector<16xi32>], vector<16xf32>,
      %broadcast_in_dim3A_773 = arith.constant 17 : i32
      %broadcast_in_dim3A_774 = vector.broadcast %broadcast_in_dim3A_773 : i32 to vector<16xi32>
      %gather3A_775 = tpu.vector_load_idx %arg16[%add3A_613, %broadcast_in_dim3A_774] : memref<512x32xf32, #tpu.memory_space<vmem>>[vector<16xi32>, vector<16xi32>], vector<16xf32>,
      %broadcast_in_dim3A_776 = arith.constant 18 : i32
      %broadcast_in_dim3A_777 = vector.broadcast %broadcast_in_dim3A_776 : i32 to vector<16xi32>
      %gather3A_778 = tpu.vector_load_idx %arg16[%add3A_613, %broadcast_in_dim3A_777] : memref<512x32xf32, #tpu.memory_space<vmem>>[vector<16xi32>, vector<16xi32>], vector<16xf32>,
      %broadcast_in_dim3A_779 = arith.constant 19 : i32
      %broadcast_in_dim3A_780 = vector.broadcast %broadcast_in_dim3A_779 : i32 to vector<16xi32>
      %gather3A_781 = tpu.vector_load_idx %arg16[%add3A_613, %broadcast_in_dim3A_780] : memref<512x32xf32, #tpu.memory_space<vmem>>[vector<16xi32>, vector<16xi32>], vector<16xf32>,
      %broadcast_in_dim3A_782 = arith.constant 20 : i32
      %broadcast_in_dim3A_783 = vector.broadcast %broadcast_in_dim3A_782 : i32 to vector<16xi32>
      %gather3A_784 = tpu.vector_load_idx %arg16[%add3A_613, %broadcast_in_dim3A_783] : memref<512x32xf32, #tpu.memory_space<vmem>>[vector<16xi32>, vector<16xi32>], vector<16xf32>,
      %broadcast_in_dim3A_785 = arith.constant 21 : i32
      %broadcast_in_dim3A_786 = vector.broadcast %broadcast_in_dim3A_785 : i32 to vector<16xi32>
      %gather3A_787 = tpu.vector_load_idx %arg16[%add3A_613, %broadcast_in_dim3A_786] : memref<512x32xf32, #tpu.memory_space<vmem>>[vector<16xi32>, vector<16xi32>], vector<16xf32>,
      %broadcast_in_dim3A_788 = arith.constant 22 : i32
      %broadcast_in_dim3A_789 = vector.broadcast %broadcast_in_dim3A_788 : i32 to vector<16xi32>
      %gather3A_790 = tpu.vector_load_idx %arg16[%add3A_613, %broadcast_in_dim3A_789] : memref<512x32xf32, #tpu.memory_space<vmem>>[vector<16xi32>, vector<16xi32>], vector<16xf32>,
      %broadcast_in_dim3A_791 = arith.constant 23 : i32
      %broadcast_in_dim3A_792 = vector.broadcast %broadcast_in_dim3A_791 : i32 to vector<16xi32>
      %gather3A_793 = tpu.vector_load_idx %arg16[%add3A_613, %broadcast_in_dim3A_792] : memref<512x32xf32, #tpu.memory_space<vmem>>[vector<16xi32>, vector<16xi32>], vector<16xf32>,
      %broadcast_in_dim3A_794 = arith.constant 24 : i32
      %broadcast_in_dim3A_795 = vector.broadcast %broadcast_in_dim3A_794 : i32 to vector<16xi32>
      %gather3A_796 = tpu.vector_load_idx %arg16[%add3A_613, %broadcast_in_dim3A_795] : memref<512x32xf32, #tpu.memory_space<vmem>>[vector<16xi32>, vector<16xi32>], vector<16xf32>,
      %broadcast_in_dim3A_797 = arith.constant 25 : i32
      %broadcast_in_dim3A_798 = vector.broadcast %broadcast_in_dim3A_797 : i32 to vector<16xi32>
      %gather3A_799 = tpu.vector_load_idx %arg16[%add3A_613, %broadcast_in_dim3A_798] : memref<512x32xf32, #tpu.memory_space<vmem>>[vector<16xi32>, vector<16xi32>], vector<16xf32>,
      %broadcast_in_dim3A_800 = arith.constant 26 : i32
      %broadcast_in_dim3A_801 = vector.broadcast %broadcast_in_dim3A_800 : i32 to vector<16xi32>
      %gather3A_802 = tpu.vector_load_idx %arg16[%add3A_613, %broadcast_in_dim3A_801] : memref<512x32xf32, #tpu.memory_space<vmem>>[vector<16xi32>, vector<16xi32>], vector<16xf32>,
      %broadcast_in_dim3A_803 = arith.constant 27 : i32
      %broadcast_in_dim3A_804 = vector.broadcast %broadcast_in_dim3A_803 : i32 to vector<16xi32>
      %gather3A_805 = tpu.vector_load_idx %arg16[%add3A_613, %broadcast_in_dim3A_804] : memref<512x32xf32, #tpu.memory_space<vmem>>[vector<16xi32>, vector<16xi32>], vector<16xf32>,
      %broadcast_in_dim3A_806 = arith.constant 28 : i32
      %broadcast_in_dim3A_807 = vector.broadcast %broadcast_in_dim3A_806 : i32 to vector<16xi32>
      %gather3A_808 = tpu.vector_load_idx %arg16[%add3A_613, %broadcast_in_dim3A_807] : memref<512x32xf32, #tpu.memory_space<vmem>>[vector<16xi32>, vector<16xi32>], vector<16xf32>,
      %broadcast_in_dim3A_809 = arith.constant 29 : i32
      %broadcast_in_dim3A_810 = vector.broadcast %broadcast_in_dim3A_809 : i32 to vector<16xi32>
      %gather3A_811 = tpu.vector_load_idx %arg16[%add3A_613, %broadcast_in_dim3A_810] : memref<512x32xf32, #tpu.memory_space<vmem>>[vector<16xi32>, vector<16xi32>], vector<16xf32>,
      %broadcast_in_dim3A_812 = arith.constant 30 : i32
      %broadcast_in_dim3A_813 = vector.broadcast %broadcast_in_dim3A_812 : i32 to vector<16xi32>
      %gather3A_814 = tpu.vector_load_idx %arg16[%add3A_613, %broadcast_in_dim3A_813] : memref<512x32xf32, #tpu.memory_space<vmem>>[vector<16xi32>, vector<16xi32>], vector<16xf32>,
      %broadcast_in_dim3A_815 = arith.constant 31 : i32
      %broadcast_in_dim3A_816 = vector.broadcast %broadcast_in_dim3A_815 : i32 to vector<16xi32>
      %gather3A_817 = tpu.vector_load_idx %arg16[%add3A_613, %broadcast_in_dim3A_816] : memref<512x32xf32, #tpu.memory_space<vmem>>[vector<16xi32>, vector<16xi32>], vector<16xf32>,
      %add3A_818 = arith.constant 16 : i32
      %add3A_819 = vector.broadcast %add3A_818 : i32 to vector<16xi32>
      %add3A_820 = arith.addi %add3A_819, %iota3A : vector<16xi32>
      %mul3A_821 = arith.constant 24 : i32
      %mul3A_822 = vector.broadcast %mul3A_821 : i32 to vector<16xi32>
      %mul3A_823 = arith.muli %add3A_820, %mul3A_822 : vector<16xi32>
      %scan3A_824 = arith.constant 0 : i32
      %scan3A_825 = arith.constant 0 : i32
      %scan3A_826 = arith.constant 24 : i32
      %scan3A_827 = arith.addi %scan3A_825, %scan3A_826 : i32
      %scan3A_828 = arith.constant 1 : i32
      scf.for %scan3A_830 = %scan3A_825 to %scan3A_827 step %scan3A_828  : i32 {
        %broadcast_in_dim3A_831 = vector.broadcast %scan3A_830 : i32 to vector<16xi32>
        %add3A_832 = vector.broadcast %scan3A_830 : i32 to vector<16xi32>
        %add3A_833 = arith.addi %mul3A_823, %add3A_832 : vector<16xi32>
        %broadcast_in_dim3A_834 = arith.constant 0 : i32
        %broadcast_in_dim3A_835 = vector.broadcast %broadcast_in_dim3A_834 : i32 to vector<16xi32>
        %gather3A_836 = tpu.vector_load_idx %arg18[%add3A_833, %broadcast_in_dim3A_835] : memref<768x32xf32, #tpu.memory_space<vmem>>[vector<16xi32>, vector<16xi32>], vector<16xf32>,
        %mul3A_837 = arith.mulf %gather3A_724, %gather3A_836 : vector<16xf32>
        %add3A_838 = arith.addf %broadcast_in_dim3A_3, %mul3A_837 : vector<16xf32>
        %add3A_839 = vector.broadcast %scan3A_830 : i32 to vector<16xi32>
        %add3A_840 = arith.addi %mul3A_823, %add3A_839 : vector<16xi32>
        %broadcast_in_dim3A_841 = arith.constant 1 : i32
        %broadcast_in_dim3A_842 = vector.broadcast %broadcast_in_dim3A_841 : i32 to vector<16xi32>
        %gather3A_843 = tpu.vector_load_idx %arg18[%add3A_840, %broadcast_in_dim3A_842] : memref<768x32xf32, #tpu.memory_space<vmem>>[vector<16xi32>, vector<16xi32>], vector<16xf32>,
        %mul3A_844 = arith.mulf %gather3A_727, %gather3A_843 : vector<16xf32>
        %add3A_845 = arith.addf %add3A_838, %mul3A_844 : vector<16xf32>
        %add3A_846 = vector.broadcast %scan3A_830 : i32 to vector<16xi32>
        %add3A_847 = arith.addi %mul3A_823, %add3A_846 : vector<16xi32>
        %broadcast_in_dim3A_848 = arith.constant 2 : i32
        %broadcast_in_dim3A_849 = vector.broadcast %broadcast_in_dim3A_848 : i32 to vector<16xi32>
        %gather3A_850 = tpu.vector_load_idx %arg18[%add3A_847, %broadcast_in_dim3A_849] : memref<768x32xf32, #tpu.memory_space<vmem>>[vector<16xi32>, vector<16xi32>], vector<16xf32>,
        %mul3A_851 = arith.mulf %gather3A_730, %gather3A_850 : vector<16xf32>
        %add3A_852 = arith.addf %add3A_845, %mul3A_851 : vector<16xf32>
        %add3A_853 = vector.broadcast %scan3A_830 : i32 to vector<16xi32>
        %add3A_854 = arith.addi %mul3A_823, %add3A_853 : vector<16xi32>
        %broadcast_in_dim3A_855 = arith.constant 3 : i32
        %broadcast_in_dim3A_856 = vector.broadcast %broadcast_in_dim3A_855 : i32 to vector<16xi32>
        %gather3A_857 = tpu.vector_load_idx %arg18[%add3A_854, %broadcast_in_dim3A_856] : memref<768x32xf32, #tpu.memory_space<vmem>>[vector<16xi32>, vector<16xi32>], vector<16xf32>,
        %mul3A_858 = arith.mulf %gather3A_733, %gather3A_857 : vector<16xf32>
        %add3A_859 = arith.addf %add3A_852, %mul3A_858 : vector<16xf32>
        %add3A_860 = vector.broadcast %scan3A_830 : i32 to vector<16xi32>
        %add3A_861 = arith.addi %mul3A_823, %add3A_860 : vector<16xi32>
        %broadcast_in_dim3A_862 = arith.constant 4 : i32
        %broadcast_in_dim3A_863 = vector.broadcast %broadcast_in_dim3A_862 : i32 to vector<16xi32>
        %gather3A_864 = tpu.vector_load_idx %arg18[%add3A_861, %broadcast_in_dim3A_863] : memref<768x32xf32, #tpu.memory_space<vmem>>[vector<16xi32>, vector<16xi32>], vector<16xf32>,
        %mul3A_865 = arith.mulf %gather3A_736, %gather3A_864 : vector<16xf32>
        %add3A_866 = arith.addf %add3A_859, %mul3A_865 : vector<16xf32>
        %add3A_867 = vector.broadcast %scan3A_830 : i32 to vector<16xi32>
        %add3A_868 = arith.addi %mul3A_823, %add3A_867 : vector<16xi32>
        %broadcast_in_dim3A_869 = arith.constant 5 : i32
        %broadcast_in_dim3A_870 = vector.broadcast %broadcast_in_dim3A_869 : i32 to vector<16xi32>
        %gather3A_871 = tpu.vector_load_idx %arg18[%add3A_868, %broadcast_in_dim3A_870] : memref<768x32xf32, #tpu.memory_space<vmem>>[vector<16xi32>, vector<16xi32>], vector<16xf32>,
        %mul3A_872 = arith.mulf %gather3A_739, %gather3A_871 : vector<16xf32>
        %add3A_873 = arith.addf %add3A_866, %mul3A_872 : vector<16xf32>
        %add3A_874 = vector.broadcast %scan3A_830 : i32 to vector<16xi32>
        %add3A_875 = arith.addi %mul3A_823, %add3A_874 : vector<16xi32>
        %broadcast_in_dim3A_876 = arith.constant 6 : i32
        %broadcast_in_dim3A_877 = vector.broadcast %broadcast_in_dim3A_876 : i32 to vector<16xi32>
        %gather3A_878 = tpu.vector_load_idx %arg18[%add3A_875, %broadcast_in_dim3A_877] : memref<768x32xf32, #tpu.memory_space<vmem>>[vector<16xi32>, vector<16xi32>], vector<16xf32>,
        %mul3A_879 = arith.mulf %gather3A_742, %gather3A_878 : vector<16xf32>
        %add3A_880 = arith.addf %add3A_873, %mul3A_879 : vector<16xf32>
        %add3A_881 = vector.broadcast %scan3A_830 : i32 to vector<16xi32>
        %add3A_882 = arith.addi %mul3A_823, %add3A_881 : vector<16xi32>
        %broadcast_in_dim3A_883 = arith.constant 7 : i32
        %broadcast_in_dim3A_884 = vector.broadcast %broadcast_in_dim3A_883 : i32 to vector<16xi32>
        %gather3A_885 = tpu.vector_load_idx %arg18[%add3A_882, %broadcast_in_dim3A_884] : memref<768x32xf32, #tpu.memory_space<vmem>>[vector<16xi32>, vector<16xi32>], vector<16xf32>,
        %mul3A_886 = arith.mulf %gather3A_745, %gather3A_885 : vector<16xf32>
        %add3A_887 = arith.addf %add3A_880, %mul3A_886 : vector<16xf32>
        %add3A_888 = vector.broadcast %scan3A_830 : i32 to vector<16xi32>
        %add3A_889 = arith.addi %mul3A_823, %add3A_888 : vector<16xi32>
        %broadcast_in_dim3A_890 = arith.constant 8 : i32
        %broadcast_in_dim3A_891 = vector.broadcast %broadcast_in_dim3A_890 : i32 to vector<16xi32>
        %gather3A_892 = tpu.vector_load_idx %arg18[%add3A_889, %broadcast_in_dim3A_891] : memref<768x32xf32, #tpu.memory_space<vmem>>[vector<16xi32>, vector<16xi32>], vector<16xf32>,
        %mul3A_893 = arith.mulf %gather3A_748, %gather3A_892 : vector<16xf32>
        %add3A_894 = arith.addf %add3A_887, %mul3A_893 : vector<16xf32>
        %add3A_895 = vector.broadcast %scan3A_830 : i32 to vector<16xi32>
        %add3A_896 = arith.addi %mul3A_823, %add3A_895 : vector<16xi32>
        %broadcast_in_dim3A_897 = arith.constant 9 : i32
        %broadcast_in_dim3A_898 = vector.broadcast %broadcast_in_dim3A_897 : i32 to vector<16xi32>
        %gather3A_899 = tpu.vector_load_idx %arg18[%add3A_896, %broadcast_in_dim3A_898] : memref<768x32xf32, #tpu.memory_space<vmem>>[vector<16xi32>, vector<16xi32>], vector<16xf32>,
        %mul3A_900 = arith.mulf %gather3A_751, %gather3A_899 : vector<16xf32>
        %add3A_901 = arith.addf %add3A_894, %mul3A_900 : vector<16xf32>
        %add3A_902 = vector.broadcast %scan3A_830 : i32 to vector<16xi32>
        %add3A_903 = arith.addi %mul3A_823, %add3A_902 : vector<16xi32>
        %broadcast_in_dim3A_904 = arith.constant 10 : i32
        %broadcast_in_dim3A_905 = vector.broadcast %broadcast_in_dim3A_904 : i32 to vector<16xi32>
        %gather3A_906 = tpu.vector_load_idx %arg18[%add3A_903, %broadcast_in_dim3A_905] : memref<768x32xf32, #tpu.memory_space<vmem>>[vector<16xi32>, vector<16xi32>], vector<16xf32>,
        %mul3A_907 = arith.mulf %gather3A_754, %gather3A_906 : vector<16xf32>
        %add3A_908 = arith.addf %add3A_901, %mul3A_907 : vector<16xf32>
        %add3A_909 = vector.broadcast %scan3A_830 : i32 to vector<16xi32>
        %add3A_910 = arith.addi %mul3A_823, %add3A_909 : vector<16xi32>
        %broadcast_in_dim3A_911 = arith.constant 11 : i32
        %broadcast_in_dim3A_912 = vector.broadcast %broadcast_in_dim3A_911 : i32 to vector<16xi32>
        %gather3A_913 = tpu.vector_load_idx %arg18[%add3A_910, %broadcast_in_dim3A_912] : memref<768x32xf32, #tpu.memory_space<vmem>>[vector<16xi32>, vector<16xi32>], vector<16xf32>,
        %mul3A_914 = arith.mulf %gather3A_757, %gather3A_913 : vector<16xf32>
        %add3A_915 = arith.addf %add3A_908, %mul3A_914 : vector<16xf32>
        %add3A_916 = vector.broadcast %scan3A_830 : i32 to vector<16xi32>
        %add3A_917 = arith.addi %mul3A_823, %add3A_916 : vector<16xi32>
        %broadcast_in_dim3A_918 = arith.constant 12 : i32
        %broadcast_in_dim3A_919 = vector.broadcast %broadcast_in_dim3A_918 : i32 to vector<16xi32>
        %gather3A_920 = tpu.vector_load_idx %arg18[%add3A_917, %broadcast_in_dim3A_919] : memref<768x32xf32, #tpu.memory_space<vmem>>[vector<16xi32>, vector<16xi32>], vector<16xf32>,
        %mul3A_921 = arith.mulf %gather3A_760, %gather3A_920 : vector<16xf32>
        %add3A_922 = arith.addf %add3A_915, %mul3A_921 : vector<16xf32>
        %add3A_923 = vector.broadcast %scan3A_830 : i32 to vector<16xi32>
        %add3A_924 = arith.addi %mul3A_823, %add3A_923 : vector<16xi32>
        %broadcast_in_dim3A_925 = arith.constant 13 : i32
        %broadcast_in_dim3A_926 = vector.broadcast %broadcast_in_dim3A_925 : i32 to vector<16xi32>
        %gather3A_927 = tpu.vector_load_idx %arg18[%add3A_924, %broadcast_in_dim3A_926] : memref<768x32xf32, #tpu.memory_space<vmem>>[vector<16xi32>, vector<16xi32>], vector<16xf32>,
        %mul3A_928 = arith.mulf %gather3A_763, %gather3A_927 : vector<16xf32>
        %add3A_929 = arith.addf %add3A_922, %mul3A_928 : vector<16xf32>
        %add3A_930 = vector.broadcast %scan3A_830 : i32 to vector<16xi32>
        %add3A_931 = arith.addi %mul3A_823, %add3A_930 : vector<16xi32>
        %broadcast_in_dim3A_932 = arith.constant 14 : i32
        %broadcast_in_dim3A_933 = vector.broadcast %broadcast_in_dim3A_932 : i32 to vector<16xi32>
        %gather3A_934 = tpu.vector_load_idx %arg18[%add3A_931, %broadcast_in_dim3A_933] : memref<768x32xf32, #tpu.memory_space<vmem>>[vector<16xi32>, vector<16xi32>], vector<16xf32>,
        %mul3A_935 = arith.mulf %gather3A_766, %gather3A_934 : vector<16xf32>
        %add3A_936 = arith.addf %add3A_929, %mul3A_935 : vector<16xf32>
        %add3A_937 = vector.broadcast %scan3A_830 : i32 to vector<16xi32>
        %add3A_938 = arith.addi %mul3A_823, %add3A_937 : vector<16xi32>
        %broadcast_in_dim3A_939 = arith.constant 15 : i32
        %broadcast_in_dim3A_940 = vector.broadcast %broadcast_in_dim3A_939 : i32 to vector<16xi32>
        %gather3A_941 = tpu.vector_load_idx %arg18[%add3A_938, %broadcast_in_dim3A_940] : memref<768x32xf32, #tpu.memory_space<vmem>>[vector<16xi32>, vector<16xi32>], vector<16xf32>,
        %mul3A_942 = arith.mulf %gather3A_769, %gather3A_941 : vector<16xf32>
        %add3A_943 = arith.addf %add3A_936, %mul3A_942 : vector<16xf32>
        %add3A_944 = vector.broadcast %scan3A_830 : i32 to vector<16xi32>
        %add3A_945 = arith.addi %mul3A_823, %add3A_944 : vector<16xi32>
        %broadcast_in_dim3A_946 = arith.constant 16 : i32
        %broadcast_in_dim3A_947 = vector.broadcast %broadcast_in_dim3A_946 : i32 to vector<16xi32>
        %gather3A_948 = tpu.vector_load_idx %arg18[%add3A_945, %broadcast_in_dim3A_947] : memref<768x32xf32, #tpu.memory_space<vmem>>[vector<16xi32>, vector<16xi32>], vector<16xf32>,
        %mul3A_949 = arith.mulf %gather3A_772, %gather3A_948 : vector<16xf32>
        %add3A_950 = arith.addf %add3A_943, %mul3A_949 : vector<16xf32>
        %add3A_951 = vector.broadcast %scan3A_830 : i32 to vector<16xi32>
        %add3A_952 = arith.addi %mul3A_823, %add3A_951 : vector<16xi32>
        %broadcast_in_dim3A_953 = arith.constant 17 : i32
        %broadcast_in_dim3A_954 = vector.broadcast %broadcast_in_dim3A_953 : i32 to vector<16xi32>
        %gather3A_955 = tpu.vector_load_idx %arg18[%add3A_952, %broadcast_in_dim3A_954] : memref<768x32xf32, #tpu.memory_space<vmem>>[vector<16xi32>, vector<16xi32>], vector<16xf32>,
        %mul3A_956 = arith.mulf %gather3A_775, %gather3A_955 : vector<16xf32>
        %add3A_957 = arith.addf %add3A_950, %mul3A_956 : vector<16xf32>
        %add3A_958 = vector.broadcast %scan3A_830 : i32 to vector<16xi32>
        %add3A_959 = arith.addi %mul3A_823, %add3A_958 : vector<16xi32>
        %broadcast_in_dim3A_960 = arith.constant 18 : i32
        %broadcast_in_dim3A_961 = vector.broadcast %broadcast_in_dim3A_960 : i32 to vector<16xi32>
        %gather3A_962 = tpu.vector_load_idx %arg18[%add3A_959, %broadcast_in_dim3A_961] : memref<768x32xf32, #tpu.memory_space<vmem>>[vector<16xi32>, vector<16xi32>], vector<16xf32>,
        %mul3A_963 = arith.mulf %gather3A_778, %gather3A_962 : vector<16xf32>
        %add3A_964 = arith.addf %add3A_957, %mul3A_963 : vector<16xf32>
        %add3A_965 = vector.broadcast %scan3A_830 : i32 to vector<16xi32>
        %add3A_966 = arith.addi %mul3A_823, %add3A_965 : vector<16xi32>
        %broadcast_in_dim3A_967 = arith.constant 19 : i32
        %broadcast_in_dim3A_968 = vector.broadcast %broadcast_in_dim3A_967 : i32 to vector<16xi32>
        %gather3A_969 = tpu.vector_load_idx %arg18[%add3A_966, %broadcast_in_dim3A_968] : memref<768x32xf32, #tpu.memory_space<vmem>>[vector<16xi32>, vector<16xi32>], vector<16xf32>,
        %mul3A_970 = arith.mulf %gather3A_781, %gather3A_969 : vector<16xf32>
        %add3A_971 = arith.addf %add3A_964, %mul3A_970 : vector<16xf32>
        %add3A_972 = vector.broadcast %scan3A_830 : i32 to vector<16xi32>
        %add3A_973 = arith.addi %mul3A_823, %add3A_972 : vector<16xi32>
        %broadcast_in_dim3A_974 = arith.constant 20 : i32
        %broadcast_in_dim3A_975 = vector.broadcast %broadcast_in_dim3A_974 : i32 to vector<16xi32>
        %gather3A_976 = tpu.vector_load_idx %arg18[%add3A_973, %broadcast_in_dim3A_975] : memref<768x32xf32, #tpu.memory_space<vmem>>[vector<16xi32>, vector<16xi32>], vector<16xf32>,
        %mul3A_977 = arith.mulf %gather3A_784, %gather3A_976 : vector<16xf32>
        %add3A_978 = arith.addf %add3A_971, %mul3A_977 : vector<16xf32>
        %add3A_979 = vector.broadcast %scan3A_830 : i32 to vector<16xi32>
        %add3A_980 = arith.addi %mul3A_823, %add3A_979 : vector<16xi32>
        %broadcast_in_dim3A_981 = arith.constant 21 : i32
        %broadcast_in_dim3A_982 = vector.broadcast %broadcast_in_dim3A_981 : i32 to vector<16xi32>
        %gather3A_983 = tpu.vector_load_idx %arg18[%add3A_980, %broadcast_in_dim3A_982] : memref<768x32xf32, #tpu.memory_space<vmem>>[vector<16xi32>, vector<16xi32>], vector<16xf32>,
        %mul3A_984 = arith.mulf %gather3A_787, %gather3A_983 : vector<16xf32>
        %add3A_985 = arith.addf %add3A_978, %mul3A_984 : vector<16xf32>
        %add3A_986 = vector.broadcast %scan3A_830 : i32 to vector<16xi32>
        %add3A_987 = arith.addi %mul3A_823, %add3A_986 : vector<16xi32>
        %broadcast_in_dim3A_988 = arith.constant 22 : i32
        %broadcast_in_dim3A_989 = vector.broadcast %broadcast_in_dim3A_988 : i32 to vector<16xi32>
        %gather3A_990 = tpu.vector_load_idx %arg18[%add3A_987, %broadcast_in_dim3A_989] : memref<768x32xf32, #tpu.memory_space<vmem>>[vector<16xi32>, vector<16xi32>], vector<16xf32>,
        %mul3A_991 = arith.mulf %gather3A_790, %gather3A_990 : vector<16xf32>
        %add3A_992 = arith.addf %add3A_985, %mul3A_991 : vector<16xf32>
        %add3A_993 = vector.broadcast %scan3A_830 : i32 to vector<16xi32>
        %add3A_994 = arith.addi %mul3A_823, %add3A_993 : vector<16xi32>
        %broadcast_in_dim3A_995 = arith.constant 23 : i32
        %broadcast_in_dim3A_996 = vector.broadcast %broadcast_in_dim3A_995 : i32 to vector<16xi32>
        %gather3A_997 = tpu.vector_load_idx %arg18[%add3A_994, %broadcast_in_dim3A_996] : memref<768x32xf32, #tpu.memory_space<vmem>>[vector<16xi32>, vector<16xi32>], vector<16xf32>,
        %mul3A_998 = arith.mulf %gather3A_793, %gather3A_997 : vector<16xf32>
        %add3A_999 = arith.addf %add3A_992, %mul3A_998 : vector<16xf32>
        %add3A_1000 = vector.broadcast %scan3A_830 : i32 to vector<16xi32>
        %add3A_1001 = arith.addi %mul3A_823, %add3A_1000 : vector<16xi32>
        %broadcast_in_dim3A_1002 = arith.constant 24 : i32
        %broadcast_in_dim3A_1003 = vector.broadcast %broadcast_in_dim3A_1002 : i32 to vector<16xi32>
        %gather3A_1004 = tpu.vector_load_idx %arg18[%add3A_1001, %broadcast_in_dim3A_1003] : memref<768x32xf32, #tpu.memory_space<vmem>>[vector<16xi32>, vector<16xi32>], vector<16xf32>,
        %mul3A_1005 = arith.mulf %gather3A_796, %gather3A_1004 : vector<16xf32>
        %add3A_1006 = arith.addf %add3A_999, %mul3A_1005 : vector<16xf32>
        %add3A_1007 = vector.broadcast %scan3A_830 : i32 to vector<16xi32>
        %add3A_1008 = arith.addi %mul3A_823, %add3A_1007 : vector<16xi32>
        %broadcast_in_dim3A_1009 = arith.constant 25 : i32
        %broadcast_in_dim3A_1010 = vector.broadcast %broadcast_in_dim3A_1009 : i32 to vector<16xi32>
        %gather3A_1011 = tpu.vector_load_idx %arg18[%add3A_1008, %broadcast_in_dim3A_1010] : memref<768x32xf32, #tpu.memory_space<vmem>>[vector<16xi32>, vector<16xi32>], vector<16xf32>,
        %mul3A_1012 = arith.mulf %gather3A_799, %gather3A_1011 : vector<16xf32>
        %add3A_1013 = arith.addf %add3A_1006, %mul3A_1012 : vector<16xf32>
        %add3A_1014 = vector.broadcast %scan3A_830 : i32 to vector<16xi32>
        %add3A_1015 = arith.addi %mul3A_823, %add3A_1014 : vector<16xi32>
        %broadcast_in_dim3A_1016 = arith.constant 26 : i32
        %broadcast_in_dim3A_1017 = vector.broadcast %broadcast_in_dim3A_1016 : i32 to vector<16xi32>
        %gather3A_1018 = tpu.vector_load_idx %arg18[%add3A_1015, %broadcast_in_dim3A_1017] : memref<768x32xf32, #tpu.memory_space<vmem>>[vector<16xi32>, vector<16xi32>], vector<16xf32>,
        %mul3A_1019 = arith.mulf %gather3A_802, %gather3A_1018 : vector<16xf32>
        %add3A_1020 = arith.addf %add3A_1013, %mul3A_1019 : vector<16xf32>
        %add3A_1021 = vector.broadcast %scan3A_830 : i32 to vector<16xi32>
        %add3A_1022 = arith.addi %mul3A_823, %add3A_1021 : vector<16xi32>
        %broadcast_in_dim3A_1023 = arith.constant 27 : i32
        %broadcast_in_dim3A_1024 = vector.broadcast %broadcast_in_dim3A_1023 : i32 to vector<16xi32>
        %gather3A_1025 = tpu.vector_load_idx %arg18[%add3A_1022, %broadcast_in_dim3A_1024] : memref<768x32xf32, #tpu.memory_space<vmem>>[vector<16xi32>, vector<16xi32>], vector<16xf32>,
        %mul3A_1026 = arith.mulf %gather3A_805, %gather3A_1025 : vector<16xf32>
        %add3A_1027 = arith.addf %add3A_1020, %mul3A_1026 : vector<16xf32>
        %add3A_1028 = vector.broadcast %scan3A_830 : i32 to vector<16xi32>
        %add3A_1029 = arith.addi %mul3A_823, %add3A_1028 : vector<16xi32>
        %broadcast_in_dim3A_1030 = arith.constant 28 : i32
        %broadcast_in_dim3A_1031 = vector.broadcast %broadcast_in_dim3A_1030 : i32 to vector<16xi32>
        %gather3A_1032 = tpu.vector_load_idx %arg18[%add3A_1029, %broadcast_in_dim3A_1031] : memref<768x32xf32, #tpu.memory_space<vmem>>[vector<16xi32>, vector<16xi32>], vector<16xf32>,
        %mul3A_1033 = arith.mulf %gather3A_808, %gather3A_1032 : vector<16xf32>
        %add3A_1034 = arith.addf %add3A_1027, %mul3A_1033 : vector<16xf32>
        %add3A_1035 = vector.broadcast %scan3A_830 : i32 to vector<16xi32>
        %add3A_1036 = arith.addi %mul3A_823, %add3A_1035 : vector<16xi32>
        %broadcast_in_dim3A_1037 = arith.constant 29 : i32
        %broadcast_in_dim3A_1038 = vector.broadcast %broadcast_in_dim3A_1037 : i32 to vector<16xi32>
        %gather3A_1039 = tpu.vector_load_idx %arg18[%add3A_1036, %broadcast_in_dim3A_1038] : memref<768x32xf32, #tpu.memory_space<vmem>>[vector<16xi32>, vector<16xi32>], vector<16xf32>,
        %mul3A_1040 = arith.mulf %gather3A_811, %gather3A_1039 : vector<16xf32>
        %add3A_1041 = arith.addf %add3A_1034, %mul3A_1040 : vector<16xf32>
        %add3A_1042 = vector.broadcast %scan3A_830 : i32 to vector<16xi32>
        %add3A_1043 = arith.addi %mul3A_823, %add3A_1042 : vector<16xi32>
        %broadcast_in_dim3A_1044 = arith.constant 30 : i32
        %broadcast_in_dim3A_1045 = vector.broadcast %broadcast_in_dim3A_1044 : i32 to vector<16xi32>
        %gather3A_1046 = tpu.vector_load_idx %arg18[%add3A_1043, %broadcast_in_dim3A_1045] : memref<768x32xf32, #tpu.memory_space<vmem>>[vector<16xi32>, vector<16xi32>], vector<16xf32>,
        %mul3A_1047 = arith.mulf %gather3A_814, %gather3A_1046 : vector<16xf32>
        %add3A_1048 = arith.addf %add3A_1041, %mul3A_1047 : vector<16xf32>
        %add3A_1049 = vector.broadcast %scan3A_830 : i32 to vector<16xi32>
        %add3A_1050 = arith.addi %mul3A_823, %add3A_1049 : vector<16xi32>
        %broadcast_in_dim3A_1051 = arith.constant 31 : i32
        %broadcast_in_dim3A_1052 = vector.broadcast %broadcast_in_dim3A_1051 : i32 to vector<16xi32>
        %gather3A_1053 = tpu.vector_load_idx %arg18[%add3A_1050, %broadcast_in_dim3A_1052] : memref<768x32xf32, #tpu.memory_space<vmem>>[vector<16xi32>, vector<16xi32>], vector<16xf32>,
        %mul3A_1054 = arith.mulf %gather3A_817, %gather3A_1053 : vector<16xf32>
        %add3A_1055 = arith.addf %add3A_1048, %mul3A_1054 : vector<16xf32>
        %shift_right_logical3A = vector.broadcast %scan3A_830 : i32 to vector<16xi32>
        %shift_right_logical3A_1056 = arith.shrui %gather3A_721, %shift_right_logical3A : vector<16xi32>
        %and3A_1057 = arith.constant 1 : i32
        %and3A_1058 = vector.broadcast %and3A_1057 : i32 to vector<16xi32>
        %and3A_1059 = arith.andi %shift_right_logical3A_1056, %and3A_1058 : vector<16xi32>
        %convert_element_type3A = arith.sitofp %and3A_1059 : vector<16xi32> to vector<16xf32>
        %mul3A_1060 = arith.constant 2.000000e+00 : f32
        %mul3A_1061 = vector.broadcast %mul3A_1060 : f32 to vector<16xf32>
        %mul3A_1062 = arith.mulf %convert_element_type3A, %mul3A_1061 : vector<16xf32>
        %sub3A_1063 = arith.constant 1.000000e+00 : f32
        %sub3A_1064 = vector.broadcast %sub3A_1063 : f32 to vector<16xf32>
        %sub3A_1065 = arith.subf %mul3A_1062, %sub3A_1064 : vector<16xf32>
        %lt3A_1066 = arith.cmpi slt, %broadcast_in_dim3A_831, %gather3A_667 : vector<16xi32>
        %mul3A_1067 = arith.mulf %sub3A_1065, %add3A_1055 : vector<16xf32>
        %jit3A_1068 = arith.constant 4.000000e+01 : f32
        %broadcast_in_dim3A_1069 = vector.broadcast %jit3A_1068 : f32 to vector<16xf32>
        %select_n3A_1070 = arith.select %lt3A_1066, %mul3A_1067, %broadcast_in_dim3A_1069 : vector<16xi1>, vector<16xf32>
        tpu.vector_store_idx %arg19[%add3A_613, %broadcast_in_dim3A_831], %select_n3A_1070 : memref<512x24xf32, #tpu.memory_space<vmem>>[vector<16xi32>, vector<16xi32>], vector<16xf32>,
      }
      %scan3A_829 = arith.constant 24 : i32
    }
    %scan3A_263 = arith.constant 16 : i32
    "tpu.region"() ({
      %run_scoped3A = tpu.sem_alloc : memref<!tpu.dma_semaphore, #tpu.memory_space<semaphore_mem>>
      %dma_start3A_264 = arith.constant 0 : i32
      %dma_start3A_265 = tpu.memref_slice %arg9[%mul3A_2, %dma_start3A_264] : memref<16384x24xf32, #tpu.memory_space<hbm>> -> memref<512x24xf32, #tpu.memory_space<hbm>>
      %dma_start3A_266 = arith.constant 0 : i32
      %dma_start3A_267 = tpu.memref_slice %arg9[%mul3A_2, %dma_start3A_266] : memref<16384x24xf32, #tpu.memory_space<hbm>> -> memref<512x24xf32, #tpu.memory_space<hbm>>
      tpu.enqueue_dma source(%arg19 : memref<512x24xf32, #tpu.memory_space<vmem>>) target(%dma_start3A_267 : memref<512x24xf32, #tpu.memory_space<hbm>>) target_semaphore(%run_scoped3A : memref<!tpu.dma_semaphore, #tpu.memory_space<semaphore_mem>>)
      %dma_wait3A_268 = arith.constant 0 : i32
      %dma_wait3A_269 = tpu.memref_slice %arg9[%mul3A_2, %dma_wait3A_268] : memref<16384x24xf32, #tpu.memory_space<hbm>> -> memref<512x24xf32, #tpu.memory_space<hbm>>
      %dma_wait3A_270 = arith.constant 0 : i32
      %dma_wait3A_271 = tpu.memref_slice %arg9[%mul3A_2, %dma_wait3A_270] : memref<16384x24xf32, #tpu.memory_space<hbm>> -> memref<512x24xf32, #tpu.memory_space<hbm>>
      tpu.wait_dma2 semaphore(%run_scoped3A : memref<!tpu.dma_semaphore, #tpu.memory_space<semaphore_mem>>) src(%arg19 : memref<512x24xf32, #tpu.memory_space<vmem>>) dst(%dma_wait3A_271 : memref<512x24xf32, #tpu.memory_space<hbm>>)
      tpu.yield
    }) : () -> ()
    return
  }
}

module attributes {stable_mosaic.version = 14 : i64} {
  func.func @_loss_body(%arg0: memref<3072x128xf32, #tpu.memory_space<vmem>>, %arg1: memref<1x1xf32, #tpu.memory_space<smem>>) attributes {dimension_semantics = [], scalar_prefetch = 0 : i64, scratch_operands = 0 : i64, tpu.core_type = #tpu.core_type<tc>} {
    %get3A = arith.constant 0 : index
    %get3A_0 = arith.constant 0 : index
    %get3A_1 = vector.load %arg0[%get3A, %get3A_0] : memref<3072x128xf32, #tpu.memory_space<vmem>>, vector<3072x128xf32>
    %abs3A = math.absf %get3A_1 : vector<3072x128xf32>
    %neg3A = arith.constant 0.000000e+00 : f32
    %neg3A_2 = vector.broadcast %neg3A : f32 to vector<3072x128xf32>
    %neg3A_3 = arith.subf %neg3A_2, %abs3A : vector<3072x128xf32>
    %exp3A = math.exp %neg3A_3 : vector<3072x128xf32>
    %add3A = arith.constant 1.000000e+00 : f32
    %add3A_4 = vector.broadcast %add3A : f32 to vector<3072x128xf32>
    %add3A_5 = arith.addf %add3A_4, %exp3A : vector<3072x128xf32>
    %log3A = math.log %add3A_5 : vector<3072x128xf32>
    %min3A = arith.constant 0.000000e+00 : f32
    %min3A_6 = vector.broadcast %min3A : f32 to vector<3072x128xf32>
    %min3A_7 = arith.minimumf %get3A_1, %min3A_6 : vector<3072x128xf32>
    %sub3A = arith.subf %log3A, %min3A_7 : vector<3072x128xf32>
    %reduce_sum3A = vector.shape_cast %sub3A : vector<3072x128xf32> to vector<1x3072x128xf32>
    %reduce_sum3A_8 = arith.constant dense<0.000000e+00> : vector<1xf32>
    %reduce_sum3A_9 = vector.multi_reduction <add>, %reduce_sum3A, %reduce_sum3A_8 [1, 2] : vector<1x3072x128xf32> to vector<1xf32>
    %reduce_sum3A_10 = vector.shape_cast %reduce_sum3A_9 : vector<1xf32> to vector<1x1x1xf32>
    %reduce_sum3A_11 = vector.extract %reduce_sum3A_10[0, 0, 0] : f32 from vector<1x1x1xf32>
    %mul3A = arith.constant 6.10351563E-5 : f32
    %mul3A_12 = arith.mulf %reduce_sum3A_11, %mul3A : f32
    %swap3A = arith.constant 0 : index
    %swap3A_13 = arith.constant 0 : index
    %swap3A_14 = memref.load %arg1[%swap3A, %swap3A_13] : memref<1x1xf32, #tpu.memory_space<smem>>
    memref.store %mul3A_12, %arg1[%swap3A, %swap3A_13] : memref<1x1xf32, #tpu.memory_space<smem>>
    return
  }
}

</mosaic_0001>

<sc_bundles>
// kernel: _impl.4.cloned.1.call-start
scs
__scs_entry_jumppad:
0x0: {  	(pc) =	sbr.rel $0x88, $3  }
0x1: {  	(tag) =	ssettag $0x0;
	lr =	simm.s32 $0x1  }
0x2: {  	[smem:$0x3F9A] =	sst lr;
	_ =	strace $0xD0000000  }
0x3: {  	_ = 	snop  }
0x4: {  	_ = 	snop  }
0x5: {  	_ = 	snop  }
0x6: {  	_ = 	snop  }
0x7: {  	_ = 	snop  }
__scs_overlays_trampoline_lowered:
0x8: {  	[smem:$0x3FA9] =	sst s0  }
0x9: {  	[smem:$0x3FAA] =	sst s1  }
0xa: {  	[smem:$0x3FAB] =	sst s2  }
0xb: {  	[smem:$0x3FAC] =	sst s3  }
0xc: {  	[smem:$0x3FAD] =	sst s4  }
0xd: {  	[smem:$0x3FAE] =	sst s5  }
0xe: {  	[smem:$0x3FAF] =	sst s6  }
0xf: {  	[smem:$0x3FB0] =	sst s7  }
0x10: {  	[smem:$0x3FB1] =	sst s8  }
0x11: {  	[smem:$0x3FB2] =	sst s9;
	s0 =	simm.s32 @!p0 $0x0  }
0x12: {  	s1 =	sld [smem:$0x3F98];
	s0 =	simm.s32 @p0 $0x1  }
0x13: {  	[smem:$0x3FB3] =	sst s0;
	s0 =	simm.s32 @!p1 $0x0  }
0x14: {  	s2 =	sld [smem:$0x3F97];
	s0 =	simm.s32 @p1 $0x1  }
0x15: {  	[smem:$0x3FB4] =	sst s0;
	s0 =	simm.s32 @!p2 $0x0  }
0x16: {  	s3 =	sld [smem:$0x3FDB];
	s0 =	simm.s32 @p2 $0x1  }
0x17: {  	s4 =	simm.s32 $0x1BF5;
	[smem:$0x3FB6] =	sst s0  }
0x18: {  	s0 =	sld [smem:$0x3F99];
	_ =	swait.ge [sflag:s4], $0x0  }
0x19: {  	s7 =	sld [smem:$0x3F9A]  }
0x1a: {  	s8 =	sadd.s32 $0xFFFFE003, lr  }
0x1b: {  	s9 =	sadd.s32 $0xFFFFFEF7, lr;
	s5 =	simm.s32 $0xFFFFFFFF;
	p2 =	slt.u32 s8, $0xFFFFF086  }
0x1c: {  	p1 =	slt.u32 s9, $0xF7A;
	s5 =	simm.s32 @!p2 $0x0  }
0x1d: {  	s5 =	simm.s32 @p1 $0x1;
	p0 =	seq.s32 s7, s2  }
0x1e: {  	s7 =	smul.u32 @!p0 $0xF7A, s2;
	p2 =	seq.s32 @!p0 s5, $0x0  }
0x1f: {  	s9 =	smul.u32 $0xF7A, s1;
	s8 =	simm.s32 @!p0 $0x1BF5;
	p2 =	por !p2, p0  }
0x20: {  	[sflag:s8] =	ssyncset.s32 @!p0 $0xFFFFF086;
	s6 =	sadd.s32 @!p0 s3, s7;
	s7 =	simm.s32 @!p0 $0x108  }
0x21: {  	s3 =	sadd.s32 s3, s9;
	s6 =	sadd.s32 @!p0 $0x88, s6;
	s7 =	simm.s32 @p2 $0x1082  }
0x22: {  	[simem:s7], [sflag:s8] =	dma.local @!p0 [hbm:s6], $0xF7A  }
0x23: {  	s9 =	sor.u32 $0xD0000000, s2;
	s6 =	simm.s32 $0x108;
	_ =	swait.ge @!p0 [sflag:s8], $0x0  }
0x24: {  	s3 =	sadd.s32 $0x88, s3;
	s6 =	simm.s32 @!p1 $0x1082;
	[sflag:s4] =	ssyncset.s32 $0xFFFFF086  }
0x25: {  	[simem:s6], [sflag:s4] =	dma.local [hbm:s3], $0xF7A  }
0x26: {  	[smem:$0x3F9A] =	sst s1;
	(tag) =	ssettag s2;
	_ =	strace s9  }
0x27: {  	s1 =	sld [smem:$0x3FAA]  }
0x28: {  	s2 =	sld [smem:$0x3FAB]  }
0x29: {  	s4 =	sld [smem:$0x3FAD]  }
0x2a: {  	p0 =	seq.s32 s5, $0x0;
	s5 =	sld [smem:$0x3FAE]  }
0x2b: {  	s6 =	sld [smem:$0x3FAF]  }
0x2c: {  	s7 =	sld [smem:$0x3FB0]  }
0x2d: {  	s3 =	simm.s32 $0x108;
	s8 =	sld [smem:$0x3FB1]  }
0x2e: {  	s3 =	simm.s32 @!p0 $0x1082;
	s9 =	sld [smem:$0x3FB2]  }
0x2f: {  	lr =	sadd.s32 s0, s3;
	s0 =	sld [smem:$0x3FA9]  }
0x30: {  	s3 =	sld [smem:$0x3FAC]  }
0x31: {  	[smem:$0x3FB5] =	sst s10  }
0x32: {  	s10 =	sld [smem:$0x3FB3];
	_ =	sdelay $0x3  }
0x33: {  	p0 =	seq.s32 s10, $0x1;
	s10 =	sld [smem:$0x3FB5];
	_ =	sdelay $0x3  }
0x34: {  	[smem:$0x3FB5] =	sst s10  }
0x35: {  	s10 =	sld [smem:$0x3FB4];
	_ =	sdelay $0x3  }
0x36: {  	p1 =	seq.s32 s10, $0x1;
	s10 =	sld [smem:$0x3FB5];
	_ =	sdelay $0x3  }
0x37: {  	[smem:$0x3FB5] =	sst s10  }
0x38: {  	s10 =	sld [smem:$0x3FB6]  }
0x39: {  	_ = 	snop;
	(pc) =	sbr.ind lr, $3  }
0x3a: {  	_ = 	snop  }
0x3b: {  	_ = 	snop  }
0x3c: {  	p2 =	seq.s32 s10, $0x1;
	s10 =	sld [smem:$0x3FB5]  }
0x3d: {  	_ =	shalt  }
0x3e: {  	_ =	shalt  }
0x3f: {  	_ =	shalt  }
0x40: {  	_ =	shalt  }
0x41: {  	_ =	shalt  }
0x42: {  	_ =	shalt  }
0x43: {  	_ =	shalt  }
0x44: {  	_ =	shalt  }
0x45: {  	_ =	shalt  }
0x46: {  	_ =	shalt  }
0x47: {  	_ =	shalt  }
0x48: {  	_ =	shalt  }
0x49: {  	_ =	shalt  }
0x4a: {  	_ =	shalt  }
0x4b: {  	_ =	shalt  }
0x4c: {  	_ =	shalt  }
0x4d: {  	_ =	shalt  }
0x4e: {  	_ =	shalt  }
0x4f: {  	_ =	shalt  }
0x50: {  	_ =	shalt  }
0x51: {  	_ =	shalt  }
0x52: {  	_ =	shalt  }
0x53: {  	_ =	shalt  }
0x54: {  	_ =	shalt  }
0x55: {  	_ =	shalt  }
0x56: {  	_ =	shalt  }
0x57: {  	_ =	shalt  }
0x58: {  	_ =	shalt  }
0x59: {  	_ =	shalt  }
0x5a: {  	_ =	shalt  }
0x5b: {  	_ =	shalt  }
0x5c: {  	_ =	shalt  }
0x5d: {  	_ =	shalt  }
0x5e: {  	_ =	shalt  }
0x5f: {  	_ =	shalt  }
0x60: {  	_ =	shalt  }
0x61: {  	_ =	shalt  }
0x62: {  	_ =	shalt  }
0x63: {  	_ =	shalt  }
0x64: {  	_ =	shalt  }
0x65: {  	_ =	shalt  }
0x66: {  	_ =	shalt  }
0x67: {  	_ =	shalt  }
0x68: {  	_ =	shalt  }
0x69: {  	_ =	shalt  }
0x6a: {  	_ =	shalt  }
0x6b: {  	_ =	shalt  }
0x6c: {  	_ =	shalt  }
0x6d: {  	_ =	shalt  }
0x6e: {  	_ =	shalt  }
0x6f: {  	_ =	shalt  }
0x70: {  	_ =	shalt  }
0x71: {  	_ =	shalt  }
0x72: {  	_ =	shalt  }
0x73: {  	_ =	shalt  }
0x74: {  	_ =	shalt  }
0x75: {  	_ =	shalt  }
0x76: {  	_ =	shalt  }
0x77: {  	_ =	shalt  }
0x78: {  	_ =	shalt  }
0x79: {  	_ =	shalt  }
0x7a: {  	_ =	shalt  }
0x7b: {  	_ =	shalt  }
0x7c: {  	_ =	shalt  }
0x7d: {  	_ =	shalt  }
0x7e: {  	_ =	shalt  }
0x7f: {  	_ =	shalt  }
0x80: {  	_ =	shalt  }
0x81: {  	_ =	shalt  }
0x82: {  	_ =	shalt  }
0x83: {  	_ =	shalt  }
0x84: {  	_ =	shalt  }
0x85: {  	_ =	shalt  }
0x86: {  	_ =	shalt  }
0x87: {  	_ =	shalt  }
.Lfunc_end0:
.L_simem_size_0:
called_computation_lowered:
.L_overlay_start_0:
0x88: {  	s2 =	sld [smem:$0x3FD9]  }
0x89: {  	s3 =	sld [smem:$0x3FFE];
	_ =	sdelay $0x1  }
0x8a: {  	s1 =	srdreg.scid  }
0x8b: {  	s0 =	sand.u32 $0x1, s1  }
0x8c: {  	s17 =	sshll.u32 s0, $0xA;
	s2 =	sadd.s32 s3, s2  }
0x8d: {  	s2 =	sadd.s32 s2, s17  }
0x8e: {  	[smem:$0x3FC1] =	sst s2  }
0x8f: {  	_ = 	snop  }
0x90: {  	s2 =	sld [smem:$0x3FC8]  }
0x91: {  	s18 =	sld [smem:$0x3FC3];
	(tm) =	ssettm $0x1  }
0x92: {  	s4 =	sld [smem:$0x3FFB];
	_ =	sdelay $0x3  }
0x93: {  	_ =	strace s4  }
0x94: {  	s4 =	sld [smem:$0x3FFC];
	_ =	sdelay $0x3  }
0x95: {  	_ =	strace s4  }
0x96: {  	s4 =	sld [smem:$0x3FFD];
	_ =	sdelay $0x3  }
0x97: {  	_ =	strace s4  }
0x98: {  	_ =	strace $0x8FFFFFFF  }
0x99: {  	s19 =	sld [smem:$0x3FDB];
	_ =	sdelay $0x1  }
0x9a: {  	s5 =	simm.s32 $_scs_section_size  }
0x9b: {  	s6 =	simm.s32 $_size__tile_overlayer_lowered;
	s7 =	simm.s32 $_tile_overlayer_lowered  }
0x9c: {  	s22 =	simm.s32 $0x1BFF;
	s21 =	sshll.u32 s7, $0x1;
	s4 =	sadd.s32 s5, s19  }
0x9d: {  	s8 =	simm.s32 $0x0;
	s20 =	sshll.u32 s6, $0x1;
	s6 =	sadd.s32 s21, s4  }
0x9e: {  	[timem:s8], [sflag:s22] =	dma.local [hbm:s6], s20  }
0x9f: {  	_ =	swait.ge [sflag:s22], s20  }
0xa0: {  	s5 =	ssub.s32 $0x0, s20;
	[sflag:s22] =	ssyncset.done $0x0  }
0xa1: {  	[sflag:s22] =	ssyncadd.s32 s5;
	_ =	sdelay $0x1  }
0xa2: {  	s23 =	simm.s32 $0x1B8B  }
0xa3: {  	_ =	swait.ge [sflag:s23], $0x1  }
0xa4: {  	[sflag:s23] =	ssyncset.done $0x0  }
0xa5: {  	s25 =	simm.s32 $0x1B8E;
	s24 =	sld [smem:$0x3FFE];
	[sflag:s23] =	ssyncadd.s32 $0xFFFFFFFF  }
0xa6: {  	s26 =	simm.s32 $execute0_lowered;
	[smem:$0x3FD2] =	sst s25  }
0xa7: {  	s6 =	sshll.u32 s26, $0x1;
	_ =	strace $0x80000046;
	[dreg:$0x1] =	wrdreg $0xFFFFFFFF  }
0xa8: {  	s28 =	simm.s32 $_size_execute0_lowered;
	s4 =	sadd.s32 s4, s6;
	[dreg:$0x0] =	wrdreg $0x0  }
0xa9: {  	s6 =	sshll.u32 s28, $0x1;
	[dreg:$0x2] =	wrdreg s4  }
0xaa: {  	[dreg:$0x3] =	wrdreg s6  }
0xab: {  	[dreg:$0x4] =	wrdreg $0xC0  }
0xac: {  	_ =	task [dreg:s8], $0x5FFFF  }
0xad: {  	[dreg:$0x1] =	wrdreg $0xFFFFFFFF  }
0xae: {  	[dreg:$0x0] =	wrdreg $0x60  }
0xaf: {  	[dreg:$0x2] =	wrdreg s24  }
0xb0: {  	[dreg:$0x3] =	wrdreg s2  }
0xb1: {  	[dreg:$0x4] =	wrdreg s18  }
0xb2: {  	[dreg:$0x5] =	wrdreg $0x9  }
0xb3: {  	_ =	task.clear_ibuf [dreg:s8], $0x6FFFF;
	_ =	strace $0x90000046  }
0xb4: {  	s29 =	simm.s32 $0x9;
	_ =	strace $0x80000048  }
0xb5: {  	_ =	swait.ge [sflag:s29], $0x1  }
0xb6: {  	[sflag:s29] =	ssyncadd.s32 $0xFFFFFFFF  }
0xb7: {  	_ =	strace $0x90000048  }
0xb8: {  	_ =	sfence  }
0xb9: {  	s30 =	sld [smem:$0x0];
	_ =	sdelay $0x2  }
0xba: {  	s31 =	sshll.u32 s1, $0xD;
	s1 =	sshrl.u32 s1, $0x2  }
0xbb: {  	s3 =	sand.u32 $0x4000, s31;
	s1 =	sadd.s32 s1, s30  }
0xbc: {  	s0 =	sor.u32 s3, s0;
	s1 =	sshll.u32 s1, $0x11  }
0xbd: {  	s0 =	sor.u32 s1, s0  }
0xbe: {  	s0 =	sadd.s32 $0x8F2B, s0  }
0xbf: {  	[sflag:s0] =	ssyncadd.remote.s32 $0x1  }
0xc0: {  	_ =	sfence.sel $0xFFFF  }
0xc1: {  	[dreg:$0x0] =	wrdreg $0xFFFFFFFF;
	(pc) =	sbr.abs _section_cstart, $3  }
0xc2: {  	[dreg:$0x1] =	wrdreg $0xFFFFFFFF  }
0xc3: {  	_ =	task.clear_ibuf [dreg:s8], $0x2FFFF;
	_ =	strace $0x9FFFFFFF  }
0xc4: {  	(tm) =	ssettm $0x7FFFFFFF  }
0xc5: {  	_ =	shalt  }
tec
execute0_lowered:
.L_overlay_start_1:
0x0: {  	(tag) =	ssettag $0x1  }
0x1: {  	s0 =	rddreg [dreg:$0x0];
	s1 =	srdreg.scid  }
0x2: {  	s2 =	stileid.u32;
	s8 =	rddreg [dreg:$0x1];
	s14 =	simm.s32 $0x80  }
0x3: {  	s15 =	simm.s32 $0x200;
	s16 =	simm.s32 $0x3200;
	s17 =	simm.s32 $0x3400  }
0x4: {  	s30 =	simm.s32 $0x1;
	s31 =	simm.s32 $0xCE00;
	s13 =	simm.s32 $0xFE00  }
0x5: {  	s18 =	simm.s32 $0x10E00;
	s19 =	simm.s32 $0x11E00;
	s20 =	simm.s32 $0x12E00  }
0x6: {  	s22 =	simm.s32 $0x13E00;
	s23 =	simm.s32 $0x14E00;
	s28 =	simm.s32 $0x8E00  }
0x7: {  	s29 =	simm.s32 $0x17E00;
	s1 =	sand.u32 $0x1, s1;
	s3 =	sshll.u32 s2, $0x1  }
0x8: {  	s5 =	sadd.s32 $0xF42800, s0;
	s6 =	sadd.s32 $0x16E3C00, s0;
	s9 =	sor.u32 s1, s3  }
0x9: {  	s7 =	sadd.s32 $0xA400, s0;
	s3 =	simm.s32 $0x0;
	s4 =	smul.u32 $0x500, s9  }
0xa: {  	s1 =	ssub.s32 $0x2, s1;
	[smem:$0x7FF] =	sst s3;
	s11 =	smul.u32 $0x600, s9  }
0xb: {  	s12 =	sshrl.u32 s1, $0x1;
	s9 =	sshll.u32 s9, $0x6;
	_ =	strace $0x80000047  }
0xc: {  	s1 =	ssub.s32 s1, s12;
	s24 =	sadd.s32 s8, s9;
	s12 =	simm.s32 $0x2  }
0xd: {  	s8 =	simm.s32 $0x0;
	s10 =	sadd.s32 s4, s0;
	s4 =	sadd.s32 $0x1313200, s0  }
0xe: {  	s0 =	sadd.s32 s11, s0;
	[dreg:$0x4] =	wrdreg s24;
	s26 =	smax.u32 s1, $0x1  }
0xf: {  	s1 =	simm.s32 $0xDE00;
	s25 =	sadd.s32 $0x400, s10;
	[dreg:$0x7] =	wrdreg s26  }
0x10: {  	s24 =	simm.s32 $0x15E00;
	s0 =	sadd.s32 $0x28E00, s0;
	[dreg:$0x5] =	wrdreg s25  }
0x11: {  	v0 =	vlaneseq.u32;
	v1 =	vimm.s32 $0x0;
	s26 =	simm.s32 $0x16E00;
	[dreg:$0x6] =	wrdreg s0;
	s0 =	simm.s32 $0xEE00  }
.LBB2_1:
0x12: {  	s2 =	rddreg [dreg:$0x4]  }
0x13: {  	[tilespmem:s3], [sflag:$0x2] =	stream.linear.gather [hbm4b:s2+s3], $0x200, $0x38;
	[tilespmem:$0x1AE00] =	vst v63  }
0x14: {  	_ =	swait.ge [sflag:s12], $0x200  }
0x15: {  	[sflag:s12] =	ssyncset.done $0x0  }
0x16: {  	s9 =	simm.s32 $0x6600;
	s11 =	rddreg [dreg:$0x5];
	[sflag:s12] =	ssyncadd.s32 $0xFFFFFE00  }
0x17: {  	[tilespmem:s9], [sflag:$0x2] =	stream.linear.gather [hbm4b:s11+s3], $0x2800, $0x38;
	[tilespmem:$0x1AE00] =	vst v63  }
0x18: {  	_ =	swait.ge [sflag:s12], $0x2800  }
0x19: {  	[sflag:s12] =	ssyncset.done $0x0  }
0x1a: {  	[sflag:s12] =	ssyncadd.s32 $0xFFFFD800  }
0x1b: {  	[tilespmem:s15], [sflag:$0x1] =	stream.indirect.gather [hbm4b:s6+s14], $0x18, s3, s14, $0xb8;
	[tilespmem:$0x1AE00] =	vst v63  }
0x1c: {  	_ = 	snop  }
0x1d: {  	[tilespmem:s16], [sflag:$0x1] =	stream.indirect.gather [hbm4b:s7+s14], $0x1, s3, s14, $0xb8;
	[tilespmem:$0x1AE00] =	vst v63  }
0x1e: {  	s2 =	rddreg [dreg:$0x2]  }
0x1f: {  	[tilespmem:s17], [sflag:$0x1] =	stream.indirect.gather [hbm4b:s2+s14], $0x1, s3, s14, $0xb8;
	[tilespmem:$0x1AE00] =	vst v63  }
0x20: {  	s21 =	simm.s32 $0xE00  }
0x21: {  	[tilespmem:s21], [sflag:$0x1] =	stream.indirect.gather [hbm4b:s6+s14], $0x18, s14, s14, $0xb8;
	[tilespmem:$0x1AE00] =	vst v63  }
0x22: {  	s25 =	simm.s32 $0x3280  }
0x23: {  	[tilespmem:s25], [sflag:$0x1] =	stream.indirect.gather [hbm4b:s7+s14], $0x1, s14, s14, $0xb8;
	[tilespmem:$0x1AE00] =	vst v63  }
0x24: {  	s10 =	simm.s32 $0x3480  }
0x25: {  	[tilespmem:s10], [sflag:$0x1] =	stream.indirect.gather [hbm4b:s2+s14], $0x1, s14, s14, $0xb8;
	[tilespmem:$0x1AE00] =	vst v63  }
0x26: {  	s11 =	simm.s32 $0x100;
	s10 =	simm.s32 $0x1A00  }
0x27: {  	[tilespmem:s10], [sflag:$0x1] =	stream.indirect.gather [hbm4b:s6+s14], $0x18, s11, s14, $0xb8;
	[tilespmem:$0x1AE00] =	vst v63  }
0x28: {  	s21 =	simm.s32 $0x3300  }
0x29: {  	[tilespmem:s21], [sflag:$0x1] =	stream.indirect.gather [hbm4b:s7+s14], $0x1, s11, s14, $0xb8;
	[tilespmem:$0x1AE00] =	vst v63  }
0x2a: {  	s25 =	simm.s32 $0x3500  }
0x2b: {  	[tilespmem:s25], [sflag:$0x1] =	stream.indirect.gather [hbm4b:s2+s14], $0x1, s11, s14, $0xb8;
	[tilespmem:$0x1AE00] =	vst v63  }
0x2c: {  	s9 =	simm.s32 $0x180;
	s11 =	simm.s32 $0x2600  }
0x2d: {  	[tilespmem:s11], [sflag:$0x1] =	stream.indirect.gather [hbm4b:s6+s14], $0x18, s9, s14, $0xb8;
	[tilespmem:$0x1AE00] =	vst v63  }
0x2e: {  	s21 =	simm.s32 $0x3380  }
0x2f: {  	[tilespmem:s21], [sflag:$0x1] =	stream.indirect.gather [hbm4b:s7+s14], $0x1, s9, s14, $0xb8;
	[tilespmem:$0x1AE00] =	vst v63  }
0x30: {  	s25 =	simm.s32 $0x3580  }
0x31: {  	[tilespmem:s25], [sflag:$0x1] =	stream.indirect.gather [hbm4b:s2+s14], $0x1, s9, s14, $0xb8;
	[tilespmem:$0x1AE00] =	vst v63  }
0x32: {  	_ =	swait.ge [sflag:s30], $0xC00  }
0x33: {  	[sflag:s30] =	ssyncset.done $0x0  }
0x34: {  	[sflag:s30] =	ssyncadd.s32 $0xFFFFF400  }
0x35: {  	_ =	swait.ge [sflag:s30], $0x80  }
0x36: {  	[sflag:s30] =	ssyncset.done $0x0  }
0x37: {  	[sflag:s30] =	ssyncadd.s32 $0xFFFFFF80  }
0x38: {  	_ =	swait.ge [sflag:s30], $0x80  }
0x39: {  	[sflag:s30] =	ssyncset.done $0x0  }
0x3a: {  	[sflag:s30] =	ssyncadd.s32 $0xFFFFFF80  }
0x3b: {  	_ =	swait.ge [sflag:s30], $0xC00  }
0x3c: {  	[sflag:s30] =	ssyncset.done $0x0  }
0x3d: {  	[sflag:s30] =	ssyncadd.s32 $0xFFFFF400  }
0x3e: {  	_ =	swait.ge [sflag:s30], $0x80  }
0x3f: {  	[sflag:s30] =	ssyncset.done $0x0  }
0x40: {  	[sflag:s30] =	ssyncadd.s32 $0xFFFFFF80  }
0x41: {  	_ =	swait.ge [sflag:s30], $0x80  }
0x42: {  	s10 =	simm.s32 $0x0;
	[sflag:s30] =	ssyncset.done $0x0  }
0x43: {  	v2 =	vor.u32 s10, v0;
	[sflag:s30] =	ssyncadd.s32 $0xFFFFFF80  }
0x44: {  	v3 =	vmulhi.u32 $0xAAAAAAAB, v2;
	_ =	swait.ge [sflag:s30], $0xC00  }
0x45: {  	[sflag:s30] =	ssyncset.done $0x0  }
0x46: {  	v3 =	vshrl.u32 v3, $0x4;
	[sflag:s30] =	ssyncadd.s32 $0xFFFFF400  }
0x47: {  	v4 =	vmul.u32 $0xFFFFFFE8, v3;
	_ =	swait.ge [sflag:s30], $0x80  }
0x48: {  	[sflag:s30] =	ssyncset.done $0x0  }
0x49: {  	v5 =	vmov s10;
	v4 =	vadd.s32 v2, v4;
	[sflag:s30] =	ssyncadd.s32 $0xFFFFFF80  }
0x4a: {  	vm0 =	veq.s32 v5, v0;
	vm1 =	vne.s32 v4, $0x0;
	_ =	swait.ge [sflag:s30], $0x80  }
0x4b: {  	vm0 =	vmand vm0, vm1;
	[sflag:s30] =	ssyncset.done $0x0  }
0x4c: {  	v5 =	vsel vm0, $0xFFFFFFFF, v1;
	[sflag:s30] =	ssyncadd.s32 $0xFFFFFF80  }
0x4d: {  	s11 =	simm.s32 $0x10;
	v3 =	vadd.s32 v5, v3;
	_ =	swait.ge [sflag:s30], $0xC00  }
0x4e: {  	v5 =	vor.u32 s11, v0;
	v3 =	vmul.u32 $0x18, v3;
	[sflag:s30] =	ssyncset.done $0x0  }
0x4f: {  	v4 =	vand.u32 $0x18, v4;
	v6 =	vmulhi.u32 $0xAAAAAAAB, v5;
	[sflag:s30] =	ssyncadd.s32 $0xFFFFF400  }
0x50: {  	v2 =	vand.u32 $0x7, v2;
	v3 =	vadd.s32 v4, v3;
	_ =	swait.ge [sflag:s30], $0x80  }
0x51: {  	v2 =	vor.u32 v2, v3;
	v3 =	vshrl.u32 v6, $0x4;
	[sflag:s30] =	ssyncset.done $0x0  }
0x52: {  	v3 =	vmul.u32 $0x18, v3;
	[sflag:s30] =	ssyncadd.s32 $0xFFFFFF80  }
0x53: {  	s21 =	simm.s32 $0x20;
	_ =	swait.ge [sflag:s30], $0x80  }
0x54: {  	v4 =	vsub.s32 v5, v3;
	v5 =	vor.u32 s21, v0;
	[sflag:s30] =	ssyncset.done $0x0  }
0x55: {  	v6 =	vand.u32 $0x18, v4;
	v7 =	vmulhi.u32 $0xAAAAAAAB, v5;
	[sflag:s30] =	ssyncadd.s32 $0xFFFFFF80  }
0x56: {  	v4 =	vand.u32 $0x7, v4;
	v3 =	vadd.s32 v6, v3;
	v2 =	vld.idx.msk [tilespmem:v2+s15+$0x0], $0xffff  }
0x57: {  	v3 =	vor.u32 v4, v3;
	v4 =	vshrl.u32 v7, $0x4  }
0x58: {  	v4 =	vmul.u32 $0x18, v4  }
0x59: {  	s25 =	simm.s32 $0x30  }
0x5a: {  	s9 =	simm.s32 $0x3640;
	v6 =	vor.u32 s25, v0;
	v5 =	vsub.s32 v5, v4  }
0x5b: {  	v7 =	vmulhi.u32 $0xAAAAAAAB, v6;
	[tilespmem:s9+$0xFFFFFFC0] =	vst v2;
	v2 =	vand.u32 $0x18, v5  }
0x5c: {  	v5 =	vand.u32 $0x7, v5;
	v3 =	vld.idx.msk [tilespmem:v3+s15+$0x0], $0xffff;
	v2 =	vadd.s32 v2, v4  }
0x5d: {  	v4 =	vshrl.u32 v7, $0x4;
	v2 =	vor.u32 v5, v2  }
0x5e: {  	v4 =	vmul.u32 $0x18, v4  }
0x5f: {  	s2 =	simm.s32 $0x40  }
0x60: {  	v5 =	vsub.s32 v6, v4;
	v6 =	vor.u32 s2, v0  }
0x61: {  	v7 =	vmulhi.u32 $0xAAAAAAAB, v6;
	[tilespmem:s9+$0xFFFFFFD0] =	vst v3;
	v3 =	vand.u32 $0x18, v5  }
0x62: {  	v5 =	vand.u32 $0x7, v5;
	v2 =	vld.idx.msk [tilespmem:v2+s15+$0x0], $0xffff;
	v3 =	vadd.s32 v3, v4  }
0x63: {  	v4 =	vshrl.u32 v7, $0x4;
	v3 =	vor.u32 v5, v3  }
0x64: {  	v4 =	vmul.u32 $0x18, v4  }
0x65: {  	s11 =	simm.s32 $0x50  }
0x66: {  	v5 =	vsub.s32 v6, v4;
	v6 =	vor.u32 s11, v0  }
0x67: {  	v7 =	vmulhi.u32 $0xAAAAAAAB, v6;
	[tilespmem:s9+$0xFFFFFFE0] =	vst v2;
	v2 =	vand.u32 $0x18, v5  }
0x68: {  	v5 =	vand.u32 $0x7, v5;
	v3 =	vld.idx.msk [tilespmem:v3+s15+$0x0], $0xffff;
	v2 =	vadd.s32 v2, v4  }
0x69: {  	v4 =	vshrl.u32 v7, $0x4;
	v2 =	vor.u32 v5, v2  }
0x6a: {  	v4 =	vmul.u32 $0x18, v4  }
0x6b: {  	s21 =	simm.s32 $0x60  }
0x6c: {  	v5 =	vsub.s32 v6, v4;
	v6 =	vor.u32 s21, v0  }
0x6d: {  	v7 =	vmulhi.u32 $0xAAAAAAAB, v6;
	[tilespmem:s9+$0xFFFFFFF0] =	vst v3;
	v3 =	vand.u32 $0x18, v5  }
0x6e: {  	v3 =	vadd.s32 v3, v4;
	v2 =	vld.idx.msk [tilespmem:v2+s15+$0x0], $0xffff;
	v4 =	vand.u32 $0x7, v5  }
0x6f: {  	v4 =	vor.u32 v4, v3;
	v3 =	vshrl.u32 v7, $0x4  }
0x70: {  	v5 =	vmul.u32 $0x18, v3;
	_ =	sdelay $0x1  }
0x71: {  	s25 =	simm.s32 $0x70;
	v6 =	vsub.s32 v6, v5  }
0x72: {  	v3 =	vor.u32 s25, v0;
	[tilespmem:s9+$0x0] =	vst v2;
	v7 =	vand.u32 $0x18, v6  }
0x73: {  	s10 =	simm.s32 $0xF0;
	s11 =	simm.s32 $0x170;
	s21 =	simm.s32 $0x80;
	v2 =	vld.idx.msk [tilespmem:v4+s15+$0x0], $0xffff;
	v4 =	vand.u32 $0x7, v6;
	v6 =	vadd.s32 v7, v5;
	v5 =	vmulhi.u32 $0xAAAAAAAB, v3  }
.LBB2_2:
0x74: {  	p0 =	sne.s32 s11, $0x2FF0;
	v7 =	vor.u32 s21, v0;
	v4 =	vor.u32 v4, v6  }
0x75: {  	v6 =	vmulhi.u32 $0xAAAAAAAB, v7;
	v5 =	vshrl.u32 v5, $0x4  }
0x76: {  	v5 =	vmul.u32 $0x18, v5  }
0x77: {  	v6 =	vshrl.u32 v6, $0x4  }
0x78: {  	v8 =	vmul.u32 $0xFFFFFFE8, v6;
	[tilespmem:s9+$0x10] =	vst v2;
	v2 =	vsub.s32 v3, v5  }
0x79: {  	v3 =	vmov s21;
	v4 =	vld.idx.msk [tilespmem:v4+s15+$0x0], $0xffff;
	v9 =	vand.u32 $0x18, v2  }
0x7a: {  	v2 =	vand.u32 $0x7, v2;
	v8 =	vadd.s32 v7, v8;
	v5 =	vadd.s32 v9, v5  }
0x7b: {  	vm0 =	veq.s32 v3, v0;
	vm1 =	vne.s32 v8, $0x0;
	v2 =	vor.u32 v2, v5  }
0x7c: {  	vm0 =	vmand vm0, vm1  }
0x7d: {  	v3 =	vsel vm0, $0xFFFFFFFF, v1  }
0x7e: {  	v3 =	vadd.s32 v3, v6  }
0x7f: {  	s21 =	sadd.s32 $0xFFFFFFA0, s10;
	v3 =	vmul.u32 $0x18, v3;
	[tilespmem:s9+$0x20] =	vst v4  }
0x80: {  	v5 =	vor.u32 s21, v0;
	v4 =	vand.u32 $0x18, v8;
	v2 =	vld.idx.msk [tilespmem:v2+s15+$0x0], $0xffff  }
0x81: {  	v6 =	vand.u32 $0x7, v7;
	v3 =	vadd.s32 v4, v3;
	v4 =	vmulhi.u32 $0xAAAAAAAB, v5  }
0x82: {  	v3 =	vor.u32 v6, v3  }
0x83: {  	v4 =	vshrl.u32 v4, $0x4  }
0x84: {  	v4 =	vmul.u32 $0x18, v4;
	_ =	sdelay $0x1  }
0x85: {  	s21 =	sadd.s32 $0xFFFFFFB0, s10;
	v5 =	vsub.s32 v5, v4;
	[tilespmem:s9+$0x30] =	vst v2  }
0x86: {  	v6 =	vor.u32 s21, v0;
	v2 =	vld.idx.msk [tilespmem:v3+s15+$0x0], $0xffff;
	v3 =	vand.u32 $0x18, v5  }
0x87: {  	v5 =	vand.u32 $0x7, v5;
	v3 =	vadd.s32 v3, v4;
	v4 =	vmulhi.u32 $0xAAAAAAAB, v6  }
0x88: {  	v3 =	vor.u32 v5, v3  }
0x89: {  	v4 =	vshrl.u32 v4, $0x4  }
0x8a: {  	v4 =	vmul.u32 $0x18, v4  }
0x8b: {  	s9 =	sadd.s32 $0x80, s9  }
0x8c: {  	s21 =	sadd.s32 $0xFFFFFFC0, s10;
	[tilespmem:s9+$0xFFFFFFC0] =	vst v2;
	v2 =	vsub.s32 v6, v4  }
0x8d: {  	v6 =	vor.u32 s21, v0;
	v3 =	vld.idx.msk [tilespmem:v3+s15+$0x0], $0xffff;
	v5 =	vand.u32 $0x18, v2  }
0x8e: {  	v2 =	vand.u32 $0x7, v2;
	v4 =	vadd.s32 v5, v4;
	v5 =	vmulhi.u32 $0xAAAAAAAB, v6  }
0x8f: {  	v2 =	vor.u32 v2, v4  }
0x90: {  	v4 =	vshrl.u32 v5, $0x4  }
0x91: {  	v4 =	vmul.u32 $0x18, v4;
	_ =	sdelay $0x1  }
0x92: {  	s21 =	sadd.s32 $0xFFFFFFD0, s10;
	[tilespmem:s9+$0xFFFFFFD0] =	vst v3;
	v3 =	vsub.s32 v6, v4  }
0x93: {  	v6 =	vor.u32 s21, v0;
	v2 =	vld.idx.msk [tilespmem:v2+s15+$0x0], $0xffff;
	v5 =	vand.u32 $0x18, v3  }
0x94: {  	v3 =	vand.u32 $0x7, v3;
	v4 =	vadd.s32 v5, v4;
	v5 =	vmulhi.u32 $0xAAAAAAAB, v6  }
0x95: {  	v3 =	vor.u32 v3, v4  }
0x96: {  	v4 =	vshrl.u32 v5, $0x4  }
0x97: {  	v4 =	vmul.u32 $0x18, v4;
	_ =	sdelay $0x1  }
0x98: {  	s21 =	sadd.s32 $0xFFFFFFE0, s10;
	[tilespmem:s9+$0xFFFFFFE0] =	vst v2;
	v2 =	vsub.s32 v6, v4  }
0x99: {  	v6 =	vor.u32 s21, v0;
	v3 =	vld.idx.msk [tilespmem:v3+s15+$0x0], $0xffff;
	v5 =	vand.u32 $0x18, v2  }
0x9a: {  	v2 =	vand.u32 $0x7, v2;
	v4 =	vadd.s32 v5, v4;
	v5 =	vmulhi.u32 $0xAAAAAAAB, v6  }
0x9b: {  	v2 =	vor.u32 v2, v4  }
0x9c: {  	v4 =	vshrl.u32 v5, $0x4  }
0x9d: {  	v4 =	vmul.u32 $0x18, v4;
	_ =	sdelay $0x1  }
0x9e: {  	s21 =	sadd.s32 $0xFFFFFFF0, s10;
	[tilespmem:s9+$0xFFFFFFF0] =	vst v3;
	v3 =	vsub.s32 v6, v4  }
0x9f: {  	v6 =	vor.u32 s21, v0;
	v2 =	vld.idx.msk [tilespmem:v2+s15+$0x0], $0xffff;
	v5 =	vand.u32 $0x18, v3  }
0xa0: {  	v3 =	vand.u32 $0x7, v3;
	v4 =	vadd.s32 v5, v4;
	v5 =	vmulhi.u32 $0xAAAAAAAB, v6  }
0xa1: {  	v3 =	vor.u32 v3, v4  }
0xa2: {  	v4 =	vshrl.u32 v5, $0x4  }
.Ltmp0:
0xa3: {  	v5 =	vmul.u32 $0x18, v4;
	(pc) =	sbr.rel @p0 .LBB2_2-.Ltmp0, $4  }
0xa4: {  	_ = 	snop  }
0xa5: {  	[tilespmem:s9+$0x0] =	vst v2;
	v4 =	vsub.s32 v6, v5  }
0xa6: {  	v2 =	vld.idx.msk [tilespmem:v3+s15+$0x0], $0xffff;
	v6 =	vand.u32 $0x18, v4;
	v3 =	vor.u32 s10, v0;
	s10 =	smov.u32 s11  }
0xa7: {  	s11 =	sadd.s32 $0x80, s11;
	v4 =	vand.u32 $0x7, v4;
	s21 =	sadd.s32 $0xFFFFFF90, s10;
	v6 =	vadd.s32 v6, v5;
	v5 =	vmulhi.u32 $0xAAAAAAAB, v3  }
0xa8: {  	v7 =	vor.u32 s21, v0  }
0xa9: {  	v8 =	vmulhi.u32 $0xAAAAAAAB, v7  }
0xaa: {  	v4 =	vor.u32 v4, v6;
	v5 =	vshrl.u32 v5, $0x4  }
0xab: {  	v5 =	vmul.u32 $0x18, v5;
	v35 =	vshrl.u32 v8, $0x4  }
0xac: {  	v8 =	vmul.u32 $0xFFFFFFE8, v35  }
0xad: {  	v9 =	vmov s21;
	v3 =	vsub.s32 v3, v5  }
0xae: {  	vm0 =	veq.s32 v9, v0;
	[tilespmem:s9+$0x10] =	vst v2;
	v2 =	vand.u32 $0x18, v3;
	v8 =	vadd.s32 v7, v8  }
0xaf: {  	v3 =	vand.u32 $0x7, v3;
	v4 =	vld.idx.msk [tilespmem:v4+s15+$0x0], $0xffff;
	v2 =	vadd.s32 v2, v5;
	vm1 =	vne.s32 v8, $0x0  }
0xb0: {  	v2 =	vor.u32 v3, v2;
	vm0 =	vmand vm0, vm1  }
0xb1: {  	v3 =	vsel vm0, $0xFFFFFFFF, v1  }
0xb2: {  	s11 =	sadd.s32 $0xFFFFFFA0, s10;
	v3 =	vadd.s32 v3, v35  }
0xb3: {  	v36 =	vor.u32 s11, v0;
	v3 =	vmul.u32 $0x18, v3  }
0xb4: {  	v38 =	vmulhi.u32 $0xAAAAAAAB, v36;
	v37 =	vand.u32 $0x18, v8;
	[tilespmem:s9+$0x20] =	vst v4  }
0xb5: {  	v7 =	vand.u32 $0x7, v7;
	v2 =	vld.idx.msk [tilespmem:v2+s15+$0x0], $0xffff;
	v3 =	vadd.s32 v37, v3  }
0xb6: {  	v39 =	vshrl.u32 v38, $0x4;
	v3 =	vor.u32 v7, v3  }
0xb7: {  	v4 =	vmul.u32 $0x18, v39  }
0xb8: {  	s21 =	sadd.s32 $0xFFFFFFB0, s10  }
0xb9: {  	v40 =	vor.u32 s21, v0;
	v5 =	vsub.s32 v36, v4  }
0xba: {  	v41 =	vmulhi.u32 $0xAAAAAAAB, v40;
	[tilespmem:s9+$0x30] =	vst v2;
	v2 =	vand.u32 $0x18, v5  }
0xbb: {  	v5 =	vand.u32 $0x7, v5;
	v2 =	vadd.s32 v2, v4;
	v3 =	vld.idx.msk [tilespmem:v3+s15+$0x0], $0xffff  }
0xbc: {  	v42 =	vshrl.u32 v41, $0x4;
	v2 =	vor.u32 v5, v2  }
0xbd: {  	v4 =	vmul.u32 $0x18, v42  }
0xbe: {  	s25 =	sadd.s32 $0xFFFFFFC0, s10  }
0xbf: {  	v44 =	vor.u32 s25, v0;
	s9 =	sadd.s32 $0x80, s9;
	v43 =	vsub.s32 v40, v4  }
0xc0: {  	v45 =	vmulhi.u32 $0xAAAAAAAB, v44;
	[tilespmem:s9+$0xFFFFFFC0] =	vst v3;
	v3 =	vand.u32 $0x18, v43  }
0xc1: {  	v5 =	vand.u32 $0x7, v43;
	v2 =	vld.idx.msk [tilespmem:v2+s15+$0x0], $0xffff;
	v3 =	vadd.s32 v3, v4  }
0xc2: {  	v46 =	vshrl.u32 v45, $0x4;
	v3 =	vor.u32 v5, v3  }
0xc3: {  	v4 =	vmul.u32 $0x18, v46  }
0xc4: {  	s2 =	sadd.s32 $0xFFFFFFD0, s10  }
0xc5: {  	v48 =	vor.u32 s2, v0;
	v47 =	vsub.s32 v44, v4  }
0xc6: {  	v49 =	vmulhi.u32 $0xAAAAAAAB, v48;
	[tilespmem:s9+$0xFFFFFFD0] =	vst v2;
	v2 =	vand.u32 $0x18, v47  }
0xc7: {  	v5 =	vand.u32 $0x7, v47;
	v3 =	vld.idx.msk [tilespmem:v3+s15+$0x0], $0xffff;
	v2 =	vadd.s32 v2, v4  }
0xc8: {  	v50 =	vshrl.u32 v49, $0x4;
	v2 =	vor.u32 v5, v2  }
0xc9: {  	v4 =	vmul.u32 $0x18, v50  }
0xca: {  	s21 =	sadd.s32 $0xFFFFFFE0, s10  }
0xcb: {  	v52 =	vor.u32 s21, v0;
	v51 =	vsub.s32 v48, v4  }
0xcc: {  	v53 =	vmulhi.u32 $0xAAAAAAAB, v52;
	[tilespmem:s9+$0xFFFFFFE0] =	vst v3;
	v3 =	vand.u32 $0x18, v51  }
0xcd: {  	v5 =	vand.u32 $0x7, v51;
	v2 =	vld.idx.msk [tilespmem:v2+s15+$0x0], $0xffff;
	v3 =	vadd.s32 v3, v4  }
0xce: {  	v54 =	vshrl.u32 v53, $0x4;
	v3 =	vor.u32 v5, v3  }
0xcf: {  	v4 =	vmul.u32 $0x18, v54  }
0xd0: {  	s25 =	sadd.s32 $0xFFFFFFF0, s10  }
0xd1: {  	v56 =	vor.u32 s25, v0;
	v55 =	vsub.s32 v52, v4  }
0xd2: {  	v57 =	vmulhi.u32 $0xAAAAAAAB, v56;
	[tilespmem:s9+$0xFFFFFFF0] =	vst v2;
	v2 =	vand.u32 $0x18, v55  }
0xd3: {  	v5 =	vand.u32 $0x7, v55;
	v3 =	vld.idx.msk [tilespmem:v3+s15+$0x0], $0xffff;
	v2 =	vadd.s32 v2, v4  }
0xd4: {  	v58 =	vshrl.u32 v57, $0x4;
	v2 =	vor.u32 v5, v2  }
0xd5: {  	v4 =	vmul.u32 $0x18, v58;
	_ =	sdelay $0x1  }
0xd6: {  	v60 =	vor.u32 s10, v0;
	v59 =	vsub.s32 v56, v4  }
0xd7: {  	v61 =	vmulhi.u32 $0xAAAAAAAB, v60;
	[tilespmem:s9+$0x0] =	vst v3;
	v3 =	vand.u32 $0x18, v59  }
0xd8: {  	v5 =	vand.u32 $0x7, v59;
	v2 =	vld.idx.msk [tilespmem:v2+s15+$0x0], $0xffff;
	v3 =	vadd.s32 v3, v4  }
0xd9: {  	v62 =	vshrl.u32 v61, $0x4;
	v3 =	vor.u32 v5, v3  }
0xda: {  	v4 =	vmul.u32 $0x18, v62;
	_ =	sdelay $0x1  }
0xdb: {  	v63 =	vsub.s32 v60, v4  }
0xdc: {  	[tilespmem:s9+$0x10] =	vst v2;
	v2 =	vand.u32 $0x18, v63  }
0xdd: {  	v5 =	vand.u32 $0x7, v63;
	v3 =	vld.idx.msk [tilespmem:v3+s15+$0x0], $0xffff;
	v2 =	vadd.s32 v2, v4  }
0xde: {  	v2 =	vor.u32 v5, v2;
	_ =	sdelay $0x3  }
0xdf: {  	[tilespmem:s9+$0x20] =	vst v3  }
0xe0: {  	v2 =	vld.idx.msk [tilespmem:v2+s15+$0x0], $0xffff;
	_ =	sdelay $0x4  }
0xe1: {  	s10 =	simm.s32 $0x0;
	s11 =	simm.s32 $0x8E10;
	[tilespmem:s9+$0x30] =	vst v2  }
.LBB2_4:
0xe2: {  	s9 =	smul.u32 $0xA00, s10;
	_ =	sdelay $0x1  }
0xe3: {  	s9 =	sshra.s32 s9, $0x2  }
0xe4: {  	s21 =	sadd.s32 $0x6600, s9  }
0xe5: {  	[tilespmem:s31], [sflag:$0x1] =	stream.indirect.gather [hbm4b:s4+s14], $0x20, s21, s14, $0xb8;
	[tilespmem:$0x1AE00] =	vst v63  }
0xe6: {  	s25 =	sadd.s32 $0x6680, s9  }
0xe7: {  	[tilespmem:s1], [sflag:$0x1] =	stream.indirect.gather [hbm4b:s4+s14], $0x20, s25, s14, $0xb8;
	[tilespmem:$0x1AE00] =	vst v63  }
0xe8: {  	s2 =	sadd.s32 $0x6700, s9  }
0xe9: {  	[tilespmem:s0], [sflag:$0x1] =	stream.indirect.gather [hbm4b:s4+s14], $0x20, s2, s14, $0xb8;
	[tilespmem:$0x1AE00] =	vst v63  }
0xea: {  	s25 =	sadd.s32 $0x6780, s9  }
0xeb: {  	[tilespmem:s13], [sflag:$0x1] =	stream.indirect.gather [hbm4b:s4+s14], $0x20, s25, s14, $0xb8;
	[tilespmem:$0x1AE00] =	vst v63  }
0xec: {  	s9 =	sadd.s32 $0x6800, s9  }
0xed: {  	[tilespmem:s18], [sflag:$0x1] =	stream.indirect.gather [hbm4b:s4+s14], $0x20, s9, s14, $0xb8;
	[tilespmem:$0x1AE00] =	vst v63  }
0xee: {  	_ =	swait.ge [sflag:s30], $0x1000  }
0xef: {  	[sflag:s30] =	ssyncset.done $0x0  }
0xf0: {  	[sflag:s30] =	ssyncadd.s32 $0xFFFFF000  }
0xf1: {  	_ =	swait.ge [sflag:s30], $0x1000  }
0xf2: {  	[sflag:s30] =	ssyncset.done $0x0  }
0xf3: {  	[sflag:s30] =	ssyncadd.s32 $0xFFFFF000  }
0xf4: {  	_ =	swait.ge [sflag:s30], $0x1000  }
0xf5: {  	[sflag:s30] =	ssyncset.done $0x0  }
0xf6: {  	[sflag:s30] =	ssyncadd.s32 $0xFFFFF000  }
0xf7: {  	_ =	swait.ge [sflag:s30], $0x1000  }
0xf8: {  	[sflag:s30] =	ssyncset.done $0x0  }
0xf9: {  	[sflag:s30] =	ssyncadd.s32 $0xFFFFF000  }
0xfa: {  	_ =	swait.ge [sflag:s30], $0x1000  }
0xfb: {  	[sflag:s30] =	ssyncset.done $0x0  }
0xfc: {  	s21 =	simm.s32 $0xCF40;
	[sflag:s30] =	ssyncadd.s32 $0xFFFFF000  }
0xfd: {  	v4 =	vld [tilespmem:s21+$0xFFFFFEC0]  }
0xfe: {  	v2 =	vmov s11;
	s25 =	simm.s32 $0x80;
	s9 =	simm.s32 $0x0;
	v3 =	vld [tilespmem:s21+$0xFFFFFED0]  }
.LBB2_5:
0xff: {  	p0 =	sne.s32 s25, $0xF80;
	v5 =	vld [tilespmem:s21+$0xFFFFFEE0]  }
0x100: {  	v6 =	vld [tilespmem:s21+$0xFFFFFEF0]  }
0x101: {  	v7 =	vld [tilespmem:s21+$0xFFFFFF00]  }
0x102: {  	v4 =	vadd.f32 $0.0e+00, v4;
	v8 =	vld [tilespmem:s21+$0xFFFFFF10]  }
0x103: {  	v3 =	vadd.f32 $0.0e+00, v3;
	v9 =	vld [tilespmem:s21+$0xFFFFFF20]  }
0x104: {  	v4 =	vadd.f32 v5, v4;
	v5 =	vld [tilespmem:s21+$0xFFFFFF30]  }
0x105: {  	v3 =	vadd.f32 v6, v3;
	v6 =	vld [tilespmem:s21+$0xFFFFFF40]  }
0x106: {  	v4 =	vadd.f32 v7, v4;
	v7 =	vld [tilespmem:s21+$0xFFFFFF50]  }
0x107: {  	v3 =	vadd.f32 v8, v3;
	v8 =	vld [tilespmem:s21+$0xFFFFFF60]  }
0x108: {  	v4 =	vadd.f32 v9, v4;
	v9 =	vld [tilespmem:s21+$0xFFFFFF70]  }
0x109: {  	v3 =	vadd.f32 v5, v3;
	v5 =	vld [tilespmem:s21+$0xFFFFFF80]  }
0x10a: {  	v4 =	vadd.f32 v6, v4;
	v6 =	vld [tilespmem:s21+$0xFFFFFF90]  }
0x10b: {  	v3 =	vadd.f32 v7, v3;
	v7 =	vld [tilespmem:s21+$0xFFFFFFA0]  }
0x10c: {  	v4 =	vadd.f32 v8, v4;
	v8 =	vld [tilespmem:s21+$0xFFFFFFB0]  }
0x10d: {  	v3 =	vadd.f32 v9, v3;
	v9 =	vld [tilespmem:s21+$0xFFFFFFC0]  }
0x10e: {  	v4 =	vadd.f32 v5, v4;
	v5 =	vld [tilespmem:s21+$0xFFFFFFD0]  }
0x10f: {  	v3 =	vadd.f32 v6, v3;
	v6 =	vld [tilespmem:s21+$0xFFFFFFE0]  }
0x110: {  	v4 =	vadd.f32 v7, v4;
	v7 =	vld [tilespmem:s21+$0xFFFFFFF0]  }
0x111: {  	v3 =	vadd.f32 v8, v3;
	v8 =	vld [tilespmem:s21+$0x0]  }
0x112: {  	v4 =	vadd.f32 v9, v4;
	v9 =	vld [tilespmem:s21+$0x10]  }
0x113: {  	v3 =	vadd.f32 v5, v3;
	v5 =	vld [tilespmem:s21+$0x20]  }
0x114: {  	v4 =	vadd.f32 v6, v4;
	v6 =	vld [tilespmem:s21+$0x30]  }
0x115: {  	v3 =	vadd.f32 v7, v3;
	v7 =	vld [tilespmem:s21+$0x40]  }
0x116: {  	v4 =	vadd.f32 v8, v4;
	v8 =	vld [tilespmem:s21+$0x50]  }
0x117: {  	v3 =	vadd.f32 v9, v3;
	v9 =	vld [tilespmem:s21+$0x60]  }
0x118: {  	v4 =	vadd.f32 v5, v4;
	v5 =	vld [tilespmem:s21+$0x70]  }
0x119: {  	v3 =	vadd.f32 v6, v3;
	v6 =	vld [tilespmem:s21+$0x80]  }
0x11a: {  	v4 =	vadd.f32 v7, v4;
	v7 =	vld [tilespmem:s21+$0x90]  }
0x11b: {  	v3 =	vadd.f32 v8, v3;
	v8 =	vld [tilespmem:s21+$0xA0]  }
0x11c: {  	v4 =	vadd.f32 v9, v4;
	v9 =	vld [tilespmem:s21+$0xB0]  }
0x11d: {  	v3 =	vadd.f32 v5, v3;
	v5 =	vld [tilespmem:s21+$0xC0]  }
0x11e: {  	v4 =	vadd.f32 v6, v4;
	v6 =	vld [tilespmem:s21+$0xD0]  }
0x11f: {  	v3 =	vadd.f32 v7, v3;
	v7 =	vld [tilespmem:s21+$0xE0]  }
0x120: {  	v4 =	vadd.f32 v8, v4;
	v8 =	vld [tilespmem:s21+$0xF0]  }
0x121: {  	v3 =	vadd.f32 v9, v3;
	v9 =	vld [tilespmem:s21+$0x100]  }
0x122: {  	v4 =	vadd.f32 v5, v4;
	v5 =	vld [tilespmem:s21+$0x110]  }
0x123: {  	v3 =	vadd.f32 v6, v3;
	v6 =	vld [tilespmem:s21+$0x120]  }
0x124: {  	v4 =	vadd.f32 v7, v4;
	v7 =	vld [tilespmem:s21+$0x130]  }
0x125: {  	v3 =	vadd.f32 v8, v3  }
0x126: {  	v4 =	vadd.f32 v9, v4  }
0x127: {  	v3 =	vadd.f32 v5, v3  }
0x128: {  	v4 =	vadd.f32 v6, v4  }
0x129: {  	v3 =	vadd.f32 v7, v3  }
0x12a: {  	v4 =	vmul.f32 $5.000000070e-02, v4  }
.Ltmp1:
0x12b: {  	s2 =	sshra.s32 s9, $0x2;
	s9 =	smov.u32 s25;
	v3 =	vmul.f32 $5.000000070e-02, v3;
	(pc) =	sbr.rel @p0 .LBB2_5-.Ltmp1, $4  }
0x12c: {  	[tilespmem:v2+s2+$0xFFFFFFF0 ss:$0x1] =	vst.idx.msk $0xffff, v4  }
0x12d: {  	s21 =	sadd.s32 $0x280, s21;
	[tilespmem:v2+s2+$0x0 ss:$0x1] =	vst.idx.msk $0xffff, v3  }
0x12e: {  	v4 =	vld [tilespmem:s21+$0xFFFFFEC0]  }
0x12f: {  	s25 =	sadd.s32 $0x80, s25;
	v3 =	vld [tilespmem:s21+$0xFFFFFED0]  }
0x130: {  	v5 =	vld [tilespmem:s21+$0xFFFFFEE0]  }
0x131: {  	v6 =	vld [tilespmem:s21+$0xFFFFFEF0]  }
0x132: {  	v7 =	vld [tilespmem:s21+$0xFFFFFF00]  }
0x133: {  	v8 =	vld [tilespmem:s21+$0xFFFFFF10];
	v4 =	vadd.f32 $0.0e+00, v4  }
0x134: {  	v9 =	vld [tilespmem:s21+$0xFFFFFF20];
	v3 =	vadd.f32 $0.0e+00, v3  }
0x135: {  	v31 =	vld [tilespmem:s21+$0xFFFFFF30];
	v4 =	vadd.f32 v5, v4  }
0x136: {  	v32 =	vld [tilespmem:s21+$0xFFFFFF40];
	v3 =	vadd.f32 v6, v3  }
0x137: {  	v33 =	vld [tilespmem:s21+$0xFFFFFF50];
	v4 =	vadd.f32 v7, v4  }
0x138: {  	v34 =	vld [tilespmem:s21+$0xFFFFFF60];
	v3 =	vadd.f32 v8, v3  }
0x139: {  	v35 =	vld [tilespmem:s21+$0xFFFFFF70];
	v4 =	vadd.f32 v9, v4  }
0x13a: {  	v36 =	vld [tilespmem:s21+$0xFFFFFF80];
	v3 =	vadd.f32 v31, v3  }
0x13b: {  	v37 =	vld [tilespmem:s21+$0xFFFFFF90];
	v4 =	vadd.f32 v32, v4  }
0x13c: {  	v38 =	vld [tilespmem:s21+$0xFFFFFFA0];
	v3 =	vadd.f32 v33, v3  }
0x13d: {  	v39 =	vld [tilespmem:s21+$0xFFFFFFB0];
	v4 =	vadd.f32 v34, v4  }
0x13e: {  	v40 =	vld [tilespmem:s21+$0xFFFFFFC0];
	v3 =	vadd.f32 v35, v3  }
0x13f: {  	v41 =	vld [tilespmem:s21+$0xFFFFFFD0];
	v4 =	vadd.f32 v36, v4  }
0x140: {  	v42 =	vld [tilespmem:s21+$0xFFFFFFE0];
	v3 =	vadd.f32 v37, v3  }
0x141: {  	v43 =	vld [tilespmem:s21+$0xFFFFFFF0];
	v4 =	vadd.f32 v38, v4  }
0x142: {  	v44 =	vld [tilespmem:s21+$0x0];
	v3 =	vadd.f32 v39, v3  }
0x143: {  	v45 =	vld [tilespmem:s21+$0x10];
	v4 =	vadd.f32 v40, v4  }
0x144: {  	v46 =	vld [tilespmem:s21+$0x20];
	v3 =	vadd.f32 v41, v3  }
0x145: {  	v47 =	vld [tilespmem:s21+$0x30];
	v4 =	vadd.f32 v42, v4  }
0x146: {  	v48 =	vld [tilespmem:s21+$0x40];
	v3 =	vadd.f32 v43, v3  }
0x147: {  	v49 =	vld [tilespmem:s21+$0x50];
	v4 =	vadd.f32 v44, v4  }
0x148: {  	v50 =	vld [tilespmem:s21+$0x60];
	v3 =	vadd.f32 v45, v3  }
0x149: {  	v51 =	vld [tilespmem:s21+$0x70];
	v4 =	vadd.f32 v46, v4  }
0x14a: {  	v52 =	vld [tilespmem:s21+$0x80];
	v3 =	vadd.f32 v47, v3  }
0x14b: {  	v53 =	vld [tilespmem:s21+$0x90];
	v4 =	vadd.f32 v48, v4  }
0x14c: {  	v54 =	vld [tilespmem:s21+$0xA0];
	v3 =	vadd.f32 v49, v3  }
0x14d: {  	v55 =	vld [tilespmem:s21+$0xB0];
	v4 =	vadd.f32 v50, v4  }
0x14e: {  	v56 =	vld [tilespmem:s21+$0xC0];
	v3 =	vadd.f32 v51, v3  }
0x14f: {  	v57 =	vld [tilespmem:s21+$0xD0];
	v4 =	vadd.f32 v52, v4  }
0x150: {  	v58 =	vld [tilespmem:s21+$0xE0];
	v3 =	vadd.f32 v53, v3  }
0x151: {  	v59 =	vld [tilespmem:s21+$0xF0];
	v4 =	vadd.f32 v54, v4  }
0x152: {  	v60 =	vld [tilespmem:s21+$0x100];
	v3 =	vadd.f32 v55, v3  }
0x153: {  	v61 =	vld [tilespmem:s21+$0x110];
	v4 =	vadd.f32 v56, v4  }
0x154: {  	v62 =	vld [tilespmem:s21+$0x120];
	v3 =	vadd.f32 v57, v3  }
0x155: {  	v63 =	vld [tilespmem:s21+$0x130];
	v4 =	vadd.f32 v58, v4  }
0x156: {  	v3 =	vadd.f32 v59, v3  }
0x157: {  	v4 =	vadd.f32 v60, v4  }
0x158: {  	s10 =	sadd.s32 $0x1, s10;
	v3 =	vadd.f32 v61, v3  }
0x159: {  	p0 =	sne.s32 s10, $0x10;
	v4 =	vadd.f32 v62, v4  }
.Ltmp2:
0x15a: {  	v3 =	vadd.f32 v63, v3;
	(pc) =	sbr.rel @p0 .LBB2_4-.Ltmp2, $4  }
0x15b: {  	v4 =	vmul.f32 $5.000000070e-02, v4  }
0x15c: {  	s2 =	sshra.s32 s9, $0x2;
	v3 =	vmul.f32 $5.000000070e-02, v3  }
0x15d: {  	[tilespmem:v2+s2+$0xFFFFFFF0 ss:$0x1] =	vst.idx.msk $0xffff, v4  }
0x15e: {  	s11 =	sadd.s32 $0x400, s11;
	s9 =	simm.s32 $0x0;
	[tilespmem:v2+s2+$0x0 ss:$0x1] =	vst.idx.msk $0xffff, v3  }
0x15f: {  	s10 =	simm.s32 $0x0  }
.LBB2_8:
0x160: {  	s2 =	smul.u32 $0xC00, s10;
	_ =	sdelay $0x1  }
0x161: {  	s2 =	sshra.s32 s2, $0x2  }
0x162: {  	s11 =	sadd.s32 $0x3600, s2  }
0x163: {  	[tilespmem:s19], [sflag:$0x1] =	stream.indirect.gather [hbm4b:s5+s14], $0x20, s11, s14, $0xb8;
	[tilespmem:$0x1AE00] =	vst v63  }
0x164: {  	s21 =	sadd.s32 $0x3680, s2  }
0x165: {  	[tilespmem:s20], [sflag:$0x1] =	stream.indirect.gather [hbm4b:s5+s14], $0x20, s21, s14, $0xb8;
	[tilespmem:$0x1AE00] =	vst v63  }
0x166: {  	s25 =	sadd.s32 $0x3700, s2  }
0x167: {  	[tilespmem:s22], [sflag:$0x1] =	stream.indirect.gather [hbm4b:s5+s14], $0x20, s25, s14, $0xb8;
	[tilespmem:$0x1AE00] =	vst v63  }
0x168: {  	s21 =	sadd.s32 $0x3780, s2  }
0x169: {  	[tilespmem:s23], [sflag:$0x1] =	stream.indirect.gather [hbm4b:s5+s14], $0x20, s21, s14, $0xb8;
	[tilespmem:$0x1AE00] =	vst v63  }
0x16a: {  	s25 =	sadd.s32 $0x3800, s2  }
0x16b: {  	[tilespmem:s24], [sflag:$0x1] =	stream.indirect.gather [hbm4b:s5+s14], $0x20, s25, s14, $0xb8;
	[tilespmem:$0x1AE00] =	vst v63  }
0x16c: {  	s2 =	sadd.s32 $0x3880, s2  }
0x16d: {  	[tilespmem:s26], [sflag:$0x1] =	stream.indirect.gather [hbm4b:s5+s14], $0x20, s2, s14, $0xb8;
	[tilespmem:$0x1AE00] =	vst v63  }
0x16e: {  	_ =	swait.ge [sflag:s30], $0x1000  }
0x16f: {  	[sflag:s30] =	ssyncset.done $0x0  }
0x170: {  	[sflag:s30] =	ssyncadd.s32 $0xFFFFF000  }
0x171: {  	_ =	swait.ge [sflag:s30], $0x1000  }
0x172: {  	s11 =	sshll.u32 s10, $0x5;
	[sflag:s30] =	ssyncset.done $0x0  }
0x173: {  	v33 =	vor.u32 s11, v0;
	[sflag:s30] =	ssyncadd.s32 $0xFFFFF000  }
0x174: {  	v2 =	vmov s11;
	v3 =	vand.u32 $0x6F, v33;
	_ =	swait.ge [sflag:s30], $0x1000  }
0x175: {  	vm0 =	veq.s32 v2, v0;
	vm1 =	vne.s32 v3, $0x0;
	[sflag:s30] =	ssyncset.done $0x0  }
0x176: {  	vm0 =	vmand vm0, vm1;
	[sflag:s30] =	ssyncadd.s32 $0xFFFFF000  }
0x177: {  	v2 =	vsel vm0, $0xFFFFFFFF, v1;
	_ =	swait.ge [sflag:s30], $0x1000  }
0x178: {  	v2 =	vshll.u32 v2, $0x7;
	[sflag:s30] =	ssyncset.done $0x0  }
0x179: {  	v2 =	vadd.s32 s11, v2;
	[sflag:s30] =	ssyncadd.s32 $0xFFFFF000  }
0x17a: {  	v2 =	vand.u32 $0xFFFFFF80, v2;
	_ =	swait.ge [sflag:s30], $0x1000  }
0x17b: {  	v4 =	vmov s9;
	v39 =	vor.u32 v3, v2;
	v2 =	vmul.u32 $0x300, v0;
	[sflag:s30] =	ssyncset.done $0x0  }
0x17c: {  	v35 =	vshll.u32 v33, $0x5;
	v3 =	vshll.u32 v4, $0x5;
	[sflag:s30] =	ssyncadd.s32 $0xFFFFF000  }
0x17d: {  	v36 =	vadd.s32 v2, v3;
	_ =	swait.ge [sflag:s30], $0x1000  }
0x17e: {  	v6 =	vor.u32 $0x1, v35;
	[sflag:s30] =	ssyncset.done $0x0  }
0x17f: {  	v7 =	vor.u32 $0x1, v36;
	[sflag:s30] =	ssyncadd.s32 $0xFFFFF000  }
0x180: {  	v8 =	vor.u32 $0x2, v35;
	v3 =	vld.idx.msk [tilespmem:v39+s16+$0x0], $0xffff  }
0x181: {  	v9 =	vor.u32 $0x2, v36;
	v5 =	vld.idx.msk [tilespmem:v35+s28+$0x0], $0xffff  }
0x182: {  	v10 =	vor.u32 $0x3, v35;
	v11 =	vld.idx.msk [tilespmem:v36+s19+$0x0], $0xffff  }
0x183: {  	v12 =	vor.u32 $0x3, v36;
	v6 =	vld.idx.msk [tilespmem:v6+s28+$0x0], $0xffff  }
0x184: {  	v13 =	vor.u32 $0x4, v35;
	v14 =	vld.idx.msk [tilespmem:v7+s19+$0x0], $0xffff  }
0x185: {  	v15 =	vor.u32 $0x4, v36;
	v7 =	vld.idx.msk [tilespmem:v8+s28+$0x0], $0xffff  }
0x186: {  	v18 =	vor.u32 $0x5, v36;
	v17 =	vld.idx.msk [tilespmem:v9+s19+$0x0], $0xffff  }
0x187: {  	v16 =	vor.u32 $0x5, v35;
	v8 =	vld.idx.msk [tilespmem:v10+s28+$0x0], $0xffff  }
0x188: {  	v21 =	vor.u32 $0x8, v36;
	v12 =	vld.idx.msk [tilespmem:v12+s19+$0x0], $0xffff;
	v10 =	vmul.f32 v11, v5  }
0x189: {  	v9 =	vld.idx.msk [tilespmem:v13+s28+$0x0], $0xffff;
	v13 =	vor.u32 $0x6, v36  }
0x18a: {  	v15 =	vld.idx.msk [tilespmem:v15+s19+$0x0], $0xffff;
	v11 =	vor.u32 $0x6, v35;
	v14 =	vmul.f32 v14, v6;
	v19 =	vadd.f32 $0.0e+00, v10  }
0x18b: {  	v20 =	vor.u32 $0x7, v35;
	v18 =	vld.idx.msk [tilespmem:v18+s19+$0x0], $0xffff  }
0x18c: {  	v17 =	vmul.f32 v17, v7;
	v10 =	vld.idx.msk [tilespmem:v16+s28+$0x0], $0xffff;
	v16 =	vor.u32 $0x7, v36;
	v14 =	vadd.f32 v14, v19  }
0x18d: {  	v21 =	vld.idx.msk [tilespmem:v21+s19+$0x0], $0xffff;
	v19 =	vor.u32 $0x8, v35  }
0x18e: {  	v26 =	vor.u32 $0xC, v36;
	v23 =	vld.idx.msk [tilespmem:v13+s19+$0x0], $0xffff;
	v14 =	vadd.f32 v17, v14;
	v17 =	vmul.f32 v12, v8  }
0x18f: {  	v22 =	vor.u32 $0x9, v35;
	v11 =	vld.idx.msk [tilespmem:v11+s28+$0x0], $0xffff  }
0x190: {  	v15 =	vmul.f32 v15, v9;
	v12 =	vld.idx.msk [tilespmem:v20+s28+$0x0], $0xffff;
	v20 =	vor.u32 $0x9, v36;
	v14 =	vadd.f32 v17, v14  }
0x191: {  	v16 =	vld.idx.msk [tilespmem:v16+s19+$0x0], $0xffff;
	v17 =	vor.u32 $0xA, v35  }
0x192: {  	v18 =	vmul.f32 v18, v10;
	v13 =	vld.idx.msk [tilespmem:v19+s28+$0x0], $0xffff;
	v19 =	vor.u32 $0xA, v36;
	v15 =	vadd.f32 v15, v14  }
0x193: {  	v24 =	vor.u32 $0xB, v35;
	v26 =	vld.idx.msk [tilespmem:v26+s19+$0x0], $0xffff  }
0x194: {  	v14 =	vld.idx.msk [tilespmem:v22+s28+$0x0], $0xffff;
	v22 =	vor.u32 $0xB, v36;
	v23 =	vmul.f32 v23, v11;
	v18 =	vadd.f32 v18, v15  }
0x195: {  	v25 =	vor.u32 $0xC, v35;
	v20 =	vld.idx.msk [tilespmem:v20+s19+$0x0], $0xffff  }
0x196: {  	v38 =	vor.u32 $0x15, v36;
	v15 =	vld.idx.msk [tilespmem:v17+s28+$0x0], $0xffff;
	v17 =	vadd.f32 v23, v18;
	v18 =	vmul.f32 v16, v12  }
0x197: {  	v23 =	vor.u32 $0xD, v35;
	v19 =	vld.idx.msk [tilespmem:v19+s19+$0x0], $0xffff  }
0x198: {  	v16 =	vld.idx.msk [tilespmem:v24+s28+$0x0], $0xffff;
	v24 =	vor.u32 $0xD, v36;
	v21 =	vmul.f32 v21, v13;
	v18 =	vadd.f32 v18, v17  }
0x199: {  	v27 =	vor.u32 $0xE, v35;
	v22 =	vld.idx.msk [tilespmem:v22+s19+$0x0], $0xffff  }
0x19a: {  	v17 =	vld.idx.msk [tilespmem:v25+s28+$0x0], $0xffff;
	v25 =	vor.u32 $0xE, v36;
	v20 =	vmul.f32 v20, v14;
	v21 =	vadd.f32 v21, v18  }
0x19b: {  	v28 =	vor.u32 $0xF, v35;
	v38 =	vld.idx.msk [tilespmem:v38+s19+$0x0], $0xffff  }
0x19c: {  	v18 =	vld.idx.msk [tilespmem:v23+s28+$0x0], $0xffff;
	v23 =	vor.u32 $0xF, v36;
	v20 =	vadd.f32 v20, v21;
	v21 =	vmul.f32 v19, v15  }
0x19d: {  	v29 =	vor.u32 $0x10, v35;
	v24 =	vld.idx.msk [tilespmem:v24+s19+$0x0], $0xffff  }
0x19e: {  	v19 =	vld.idx.msk [tilespmem:v27+s28+$0x0], $0xffff;
	v27 =	vor.u32 $0x10, v36;
	v22 =	vmul.f32 v22, v16;
	v21 =	vadd.f32 v21, v20  }
0x19f: {  	v30 =	vor.u32 $0x11, v35;
	v25 =	vld.idx.msk [tilespmem:v25+s19+$0x0], $0xffff  }
0x1a0: {  	v26 =	vmul.f32 v26, v17;
	v20 =	vld.idx.msk [tilespmem:v28+s28+$0x0], $0xffff;
	v28 =	vor.u32 $0x11, v36;
	v22 =	vadd.f32 v22, v21  }
0x1a1: {  	v31 =	vor.u32 $0x12, v35;
	v32 =	vld.idx.msk [tilespmem:v23+s19+$0x0], $0xffff  }
0x1a2: {  	v21 =	vld.idx.msk [tilespmem:v29+s28+$0x0], $0xffff;
	v29 =	vor.u32 $0x12, v36;
	v24 =	vmul.f32 v24, v18;
	v23 =	vadd.f32 v26, v22  }
0x1a3: {  	v27 =	vld.idx.msk [tilespmem:v27+s19+$0x0], $0xffff;
	v26 =	vor.u32 $0x13, v35  }
0x1a4: {  	v22 =	vld.idx.msk [tilespmem:v30+s28+$0x0], $0xffff;
	v30 =	vor.u32 $0x13, v36;
	v25 =	vmul.f32 v25, v19;
	v24 =	vadd.f32 v24, v23  }
0x1a5: {  	v34 =	vor.u32 $0x14, v35;
	v28 =	vld.idx.msk [tilespmem:v28+s19+$0x0], $0xffff  }
0x1a6: {  	v23 =	vld.idx.msk [tilespmem:v31+s28+$0x0], $0xffff;
	v31 =	vor.u32 $0x14, v36;
	v32 =	vmul.f32 v32, v20;
	v25 =	vadd.f32 v25, v24  }
0x1a7: {  	v61 =	vor.u32 $0x18, v36;
	v29 =	vld.idx.msk [tilespmem:v29+s19+$0x0], $0xffff  }
0x1a8: {  	v37 =	vor.u32 $0x15, v35;
	v27 =	vmul.f32 v27, v21;
	v24 =	vld.idx.msk [tilespmem:v26+s28+$0x0], $0xffff;
	v26 =	vadd.f32 v32, v25  }
0x1a9: {  	v59 =	vor.u32 $0x16, v36;
	v30 =	vld.idx.msk [tilespmem:v30+s19+$0x0], $0xffff  }
0x1aa: {  	v58 =	vor.u32 $0x16, v35;
	v25 =	vld.idx.msk [tilespmem:v34+s28+$0x0], $0xffff;
	v28 =	vmul.f32 v28, v22;
	v27 =	vadd.f32 v27, v26  }
0x1ab: {  	v60 =	vor.u32 $0x17, v36;
	v31 =	vld.idx.msk [tilespmem:v31+s19+$0x0], $0xffff  }
0x1ac: {  	v40 =	vor.u32 $0x17, v35;
	v45 =	vld.idx.msk [tilespmem:v61+s19+$0x0], $0xffff;
	v29 =	vmul.f32 v29, v23;
	v28 =	vadd.f32 v28, v27  }
0x1ad: {  	v52 =	vor.u32 $0x1D, v36;
	v26 =	vld.idx.msk [tilespmem:v37+s28+$0x0], $0xffff  }
0x1ae: {  	v41 =	vor.u32 $0x18, v35;
	v34 =	vld.idx.msk [tilespmem:v59+s19+$0x0], $0xffff;
	v30 =	vmul.f32 v30, v24;
	v29 =	vadd.f32 v29, v28  }
0x1af: {  	v62 =	vor.u32 $0x19, v36;
	v27 =	vld.idx.msk [tilespmem:v58+s28+$0x0], $0xffff  }
0x1b0: {  	v42 =	vor.u32 $0x19, v35;
	v37 =	vld.idx.msk [tilespmem:v60+s19+$0x0], $0xffff;
	v31 =	vmul.f32 v31, v25;
	v30 =	vadd.f32 v30, v29  }
0x1b1: {  	v63 =	vor.u32 $0x1A, v36;
	v28 =	vld.idx.msk [tilespmem:v40+s28+$0x0], $0xffff  }
0x1b2: {  	v43 =	vor.u32 $0x1A, v35;
	v57 =	vld.idx.msk [tilespmem:v52+s19+$0x0], $0xffff;
	v38 =	vmul.f32 v38, v26;
	v31 =	vadd.f32 v31, v30  }
0x1b3: {  	v44 =	vor.u32 $0x1B, v35;
	v29 =	vld.idx.msk [tilespmem:v41+s28+$0x0], $0xffff  }
0x1b4: {  	v48 =	vor.u32 $0x1B, v36;
	v40 =	vld.idx.msk [tilespmem:v62+s19+$0x0], $0xffff;
	v34 =	vmul.f32 v34, v27;
	v49 =	vadd.f32 v38, v31  }
0x1b5: {  	v51 =	vor.u32 $0x1C, v36;
	v30 =	vld.idx.msk [tilespmem:v42+s28+$0x0], $0xffff  }
0x1b6: {  	v50 =	vor.u32 $0x1C, v35;
	v41 =	vld.idx.msk [tilespmem:v63+s19+$0x0], $0xffff;
	v37 =	vmul.f32 v37, v28;
	v34 =	vadd.f32 v34, v49  }
0x1b7: {  	v46 =	vor.u32 $0x1D, v35;
	v31 =	vld.idx.msk [tilespmem:v43+s28+$0x0], $0xffff  }
0x1b8: {  	v47 =	vor.u32 $0x1E, v35;
	v32 =	vld.idx.msk [tilespmem:v44+s28+$0x0], $0xffff;
	v45 =	vmul.f32 v45, v29;
	v37 =	vadd.f32 v37, v34  }
0x1b9: {  	v55 =	vor.u32 $0x1F, v36;
	v42 =	vld.idx.msk [tilespmem:v48+s19+$0x0], $0xffff  }
0x1ba: {  	v53 =	vor.u32 $0x1E, v36;
	v43 =	vld.idx.msk [tilespmem:v51+s19+$0x0], $0xffff;
	v40 =	vmul.f32 v40, v30;
	v37 =	vadd.f32 v45, v37  }
0x1bb: {  	v54 =	vor.u32 $0x1F, v35;
	v34 =	vld.idx.msk [tilespmem:v50+s28+$0x0], $0xffff  }
0x1bc: {  	v35 =	vld.idx.msk [tilespmem:v46+s28+$0x0], $0xffff;
	v56 =	vmul.f32 v41, v31;
	v37 =	vadd.f32 v40, v37  }
0x1bd: {  	v36 =	vld.idx.msk [tilespmem:v47+s28+$0x0], $0xffff  }
0x1be: {  	v59 =	vld.idx.msk [tilespmem:v55+s19+$0x0], $0xffff;
	v42 =	vmul.f32 v42, v32;
	v40 =	vadd.f32 v56, v37  }
0x1bf: {  	v38 =	vld.idx.msk [tilespmem:v53+s19+$0x0], $0xffff  }
0x1c0: {  	v58 =	vmul.f32 v43, v34;
	v37 =	vld.idx.msk [tilespmem:v54+s28+$0x0], $0xffff;
	v40 =	vadd.f32 v42, v40;
	_ =	sdelay $0x1  }
0x1c1: {  	v60 =	vshrl.u32 v3, s9;
	v41 =	vmul.f32 v57, v35;
	v40 =	vadd.f32 v58, v40  }
0x1c2: {  	v42 =	vand.u32 $0x1, v60  }
0x1c3: {  	v61 =	vmul.f32 v38, v36;
	v62 =	vcvt.s32.f32 v42;
	v41 =	vadd.f32 v41, v40  }
0x1c4: {  	s21 =	simm.s32 $0x1;
	v63 =	vand.u32 $0x18, v4;
	v38 =	vmul.u32 $0x18, v33;
	v42 =	vmul.f32 v59, v37  }
0x1c5: {  	v33 =	vld.idx.msk [tilespmem:v39+s17+$0x0], $0xffff;
	v43 =	vadd.f32 v62, v62;
	v40 =	vmov s21;
	v41 =	vadd.f32 v61, v41  }
0x1c6: {  	s25 =	simm.s32 $0x2;
	v44 =	vand.u32 $0x7, v4;
	v45 =	vadd.s32 v38, v63;
	v39 =	vshll.u32 v40, $0x5  }
.LBB2_9:
0x1c7: {  	p0 =	sne.s32 s25, $0x17;
	v41 =	vadd.f32 v42, v41;
	v42 =	vadd.f32 $-1.000000000e+00, v43;
	v43 =	vor.u32 v44, v45  }
0x1c8: {  	v39 =	vadd.s32 v2, v39  }
0x1c9: {  	v41 =	vmul.f32 v41, v42  }
0x1ca: {  	vm0 =	vlt.s32 v4, v33;
	v4 =	vmov v40;
	v42 =	vor.u32 $0x1, v39  }
0x1cb: {  	v40 =	vnsel vm0, $0x42200000, v41  }
0x1cc: {  	v41 =	vor.u32 $0x2, v39;
	[tilespmem:v43+s29+$0x0] =	vst.idx.msk $0xffff, v40  }
0x1cd: {  	v40 =	vld.idx.msk [tilespmem:v39+s19+$0x0], $0xffff  }
0x1ce: {  	v43 =	vor.u32 $0x3, v39  }
0x1cf: {  	v42 =	vld.idx.msk [tilespmem:v42+s19+$0x0], $0xffff  }
0x1d0: {  	v44 =	vor.u32 $0x4, v39  }
0x1d1: {  	v41 =	vld.idx.msk [tilespmem:v41+s19+$0x0], $0xffff  }
0x1d2: {  	v45 =	vor.u32 $0x5, v39  }
0x1d3: {  	v40 =	vmul.f32 v40, v5;
	v43 =	vld.idx.msk [tilespmem:v43+s19+$0x0], $0xffff  }
0x1d4: {  	v46 =	vor.u32 $0x6, v39  }
0x1d5: {  	v40 =	vadd.f32 $0.0e+00, v40;
	v42 =	vmul.f32 v42, v6;
	v44 =	vld.idx.msk [tilespmem:v44+s19+$0x0], $0xffff  }
0x1d6: {  	v47 =	vor.u32 $0x7, v39  }
0x1d7: {  	v40 =	vadd.f32 v42, v40;
	v41 =	vmul.f32 v41, v7;
	v42 =	vld.idx.msk [tilespmem:v45+s19+$0x0], $0xffff  }
0x1d8: {  	v45 =	vor.u32 $0x8, v39  }
0x1d9: {  	v40 =	vadd.f32 v41, v40;
	v41 =	vmul.f32 v43, v8;
	v43 =	vld.idx.msk [tilespmem:v46+s19+$0x0], $0xffff  }
0x1da: {  	v46 =	vor.u32 $0x9, v39  }
0x1db: {  	v40 =	vadd.f32 v41, v40;
	v41 =	vmul.f32 v44, v9;
	v44 =	vld.idx.msk [tilespmem:v47+s19+$0x0], $0xffff  }
0x1dc: {  	v47 =	vor.u32 $0xA, v39  }
0x1dd: {  	v40 =	vadd.f32 v41, v40;
	v41 =	vmul.f32 v42, v10;
	v42 =	vld.idx.msk [tilespmem:v45+s19+$0x0], $0xffff  }
0x1de: {  	v45 =	vor.u32 $0xB, v39  }
0x1df: {  	v40 =	vadd.f32 v41, v40;
	v41 =	vmul.f32 v43, v11;
	v43 =	vld.idx.msk [tilespmem:v46+s19+$0x0], $0xffff  }
0x1e0: {  	v46 =	vor.u32 $0xC, v39  }
0x1e1: {  	v40 =	vadd.f32 v41, v40;
	v41 =	vmul.f32 v44, v12;
	v44 =	vld.idx.msk [tilespmem:v47+s19+$0x0], $0xffff  }
0x1e2: {  	v47 =	vor.u32 $0xD, v39  }
0x1e3: {  	v40 =	vadd.f32 v41, v40;
	v41 =	vmul.f32 v42, v13;
	v42 =	vld.idx.msk [tilespmem:v45+s19+$0x0], $0xffff  }
0x1e4: {  	v45 =	vor.u32 $0xE, v39  }
0x1e5: {  	v40 =	vadd.f32 v41, v40;
	v41 =	vmul.f32 v43, v14;
	v43 =	vld.idx.msk [tilespmem:v46+s19+$0x0], $0xffff  }
0x1e6: {  	v46 =	vor.u32 $0xF, v39  }
0x1e7: {  	v40 =	vadd.f32 v41, v40;
	v41 =	vmul.f32 v44, v15;
	v44 =	vld.idx.msk [tilespmem:v47+s19+$0x0], $0xffff  }
0x1e8: {  	v47 =	vor.u32 $0x10, v39  }
0x1e9: {  	v40 =	vadd.f32 v41, v40;
	v41 =	vmul.f32 v42, v16;
	v42 =	vld.idx.msk [tilespmem:v45+s19+$0x0], $0xffff  }
0x1ea: {  	v45 =	vor.u32 $0x11, v39  }
0x1eb: {  	v40 =	vadd.f32 v41, v40;
	v41 =	vmul.f32 v43, v17;
	v43 =	vld.idx.msk [tilespmem:v46+s19+$0x0], $0xffff  }
0x1ec: {  	v46 =	vor.u32 $0x12, v39  }
0x1ed: {  	v40 =	vadd.f32 v41, v40;
	v41 =	vmul.f32 v44, v18;
	v44 =	vld.idx.msk [tilespmem:v47+s19+$0x0], $0xffff  }
0x1ee: {  	v47 =	vor.u32 $0x13, v39  }
0x1ef: {  	v40 =	vadd.f32 v41, v40;
	v41 =	vmul.f32 v42, v19;
	v42 =	vld.idx.msk [tilespmem:v45+s19+$0x0], $0xffff  }
0x1f0: {  	v45 =	vor.u32 $0x14, v39  }
0x1f1: {  	v40 =	vadd.f32 v41, v40;
	v41 =	vmul.f32 v43, v20;
	v43 =	vld.idx.msk [tilespmem:v46+s19+$0x0], $0xffff  }
0x1f2: {  	v46 =	vor.u32 $0x15, v39  }
0x1f3: {  	v40 =	vadd.f32 v41, v40;
	v41 =	vmul.f32 v44, v21;
	v44 =	vld.idx.msk [tilespmem:v47+s19+$0x0], $0xffff  }
0x1f4: {  	v47 =	vor.u32 $0x16, v39  }
0x1f5: {  	v40 =	vadd.f32 v41, v40;
	v41 =	vmul.f32 v42, v22;
	v42 =	vld.idx.msk [tilespmem:v45+s19+$0x0], $0xffff  }
0x1f6: {  	v45 =	vor.u32 $0x17, v39  }
0x1f7: {  	v40 =	vadd.f32 v41, v40;
	v41 =	vmul.f32 v43, v23;
	v43 =	vld.idx.msk [tilespmem:v46+s19+$0x0], $0xffff  }
0x1f8: {  	v46 =	vor.u32 $0x18, v39  }
0x1f9: {  	v40 =	vadd.f32 v41, v40;
	v41 =	vmul.f32 v44, v24;
	v44 =	vld.idx.msk [tilespmem:v47+s19+$0x0], $0xffff  }
0x1fa: {  	v47 =	vor.u32 $0x19, v39  }
0x1fb: {  	v40 =	vadd.f32 v41, v40;
	v41 =	vmul.f32 v42, v25;
	v42 =	vld.idx.msk [tilespmem:v45+s19+$0x0], $0xffff  }
0x1fc: {  	v45 =	vor.u32 $0x1A, v39  }
0x1fd: {  	v40 =	vadd.f32 v41, v40;
	v41 =	vmul.f32 v43, v26;
	v43 =	vld.idx.msk [tilespmem:v46+s19+$0x0], $0xffff  }
0x1fe: {  	v46 =	vor.u32 $0x1B, v39  }
0x1ff: {  	v40 =	vadd.f32 v41, v40;
	v41 =	vmul.f32 v44, v27;
	v44 =	vld.idx.msk [tilespmem:v47+s19+$0x0], $0xffff  }
0x200: {  	v47 =	vor.u32 $0x1C, v39  }
0x201: {  	v40 =	vadd.f32 v41, v40;
	v41 =	vmul.f32 v42, v28;
	v42 =	vld.idx.msk [tilespmem:v45+s19+$0x0], $0xffff  }
0x202: {  	v45 =	vor.u32 $0x1D, v39  }
0x203: {  	v40 =	vadd.f32 v41, v40;
	v41 =	vmul.f32 v43, v29;
	v43 =	vld.idx.msk [tilespmem:v46+s19+$0x0], $0xffff  }
0x204: {  	v46 =	vor.u32 $0x1E, v39  }
0x205: {  	v40 =	vadd.f32 v41, v40;
	v41 =	vmul.f32 v44, v30;
	v44 =	vld.idx.msk [tilespmem:v47+s19+$0x0], $0xffff  }
0x206: {  	v39 =	vor.u32 $0x1F, v39  }
0x207: {  	v40 =	vadd.f32 v41, v40;
	v41 =	vmul.f32 v42, v31;
	v42 =	vld.idx.msk [tilespmem:v45+s19+$0x0], $0xffff;
	_ =	sdelay $0x1  }
0x208: {  	v40 =	vadd.f32 v41, v40;
	v41 =	vmul.f32 v43, v32;
	v43 =	vld.idx.msk [tilespmem:v46+s19+$0x0], $0xffff;
	_ =	sdelay $0x1  }
0x209: {  	v40 =	vadd.f32 v41, v40;
	v41 =	vmul.f32 v44, v34;
	v39 =	vld.idx.msk [tilespmem:v39+s19+$0x0], $0xffff;
	_ =	sdelay $0x1  }
0x20a: {  	v40 =	vadd.f32 v41, v40;
	v41 =	vmul.f32 v42, v35;
	v42 =	vshrl.u32 v3, s21;
	s21 =	smov.u32 s25  }
.Ltmp3:
0x20b: {  	v42 =	vand.u32 $0x1, v42;
	(pc) =	sbr.rel @p0 .LBB2_9-.Ltmp3, $4  }
0x20c: {  	v41 =	vadd.f32 v41, v40;
	v43 =	vmul.f32 v43, v36;
	v44 =	vcvt.s32.f32 v42  }
0x20d: {  	v45 =	vand.u32 $0x18, v4;
	v40 =	vmov s25  }
0x20e: {  	v41 =	vadd.f32 v43, v41;
	v42 =	vmul.f32 v39, v37;
	v43 =	vadd.f32 v44, v44  }
0x20f: {  	v45 =	vadd.s32 v38, v45;
	s25 =	sadd.s32 $0x1, s25;
	v39 =	vshll.u32 v40, $0x5;
	v44 =	vand.u32 $0x7, v4  }
0x210: {  	v41 =	vadd.f32 v42, v41;
	v54 =	vadd.f32 $-1.000000000e+00, v43;
	v55 =	vor.u32 v44, v45  }
0x211: {  	v39 =	vadd.s32 v2, v39  }
0x212: {  	v41 =	vmul.f32 v41, v54  }
0x213: {  	vm0 =	vlt.s32 v4, v33;
	v56 =	vor.u32 $0x1, v39  }
0x214: {  	v4 =	vnsel vm0, $0x42200000, v41  }
0x215: {  	v57 =	vor.u32 $0x2, v39;
	[tilespmem:v55+s29+$0x0] =	vst.idx.msk $0xffff, v4  }
0x216: {  	v4 =	vld.idx.msk [tilespmem:v39+s19+$0x0], $0xffff  }
0x217: {  	v58 =	vor.u32 $0x3, v39  }
0x218: {  	v42 =	vld.idx.msk [tilespmem:v56+s19+$0x0], $0xffff  }
0x219: {  	v59 =	vor.u32 $0x4, v39  }
0x21a: {  	v41 =	vld.idx.msk [tilespmem:v57+s19+$0x0], $0xffff  }
0x21b: {  	v60 =	vor.u32 $0x5, v39;
	v4 =	vmul.f32 v4, v5  }
0x21c: {  	v5 =	vld.idx.msk [tilespmem:v58+s19+$0x0], $0xffff  }
0x21d: {  	v61 =	vor.u32 $0x6, v39;
	v6 =	vmul.f32 v42, v6;
	v4 =	vadd.f32 $0.0e+00, v4  }
0x21e: {  	v62 =	vld.idx.msk [tilespmem:v59+s19+$0x0], $0xffff  }
0x21f: {  	v63 =	vor.u32 $0x7, v39;
	v4 =	vadd.f32 v6, v4;
	v6 =	vmul.f32 v41, v7  }
0x220: {  	v7 =	vld.idx.msk [tilespmem:v60+s19+$0x0], $0xffff  }
0x221: {  	v46 =	vor.u32 $0x8, v39;
	v5 =	vmul.f32 v5, v8;
	v4 =	vadd.f32 v6, v4  }
0x222: {  	v6 =	vld.idx.msk [tilespmem:v61+s19+$0x0], $0xffff  }
0x223: {  	v8 =	vor.u32 $0x9, v39;
	v4 =	vadd.f32 v5, v4;
	v5 =	vmul.f32 v62, v9  }
0x224: {  	v9 =	vld.idx.msk [tilespmem:v63+s19+$0x0], $0xffff  }
0x225: {  	v47 =	vor.u32 $0xA, v39;
	v4 =	vadd.f32 v5, v4;
	v5 =	vmul.f32 v7, v10  }
0x226: {  	v7 =	vld.idx.msk [tilespmem:v46+s19+$0x0], $0xffff  }
0x227: {  	v10 =	vor.u32 $0xB, v39;
	v4 =	vadd.f32 v5, v4;
	v5 =	vmul.f32 v6, v11  }
0x228: {  	v6 =	vld.idx.msk [tilespmem:v8+s19+$0x0], $0xffff  }
0x229: {  	v8 =	vor.u32 $0xC, v39;
	v4 =	vadd.f32 v5, v4;
	v5 =	vmul.f32 v9, v12  }
0x22a: {  	v9 =	vld.idx.msk [tilespmem:v47+s19+$0x0], $0xffff  }
0x22b: {  	v11 =	vor.u32 $0xD, v39;
	v4 =	vadd.f32 v5, v4;
	v5 =	vmul.f32 v7, v13  }
0x22c: {  	v7 =	vld.idx.msk [tilespmem:v10+s19+$0x0], $0xffff  }
0x22d: {  	v10 =	vor.u32 $0xE, v39;
	v4 =	vadd.f32 v5, v4;
	v5 =	vmul.f32 v6, v14  }
0x22e: {  	v6 =	vld.idx.msk [tilespmem:v8+s19+$0x0], $0xffff  }
0x22f: {  	v8 =	vor.u32 $0xF, v39;
	v4 =	vadd.f32 v5, v4;
	v5 =	vmul.f32 v9, v15  }
0x230: {  	v9 =	vld.idx.msk [tilespmem:v11+s19+$0x0], $0xffff  }
0x231: {  	v11 =	vor.u32 $0x10, v39;
	v4 =	vadd.f32 v5, v4;
	v5 =	vmul.f32 v7, v16  }
0x232: {  	v7 =	vld.idx.msk [tilespmem:v10+s19+$0x0], $0xffff  }
0x233: {  	v10 =	vor.u32 $0x11, v39;
	v4 =	vadd.f32 v5, v4;
	v5 =	vmul.f32 v6, v17  }
0x234: {  	v6 =	vld.idx.msk [tilespmem:v8+s19+$0x0], $0xffff  }
0x235: {  	v8 =	vor.u32 $0x12, v39;
	v4 =	vadd.f32 v5, v4;
	v5 =	vmul.f32 v9, v18  }
0x236: {  	v9 =	vld.idx.msk [tilespmem:v11+s19+$0x0], $0xffff  }
0x237: {  	v11 =	vor.u32 $0x13, v39;
	v4 =	vadd.f32 v5, v4;
	v5 =	vmul.f32 v7, v19  }
0x238: {  	v7 =	vld.idx.msk [tilespmem:v10+s19+$0x0], $0xffff  }
0x239: {  	v10 =	vor.u32 $0x14, v39;
	v4 =	vadd.f32 v5, v4;
	v5 =	vmul.f32 v6, v20  }
0x23a: {  	v6 =	vld.idx.msk [tilespmem:v8+s19+$0x0], $0xffff  }
0x23b: {  	v8 =	vor.u32 $0x15, v39;
	v4 =	vadd.f32 v5, v4;
	v5 =	vmul.f32 v9, v21  }
0x23c: {  	v9 =	vld.idx.msk [tilespmem:v11+s19+$0x0], $0xffff  }
0x23d: {  	v11 =	vor.u32 $0x16, v39;
	v4 =	vadd.f32 v5, v4;
	v5 =	vmul.f32 v7, v22  }
0x23e: {  	v7 =	vld.idx.msk [tilespmem:v10+s19+$0x0], $0xffff  }
0x23f: {  	v10 =	vor.u32 $0x17, v39;
	v4 =	vadd.f32 v5, v4;
	v5 =	vmul.f32 v6, v23  }
0x240: {  	v6 =	vld.idx.msk [tilespmem:v8+s19+$0x0], $0xffff  }
0x241: {  	v8 =	vor.u32 $0x18, v39;
	v4 =	vadd.f32 v5, v4;
	v5 =	vmul.f32 v9, v24  }
0x242: {  	v9 =	vld.idx.msk [tilespmem:v11+s19+$0x0], $0xffff  }
0x243: {  	v11 =	vor.u32 $0x19, v39;
	v4 =	vadd.f32 v5, v4;
	v5 =	vmul.f32 v7, v25  }
0x244: {  	v7 =	vld.idx.msk [tilespmem:v10+s19+$0x0], $0xffff  }
0x245: {  	v10 =	vor.u32 $0x1A, v39;
	v4 =	vadd.f32 v5, v4;
	v5 =	vmul.f32 v6, v26  }
0x246: {  	v6 =	vld.idx.msk [tilespmem:v8+s19+$0x0], $0xffff  }
0x247: {  	v8 =	vor.u32 $0x1B, v39;
	v4 =	vadd.f32 v5, v4;
	v5 =	vmul.f32 v9, v27  }
0x248: {  	v9 =	vld.idx.msk [tilespmem:v11+s19+$0x0], $0xffff  }
0x249: {  	v11 =	vor.u32 $0x1C, v39;
	v4 =	vadd.f32 v5, v4;
	v5 =	vmul.f32 v7, v28  }
0x24a: {  	v7 =	vld.idx.msk [tilespmem:v10+s19+$0x0], $0xffff  }
0x24b: {  	v10 =	vor.u32 $0x1D, v39;
	v4 =	vadd.f32 v5, v4;
	v5 =	vmul.f32 v6, v29  }
0x24c: {  	v6 =	vld.idx.msk [tilespmem:v8+s19+$0x0], $0xffff  }
0x24d: {  	v8 =	vor.u32 $0x1E, v39;
	v4 =	vadd.f32 v5, v4;
	v5 =	vmul.f32 v9, v30  }
0x24e: {  	v9 =	vld.idx.msk [tilespmem:v11+s19+$0x0], $0xffff  }
0x24f: {  	v11 =	vor.u32 $0x1F, v39;
	v4 =	vadd.f32 v5, v4;
	v5 =	vmul.f32 v7, v31  }
0x250: {  	v7 =	vld.idx.msk [tilespmem:v10+s19+$0x0], $0xffff  }
0x251: {  	v4 =	vadd.f32 v5, v4;
	v5 =	vmul.f32 v6, v32  }
0x252: {  	v6 =	vld.idx.msk [tilespmem:v8+s19+$0x0], $0xffff  }
0x253: {  	v4 =	vadd.f32 v5, v4;
	v5 =	vmul.f32 v9, v34  }
0x254: {  	v3 =	vshrl.u32 v3, s21;
	v8 =	vld.idx.msk [tilespmem:v11+s19+$0x0], $0xffff  }
0x255: {  	v3 =	vand.u32 $0x1, v3;
	v4 =	vadd.f32 v5, v4;
	v5 =	vmul.f32 v7, v35  }
0x256: {  	v3 =	vcvt.s32.f32 v3  }
0x257: {  	v4 =	vadd.f32 v5, v4;
	v5 =	vmul.f32 v6, v36  }
0x258: {  	v3 =	vadd.f32 v3, v3  }
0x259: {  	v4 =	vadd.f32 v5, v4;
	v5 =	vmul.f32 v8, v37  }
0x25a: {  	vm15 =	vlt.s32 v40, v33;
	v3 =	vadd.f32 $-1.000000000e+00, v3;
	v7 =	vand.u32 $0x7, v40  }
0x25b: {  	s2 =	sor.u32 $0x10, s11;
	v6 =	vand.u32 $0x18, v40;
	v4 =	vadd.f32 v5, v4;
	v5 =	vshrl.u32 v0, $0x3  }
0x25c: {  	v6 =	vadd.s32 v38, v6;
	v8 =	vmov s2;
	v5 =	vmul.u32 $0x8, v5  }
0x25d: {  	v6 =	vor.u32 v7, v6;
	v37 =	vor.u32 s2, v0;
	v7 =	vand.u32 $0x1F8, v8  }
0x25e: {  	s25 =	simm.s32 $0x0;
	v4 =	vmul.f32 v4, v3;
	v3 =	vor.u32 v5, v7;
	v5 =	vand.u32 $0x7, v0  }
0x25f: {  	v34 =	vshll.u32 v37, $0x5;
	v38 =	vor.u32 v5, v3;
	v3 =	vmov s25  }
0x260: {  	v10 =	vadd.s32 $0x3000, v2;
	v5 =	vor.u32 $0x1, v34;
	v2 =	vshll.u32 v3, $0x5  }
0x261: {  	v35 =	vadd.s32 v10, v2;
	v2 =	vnsel vm15, $0x42200000, v4  }
0x262: {  	[tilespmem:v6+s29+$0x0] =	vst.idx.msk $0xffff, v2;
	v6 =	vor.u32 $0x1, v35  }
0x263: {  	v7 =	vor.u32 $0x2, v34  }
0x264: {  	v8 =	vor.u32 $0x2, v35;
	v4 =	vld.idx.msk [tilespmem:v34+s28+$0x0], $0xffff  }
0x265: {  	v9 =	vor.u32 $0x3, v34;
	v5 =	vld.idx.msk [tilespmem:v5+s28+$0x0], $0xffff  }
0x266: {  	v12 =	vor.u32 $0x3, v35;
	v11 =	vld.idx.msk [tilespmem:v35+s19+$0x0], $0xffff  }
0x267: {  	v13 =	vor.u32 $0x4, v34;
	v14 =	vld.idx.msk [tilespmem:v6+s19+$0x0], $0xffff  }
0x268: {  	v6 =	vld.idx.msk [tilespmem:v7+s28+$0x0], $0xffff  }
0x269: {  	v15 =	vor.u32 $0x4, v35;
	v17 =	vld.idx.msk [tilespmem:v8+s19+$0x0], $0xffff  }
0x26a: {  	v16 =	vor.u32 $0x5, v34;
	v7 =	vld.idx.msk [tilespmem:v9+s28+$0x0], $0xffff  }
0x26b: {  	v18 =	vor.u32 $0x5, v35;
	v12 =	vld.idx.msk [tilespmem:v12+s19+$0x0], $0xffff;
	v9 =	vmul.f32 v11, v4  }
0x26c: {  	v8 =	vld.idx.msk [tilespmem:v13+s28+$0x0], $0xffff;
	v13 =	vor.u32 $0x6, v35  }
0x26d: {  	v2 =	vld.idx.msk [tilespmem:v38+s16+$0x0], $0xffff;
	v11 =	vor.u32 $0x6, v34;
	v14 =	vmul.f32 v14, v5;
	v19 =	vadd.f32 $0.0e+00, v9  }
0x26e: {  	v20 =	vor.u32 $0x7, v34;
	v15 =	vld.idx.msk [tilespmem:v15+s19+$0x0], $0xffff  }
0x26f: {  	v17 =	vmul.f32 v17, v6;
	v9 =	vld.idx.msk [tilespmem:v16+s28+$0x0], $0xffff;
	v16 =	vor.u32 $0x7, v35;
	v14 =	vadd.f32 v14, v19  }
0x270: {  	v18 =	vld.idx.msk [tilespmem:v18+s19+$0x0], $0xffff;
	v19 =	vor.u32 $0x8, v34  }
0x271: {  	v21 =	vor.u32 $0x8, v35;
	v23 =	vld.idx.msk [tilespmem:v13+s19+$0x0], $0xffff;
	v14 =	vadd.f32 v17, v14;
	v17 =	vmul.f32 v12, v7  }
0x272: {  	v22 =	vor.u32 $0x9, v34;
	v11 =	vld.idx.msk [tilespmem:v11+s28+$0x0], $0xffff  }
0x273: {  	v15 =	vmul.f32 v15, v8;
	v12 =	vld.idx.msk [tilespmem:v20+s28+$0x0], $0xffff;
	v20 =	vor.u32 $0x9, v35;
	v14 =	vadd.f32 v17, v14  }
0x274: {  	v16 =	vld.idx.msk [tilespmem:v16+s19+$0x0], $0xffff;
	v17 =	vor.u32 $0xA, v34  }
0x275: {  	v18 =	vmul.f32 v18, v9;
	v13 =	vld.idx.msk [tilespmem:v19+s28+$0x0], $0xffff;
	v19 =	vor.u32 $0xA, v35;
	v15 =	vadd.f32 v15, v14  }
0x276: {  	v24 =	vor.u32 $0xB, v34;
	v21 =	vld.idx.msk [tilespmem:v21+s19+$0x0], $0xffff  }
0x277: {  	v14 =	vld.idx.msk [tilespmem:v22+s28+$0x0], $0xffff;
	v22 =	vor.u32 $0xB, v35;
	v23 =	vmul.f32 v23, v11;
	v18 =	vadd.f32 v18, v15  }
0x278: {  	v25 =	vor.u32 $0xC, v34;
	v20 =	vld.idx.msk [tilespmem:v20+s19+$0x0], $0xffff  }
0x279: {  	v26 =	vor.u32 $0xC, v35;
	v15 =	vld.idx.msk [tilespmem:v17+s28+$0x0], $0xffff;
	v17 =	vadd.f32 v23, v18;
	v18 =	vmul.f32 v16, v12  }
0x27a: {  	v23 =	vor.u32 $0xD, v34;
	v19 =	vld.idx.msk [tilespmem:v19+s19+$0x0], $0xffff  }
0x27b: {  	v16 =	vld.idx.msk [tilespmem:v24+s28+$0x0], $0xffff;
	v24 =	vor.u32 $0xD, v35;
	v21 =	vmul.f32 v21, v13;
	v18 =	vadd.f32 v18, v17  }
0x27c: {  	v27 =	vor.u32 $0xE, v34;
	v22 =	vld.idx.msk [tilespmem:v22+s19+$0x0], $0xffff  }
0x27d: {  	v17 =	vld.idx.msk [tilespmem:v25+s28+$0x0], $0xffff;
	v25 =	vor.u32 $0xE, v35;
	v20 =	vmul.f32 v20, v14;
	v21 =	vadd.f32 v21, v18  }
0x27e: {  	v28 =	vor.u32 $0xF, v34;
	v26 =	vld.idx.msk [tilespmem:v26+s19+$0x0], $0xffff  }
0x27f: {  	v18 =	vld.idx.msk [tilespmem:v23+s28+$0x0], $0xffff;
	v23 =	vor.u32 $0xF, v35;
	v20 =	vadd.f32 v20, v21;
	v21 =	vmul.f32 v19, v15  }
0x280: {  	v29 =	vor.u32 $0x10, v34;
	v24 =	vld.idx.msk [tilespmem:v24+s19+$0x0], $0xffff  }
0x281: {  	v19 =	vld.idx.msk [tilespmem:v27+s28+$0x0], $0xffff;
	v27 =	vor.u32 $0x10, v35;
	v22 =	vmul.f32 v22, v16;
	v21 =	vadd.f32 v21, v20  }
0x282: {  	v30 =	vor.u32 $0x11, v34;
	v25 =	vld.idx.msk [tilespmem:v25+s19+$0x0], $0xffff  }
0x283: {  	v26 =	vmul.f32 v26, v17;
	v20 =	vld.idx.msk [tilespmem:v28+s28+$0x0], $0xffff;
	v28 =	vor.u32 $0x11, v35;
	v22 =	vadd.f32 v22, v21  }
0x284: {  	v31 =	vor.u32 $0x12, v34;
	v48 =	vld.idx.msk [tilespmem:v23+s19+$0x0], $0xffff  }
0x285: {  	v21 =	vld.idx.msk [tilespmem:v29+s28+$0x0], $0xffff;
	v29 =	vor.u32 $0x12, v35;
	v24 =	vmul.f32 v24, v18;
	v23 =	vadd.f32 v26, v22  }
0x286: {  	v27 =	vld.idx.msk [tilespmem:v27+s19+$0x0], $0xffff;
	v26 =	vor.u32 $0x13, v34  }
0x287: {  	v22 =	vld.idx.msk [tilespmem:v30+s28+$0x0], $0xffff;
	v30 =	vor.u32 $0x13, v35;
	v25 =	vmul.f32 v25, v19;
	v24 =	vadd.f32 v24, v23  }
0x288: {  	v49 =	vor.u32 $0x14, v34;
	v28 =	vld.idx.msk [tilespmem:v28+s19+$0x0], $0xffff  }
0x289: {  	v23 =	vld.idx.msk [tilespmem:v31+s28+$0x0], $0xffff;
	v31 =	vor.u32 $0x14, v35;
	v32 =	vmul.f32 v48, v20;
	v25 =	vadd.f32 v25, v24  }
0x28a: {  	v51 =	vor.u32 $0x15, v35;
	v29 =	vld.idx.msk [tilespmem:v29+s19+$0x0], $0xffff  }
0x28b: {  	v50 =	vor.u32 $0x15, v34;
	v27 =	vmul.f32 v27, v21;
	v24 =	vld.idx.msk [tilespmem:v26+s28+$0x0], $0xffff;
	v26 =	vadd.f32 v32, v25  }
0x28c: {  	v53 =	vor.u32 $0x16, v35;
	v30 =	vld.idx.msk [tilespmem:v30+s19+$0x0], $0xffff  }
0x28d: {  	v52 =	vor.u32 $0x16, v34;
	v25 =	vld.idx.msk [tilespmem:v49+s28+$0x0], $0xffff;
	v28 =	vmul.f32 v28, v22;
	v27 =	vadd.f32 v27, v26  }
0x28e: {  	v55 =	vor.u32 $0x17, v35;
	v31 =	vld.idx.msk [tilespmem:v31+s19+$0x0], $0xffff  }
0x28f: {  	v54 =	vor.u32 $0x17, v34;
	v39 =	vld.idx.msk [tilespmem:v51+s19+$0x0], $0xffff;
	v29 =	vmul.f32 v29, v23;
	v28 =	vadd.f32 v28, v27  }
0x290: {  	v57 =	vor.u32 $0x18, v35;
	v26 =	vld.idx.msk [tilespmem:v50+s28+$0x0], $0xffff  }
0x291: {  	v56 =	vor.u32 $0x18, v34;
	v33 =	vld.idx.msk [tilespmem:v53+s19+$0x0], $0xffff;
	v30 =	vmul.f32 v30, v24;
	v29 =	vadd.f32 v29, v28  }
0x292: {  	v59 =	vor.u32 $0x19, v35;
	v27 =	vld.idx.msk [tilespmem:v52+s28+$0x0], $0xffff  }
0x293: {  	v58 =	vor.u32 $0x19, v34;
	v36 =	vld.idx.msk [tilespmem:v55+s19+$0x0], $0xffff;
	v31 =	vmul.f32 v31, v25;
	v30 =	vadd.f32 v30, v29  }
0x294: {  	v61 =	vor.u32 $0x1A, v35;
	v28 =	vld.idx.msk [tilespmem:v54+s28+$0x0], $0xffff  }
0x295: {  	v60 =	vor.u32 $0x1A, v34;
	v63 =	vld.idx.msk [tilespmem:v57+s19+$0x0], $0xffff;
	v39 =	vmul.f32 v39, v26;
	v31 =	vadd.f32 v31, v30  }
0x296: {  	v62 =	vor.u32 $0x1B, v34;
	v29 =	vld.idx.msk [tilespmem:v56+s28+$0x0], $0xffff  }
0x297: {  	v40 =	vld.idx.msk [tilespmem:v59+s19+$0x0], $0xffff;
	v48 =	vor.u32 $0x1B, v35;
	v33 =	vmul.f32 v33, v27;
	v49 =	vadd.f32 v39, v31  }
0x298: {  	v51 =	vor.u32 $0x1C, v35;
	v30 =	vld.idx.msk [tilespmem:v58+s28+$0x0], $0xffff  }
0x299: {  	v41 =	vld.idx.msk [tilespmem:v61+s19+$0x0], $0xffff;
	v50 =	vor.u32 $0x1C, v34;
	v36 =	vmul.f32 v36, v28;
	v33 =	vadd.f32 v33, v49  }
0x29a: {  	v46 =	vor.u32 $0x1D, v34;
	v31 =	vld.idx.msk [tilespmem:v60+s28+$0x0], $0xffff  }
0x29b: {  	v32 =	vld.idx.msk [tilespmem:v62+s28+$0x0], $0xffff;
	v52 =	vor.u32 $0x1D, v35;
	v45 =	vmul.f32 v63, v29;
	v36 =	vadd.f32 v36, v33  }
0x29c: {  	v47 =	vor.u32 $0x1E, v34;
	v42 =	vld.idx.msk [tilespmem:v48+s19+$0x0], $0xffff  }
0x29d: {  	v53 =	vor.u32 $0x1E, v35;
	v43 =	vld.idx.msk [tilespmem:v51+s19+$0x0], $0xffff;
	v40 =	vmul.f32 v40, v30;
	v36 =	vadd.f32 v45, v36  }
0x29e: {  	v55 =	vor.u32 $0x1F, v35;
	v33 =	vld.idx.msk [tilespmem:v50+s28+$0x0], $0xffff  }
0x29f: {  	v54 =	vor.u32 $0x1F, v34;
	v34 =	vld.idx.msk [tilespmem:v46+s28+$0x0], $0xffff;
	v56 =	vmul.f32 v41, v31;
	v36 =	vadd.f32 v40, v36  }
0x2a0: {  	v57 =	vld.idx.msk [tilespmem:v52+s19+$0x0], $0xffff  }
0x2a1: {  	v35 =	vld.idx.msk [tilespmem:v47+s28+$0x0], $0xffff;
	v42 =	vmul.f32 v42, v32;
	v40 =	vadd.f32 v56, v36  }
0x2a2: {  	v39 =	vld.idx.msk [tilespmem:v53+s19+$0x0], $0xffff  }
0x2a3: {  	v59 =	vld.idx.msk [tilespmem:v55+s19+$0x0], $0xffff;
	v58 =	vmul.f32 v43, v33;
	v40 =	vadd.f32 v42, v40  }
0x2a4: {  	v36 =	vld.idx.msk [tilespmem:v54+s28+$0x0], $0xffff  }
0x2a5: {  	v60 =	vshrl.u32 v2, s25;
	v41 =	vmul.f32 v57, v34;
	v40 =	vadd.f32 v58, v40  }
0x2a6: {  	v42 =	vand.u32 $0x1, v60  }
0x2a7: {  	s11 =	simm.s32 $0x1;
	v61 =	vmul.f32 v39, v35;
	v62 =	vcvt.s32.f32 v42;
	v40 =	vadd.f32 v41, v40  }
0x2a8: {  	v37 =	vmul.u32 $0x18, v37;
	v63 =	vand.u32 $0x18, v3;
	v39 =	vmov s11  }
0x2a9: {  	v38 =	vld.idx.msk [tilespmem:v38+s17+$0x0], $0xffff;
	v42 =	vmul.f32 v59, v36;
	v43 =	vadd.f32 v62, v62;
	v40 =	vadd.f32 v61, v40  }
0x2aa: {  	s21 =	simm.s32 $0x2;
	v44 =	vand.u32 $0x7, v3;
	v45 =	vadd.s32 v37, v63;
	v41 =	vshll.u32 v39, $0x5  }
.LBB2_11:
0x2ab: {  	p0 =	sne.s32 s21, $0x17;
	v42 =	vadd.f32 v42, v40;
	v43 =	vadd.f32 $-1.000000000e+00, v43;
	v44 =	vor.u32 v44, v45  }
0x2ac: {  	v40 =	vadd.s32 v10, v41  }
0x2ad: {  	v41 =	vmul.f32 v42, v43  }
0x2ae: {  	vm0 =	vlt.s32 v3, v38;
	v3 =	vmov v39;
	v42 =	vor.u32 $0x1, v40  }
0x2af: {  	v39 =	vnsel vm0, $0x42200000, v41  }
0x2b0: {  	v41 =	vor.u32 $0x2, v40;
	[tilespmem:v44+s29+$0x0] =	vst.idx.msk $0xffff, v39  }
0x2b1: {  	v39 =	vld.idx.msk [tilespmem:v40+s19+$0x0], $0xffff  }
0x2b2: {  	v43 =	vor.u32 $0x3, v40  }
0x2b3: {  	v42 =	vld.idx.msk [tilespmem:v42+s19+$0x0], $0xffff  }
0x2b4: {  	v44 =	vor.u32 $0x4, v40  }
0x2b5: {  	v41 =	vld.idx.msk [tilespmem:v41+s19+$0x0], $0xffff  }
0x2b6: {  	v45 =	vor.u32 $0x5, v40  }
0x2b7: {  	v39 =	vmul.f32 v39, v4;
	v43 =	vld.idx.msk [tilespmem:v43+s19+$0x0], $0xffff  }
0x2b8: {  	v46 =	vor.u32 $0x6, v40  }
0x2b9: {  	v39 =	vadd.f32 $0.0e+00, v39;
	v42 =	vmul.f32 v42, v5;
	v44 =	vld.idx.msk [tilespmem:v44+s19+$0x0], $0xffff  }
0x2ba: {  	v47 =	vor.u32 $0x7, v40  }
0x2bb: {  	v39 =	vadd.f32 v42, v39;
	v41 =	vmul.f32 v41, v6;
	v42 =	vld.idx.msk [tilespmem:v45+s19+$0x0], $0xffff  }
0x2bc: {  	v45 =	vor.u32 $0x8, v40  }
0x2bd: {  	v39 =	vadd.f32 v41, v39;
	v41 =	vmul.f32 v43, v7;
	v43 =	vld.idx.msk [tilespmem:v46+s19+$0x0], $0xffff  }
0x2be: {  	v46 =	vor.u32 $0x9, v40  }
0x2bf: {  	v39 =	vadd.f32 v41, v39;
	v41 =	vmul.f32 v44, v8;
	v44 =	vld.idx.msk [tilespmem:v47+s19+$0x0], $0xffff  }
0x2c0: {  	v47 =	vor.u32 $0xA, v40  }
0x2c1: {  	v39 =	vadd.f32 v41, v39;
	v41 =	vmul.f32 v42, v9;
	v42 =	vld.idx.msk [tilespmem:v45+s19+$0x0], $0xffff  }
0x2c2: {  	v45 =	vor.u32 $0xB, v40  }
0x2c3: {  	v39 =	vadd.f32 v41, v39;
	v41 =	vmul.f32 v43, v11;
	v43 =	vld.idx.msk [tilespmem:v46+s19+$0x0], $0xffff  }
0x2c4: {  	v46 =	vor.u32 $0xC, v40  }
0x2c5: {  	v39 =	vadd.f32 v41, v39;
	v41 =	vmul.f32 v44, v12;
	v44 =	vld.idx.msk [tilespmem:v47+s19+$0x0], $0xffff  }
0x2c6: {  	v47 =	vor.u32 $0xD, v40  }
0x2c7: {  	v39 =	vadd.f32 v41, v39;
	v41 =	vmul.f32 v42, v13;
	v42 =	vld.idx.msk [tilespmem:v45+s19+$0x0], $0xffff  }
0x2c8: {  	v45 =	vor.u32 $0xE, v40  }
0x2c9: {  	v39 =	vadd.f32 v41, v39;
	v41 =	vmul.f32 v43, v14;
	v43 =	vld.idx.msk [tilespmem:v46+s19+$0x0], $0xffff  }
0x2ca: {  	v46 =	vor.u32 $0xF, v40  }
0x2cb: {  	v39 =	vadd.f32 v41, v39;
	v41 =	vmul.f32 v44, v15;
	v44 =	vld.idx.msk [tilespmem:v47+s19+$0x0], $0xffff  }
0x2cc: {  	v47 =	vor.u32 $0x10, v40  }
0x2cd: {  	v39 =	vadd.f32 v41, v39;
	v41 =	vmul.f32 v42, v16;
	v42 =	vld.idx.msk [tilespmem:v45+s19+$0x0], $0xffff  }
0x2ce: {  	v45 =	vor.u32 $0x11, v40  }
0x2cf: {  	v39 =	vadd.f32 v41, v39;
	v41 =	vmul.f32 v43, v17;
	v43 =	vld.idx.msk [tilespmem:v46+s19+$0x0], $0xffff  }
0x2d0: {  	v46 =	vor.u32 $0x12, v40  }
0x2d1: {  	v39 =	vadd.f32 v41, v39;
	v41 =	vmul.f32 v44, v18;
	v44 =	vld.idx.msk [tilespmem:v47+s19+$0x0], $0xffff  }
0x2d2: {  	v47 =	vor.u32 $0x13, v40  }
0x2d3: {  	v39 =	vadd.f32 v41, v39;
	v41 =	vmul.f32 v42, v19;
	v42 =	vld.idx.msk [tilespmem:v45+s19+$0x0], $0xffff  }
0x2d4: {  	v45 =	vor.u32 $0x14, v40  }
0x2d5: {  	v39 =	vadd.f32 v41, v39;
	v41 =	vmul.f32 v43, v20;
	v43 =	vld.idx.msk [tilespmem:v46+s19+$0x0], $0xffff  }
0x2d6: {  	v46 =	vor.u32 $0x15, v40  }
0x2d7: {  	v39 =	vadd.f32 v41, v39;
	v41 =	vmul.f32 v44, v21;
	v44 =	vld.idx.msk [tilespmem:v47+s19+$0x0], $0xffff  }
0x2d8: {  	v47 =	vor.u32 $0x16, v40  }
0x2d9: {  	v39 =	vadd.f32 v41, v39;
	v41 =	vmul.f32 v42, v22;
	v42 =	vld.idx.msk [tilespmem:v45+s19+$0x0], $0xffff  }
0x2da: {  	v45 =	vor.u32 $0x17, v40  }
0x2db: {  	v39 =	vadd.f32 v41, v39;
	v41 =	vmul.f32 v43, v23;
	v43 =	vld.idx.msk [tilespmem:v46+s19+$0x0], $0xffff  }
0x2dc: {  	v46 =	vor.u32 $0x18, v40  }
0x2dd: {  	v39 =	vadd.f32 v41, v39;
	v41 =	vmul.f32 v44, v24;
	v44 =	vld.idx.msk [tilespmem:v47+s19+$0x0], $0xffff  }
0x2de: {  	v47 =	vor.u32 $0x19, v40  }
0x2df: {  	v39 =	vadd.f32 v41, v39;
	v41 =	vmul.f32 v42, v25;
	v42 =	vld.idx.msk [tilespmem:v45+s19+$0x0], $0xffff  }
0x2e0: {  	v45 =	vor.u32 $0x1A, v40  }
0x2e1: {  	v39 =	vadd.f32 v41, v39;
	v41 =	vmul.f32 v43, v26;
	v43 =	vld.idx.msk [tilespmem:v46+s19+$0x0], $0xffff  }
0x2e2: {  	v46 =	vor.u32 $0x1B, v40  }
0x2e3: {  	v39 =	vadd.f32 v41, v39;
	v41 =	vmul.f32 v44, v27;
	v44 =	vld.idx.msk [tilespmem:v47+s19+$0x0], $0xffff  }
0x2e4: {  	v47 =	vor.u32 $0x1C, v40  }
0x2e5: {  	v39 =	vadd.f32 v41, v39;
	v41 =	vmul.f32 v42, v28;
	v42 =	vld.idx.msk [tilespmem:v45+s19+$0x0], $0xffff  }
0x2e6: {  	v45 =	vor.u32 $0x1D, v40  }
0x2e7: {  	v39 =	vadd.f32 v41, v39;
	v41 =	vmul.f32 v43, v29;
	v43 =	vld.idx.msk [tilespmem:v46+s19+$0x0], $0xffff  }
0x2e8: {  	v46 =	vor.u32 $0x1E, v40  }
0x2e9: {  	v39 =	vadd.f32 v41, v39;
	v41 =	vmul.f32 v44, v30;
	v44 =	vld.idx.msk [tilespmem:v47+s19+$0x0], $0xffff  }
0x2ea: {  	v40 =	vor.u32 $0x1F, v40  }
0x2eb: {  	v39 =	vadd.f32 v41, v39;
	v41 =	vmul.f32 v42, v31;
	v42 =	vld.idx.msk [tilespmem:v45+s19+$0x0], $0xffff;
	_ =	sdelay $0x1  }
0x2ec: {  	v39 =	vadd.f32 v41, v39;
	v41 =	vmul.f32 v43, v32;
	v43 =	vld.idx.msk [tilespmem:v46+s19+$0x0], $0xffff;
	_ =	sdelay $0x1  }
0x2ed: {  	v39 =	vadd.f32 v41, v39;
	v41 =	vmul.f32 v44, v33;
	v44 =	vld.idx.msk [tilespmem:v40+s19+$0x0], $0xffff;
	_ =	sdelay $0x1  }
0x2ee: {  	v39 =	vadd.f32 v41, v39;
	v40 =	vmul.f32 v42, v34;
	v41 =	vshrl.u32 v2, s11;
	s11 =	smov.u32 s21  }
.Ltmp4:
0x2ef: {  	v41 =	vand.u32 $0x1, v41;
	(pc) =	sbr.rel @p0 .LBB2_11-.Ltmp4, $4  }
0x2f0: {  	v40 =	vadd.f32 v40, v39;
	v42 =	vmul.f32 v43, v35;
	v41 =	vcvt.s32.f32 v41  }
0x2f1: {  	v45 =	vand.u32 $0x18, v3;
	v39 =	vmov s21  }
0x2f2: {  	v40 =	vadd.f32 v42, v40;
	v42 =	vmul.f32 v44, v36;
	v43 =	vadd.f32 v41, v41  }
0x2f3: {  	v45 =	vadd.s32 v37, v45;
	s21 =	sadd.s32 $0x1, s21;
	v41 =	vshll.u32 v39, $0x5;
	v44 =	vand.u32 $0x7, v3  }
0x2f4: {  	v40 =	vadd.f32 v42, v40;
	v56 =	vadd.f32 $-1.000000000e+00, v43;
	v57 =	vor.u32 v44, v45  }
0x2f5: {  	v10 =	vadd.s32 v10, v41  }
0x2f6: {  	v40 =	vmul.f32 v40, v56  }
0x2f7: {  	vm0 =	vlt.s32 v3, v38;
	v41 =	vor.u32 $0x1, v10  }
0x2f8: {  	v3 =	vnsel vm0, $0x42200000, v40  }
0x2f9: {  	v58 =	vor.u32 $0x2, v10;
	[tilespmem:v57+s29+$0x0] =	vst.idx.msk $0xffff, v3  }
0x2fa: {  	v3 =	vld.idx.msk [tilespmem:v10+s19+$0x0], $0xffff  }
0x2fb: {  	v59 =	vor.u32 $0x3, v10  }
0x2fc: {  	v41 =	vld.idx.msk [tilespmem:v41+s19+$0x0], $0xffff  }
0x2fd: {  	v60 =	vor.u32 $0x4, v10  }
0x2fe: {  	v40 =	vld.idx.msk [tilespmem:v58+s19+$0x0], $0xffff  }
0x2ff: {  	v61 =	vor.u32 $0x5, v10;
	v3 =	vmul.f32 v3, v4  }
0x300: {  	v62 =	vld.idx.msk [tilespmem:v59+s19+$0x0], $0xffff  }
0x301: {  	v63 =	vor.u32 $0x6, v10;
	v5 =	vmul.f32 v41, v5;
	v3 =	vadd.f32 $0.0e+00, v3  }
0x302: {  	v45 =	vld.idx.msk [tilespmem:v60+s19+$0x0], $0xffff  }
0x303: {  	v46 =	vor.u32 $0x7, v10;
	v47 =	vmul.f32 v40, v6;
	v3 =	vadd.f32 v5, v3  }
0x304: {  	v48 =	vld.idx.msk [tilespmem:v61+s19+$0x0], $0xffff  }
0x305: {  	v49 =	vor.u32 $0x8, v10;
	v4 =	vmul.f32 v62, v7;
	v3 =	vadd.f32 v47, v3  }
0x306: {  	v50 =	vld.idx.msk [tilespmem:v63+s19+$0x0], $0xffff  }
0x307: {  	v51 =	vor.u32 $0x9, v10;
	v52 =	vmul.f32 v45, v8;
	v3 =	vadd.f32 v4, v3  }
0x308: {  	v53 =	vld.idx.msk [tilespmem:v46+s19+$0x0], $0xffff  }
0x309: {  	v54 =	vor.u32 $0xA, v10;
	v55 =	vmul.f32 v48, v9;
	v3 =	vadd.f32 v52, v3  }
0x30a: {  	v56 =	vld.idx.msk [tilespmem:v49+s19+$0x0], $0xffff  }
0x30b: {  	v57 =	vor.u32 $0xB, v10;
	v58 =	vmul.f32 v50, v11;
	v3 =	vadd.f32 v55, v3  }
0x30c: {  	v59 =	vld.idx.msk [tilespmem:v51+s19+$0x0], $0xffff  }
0x30d: {  	v60 =	vor.u32 $0xC, v10;
	v61 =	vmul.f32 v53, v12;
	v3 =	vadd.f32 v58, v3  }
0x30e: {  	v62 =	vld.idx.msk [tilespmem:v54+s19+$0x0], $0xffff  }
0x30f: {  	v63 =	vor.u32 $0xD, v10;
	v12 =	vmul.f32 v56, v13;
	v3 =	vadd.f32 v61, v3  }
0x310: {  	v13 =	vld.idx.msk [tilespmem:v57+s19+$0x0], $0xffff  }
0x311: {  	v40 =	vor.u32 $0xE, v10;
	v41 =	vmul.f32 v59, v14;
	v3 =	vadd.f32 v12, v3  }
0x312: {  	v42 =	vld.idx.msk [tilespmem:v60+s19+$0x0], $0xffff  }
0x313: {  	v43 =	vor.u32 $0xF, v10;
	v44 =	vmul.f32 v62, v15;
	v3 =	vadd.f32 v41, v3  }
0x314: {  	v45 =	vld.idx.msk [tilespmem:v63+s19+$0x0], $0xffff  }
0x315: {  	v46 =	vor.u32 $0x10, v10;
	v47 =	vmul.f32 v13, v16;
	v3 =	vadd.f32 v44, v3  }
0x316: {  	v48 =	vld.idx.msk [tilespmem:v40+s19+$0x0], $0xffff  }
0x317: {  	v49 =	vor.u32 $0x11, v10;
	v50 =	vmul.f32 v42, v17;
	v3 =	vadd.f32 v47, v3  }
0x318: {  	v51 =	vld.idx.msk [tilespmem:v43+s19+$0x0], $0xffff  }
0x319: {  	v53 =	vmul.f32 v45, v18;
	v52 =	vor.u32 $0x12, v10;
	v3 =	vadd.f32 v50, v3  }
0x31a: {  	v54 =	vld.idx.msk [tilespmem:v46+s19+$0x0], $0xffff  }
0x31b: {  	v56 =	vmul.f32 v48, v19;
	v55 =	vor.u32 $0x13, v10;
	v3 =	vadd.f32 v53, v3  }
0x31c: {  	v57 =	vld.idx.msk [tilespmem:v49+s19+$0x0], $0xffff  }
0x31d: {  	v59 =	vmul.f32 v51, v20;
	v58 =	vor.u32 $0x14, v10;
	v3 =	vadd.f32 v56, v3  }
0x31e: {  	v60 =	vld.idx.msk [tilespmem:v52+s19+$0x0], $0xffff  }
0x31f: {  	v62 =	vmul.f32 v54, v21;
	v61 =	vor.u32 $0x15, v10;
	v3 =	vadd.f32 v59, v3  }
0x320: {  	v63 =	vld.idx.msk [tilespmem:v55+s19+$0x0], $0xffff  }
0x321: {  	v13 =	vmul.f32 v57, v22;
	v12 =	vor.u32 $0x16, v10;
	v3 =	vadd.f32 v62, v3  }
0x322: {  	v14 =	vld.idx.msk [tilespmem:v58+s19+$0x0], $0xffff  }
0x323: {  	v15 =	vor.u32 $0x17, v10;
	v16 =	vmul.f32 v60, v23;
	v3 =	vadd.f32 v13, v3  }
0x324: {  	v17 =	vld.idx.msk [tilespmem:v61+s19+$0x0], $0xffff  }
0x325: {  	v18 =	vor.u32 $0x18, v10;
	v19 =	vmul.f32 v63, v24;
	v3 =	vadd.f32 v16, v3  }
0x326: {  	v20 =	vld.idx.msk [tilespmem:v12+s19+$0x0], $0xffff  }
0x327: {  	v21 =	vor.u32 $0x19, v10;
	v22 =	vmul.f32 v14, v25;
	v3 =	vadd.f32 v19, v3  }
0x328: {  	v23 =	vld.idx.msk [tilespmem:v15+s19+$0x0], $0xffff  }
0x329: {  	v24 =	vor.u32 $0x1A, v10;
	v25 =	vmul.f32 v17, v26;
	v3 =	vadd.f32 v22, v3  }
0x32a: {  	v26 =	vld.idx.msk [tilespmem:v18+s19+$0x0], $0xffff  }
0x32b: {  	v40 =	vor.u32 $0x1B, v10;
	v41 =	vmul.f32 v20, v27;
	v3 =	vadd.f32 v25, v3  }
0x32c: {  	v42 =	vld.idx.msk [tilespmem:v21+s19+$0x0], $0xffff  }
0x32d: {  	v43 =	vor.u32 $0x1C, v10;
	v44 =	vmul.f32 v23, v28;
	v3 =	vadd.f32 v41, v3  }
0x32e: {  	v45 =	vld.idx.msk [tilespmem:v24+s19+$0x0], $0xffff  }
0x32f: {  	v46 =	vor.u32 $0x1D, v10;
	v47 =	vmul.f32 v26, v29;
	v3 =	vadd.f32 v44, v3  }
0x330: {  	v48 =	vld.idx.msk [tilespmem:v40+s19+$0x0], $0xffff  }
0x331: {  	v49 =	vor.u32 $0x1E, v10;
	v50 =	vmul.f32 v42, v30;
	v3 =	vadd.f32 v47, v3  }
0x332: {  	v51 =	vld.idx.msk [tilespmem:v43+s19+$0x0], $0xffff  }
0x333: {  	v10 =	vor.u32 $0x1F, v10;
	v52 =	vmul.f32 v45, v31;
	v3 =	vadd.f32 v50, v3  }
0x334: {  	v53 =	vld.idx.msk [tilespmem:v46+s19+$0x0], $0xffff  }
0x335: {  	v54 =	vmul.f32 v48, v32;
	v3 =	vadd.f32 v52, v3  }
0x336: {  	v55 =	vld.idx.msk [tilespmem:v49+s19+$0x0], $0xffff  }
0x337: {  	v56 =	vmul.f32 v51, v33;
	v3 =	vadd.f32 v54, v3  }
0x338: {  	v2 =	vshrl.u32 v2, s11;
	v57 =	vld.idx.msk [tilespmem:v10+s19+$0x0], $0xffff  }
0x339: {  	v2 =	vand.u32 $0x1, v2;
	v58 =	vmul.f32 v53, v34;
	v3 =	vadd.f32 v56, v3  }
0x33a: {  	v2 =	vcvt.s32.f32 v2  }
0x33b: {  	v59 =	vmul.f32 v55, v35;
	v3 =	vadd.f32 v58, v3  }
0x33c: {  	v2 =	vadd.f32 v2, v2  }
0x33d: {  	v60 =	vand.u32 $0x18, v39;
	v61 =	vmul.f32 v57, v36;
	v3 =	vadd.f32 v59, v3  }
0x33e: {  	s10 =	sadd.s32 $0x1, s10;
	v5 =	vadd.s32 v37, v60;
	v62 =	vand.u32 $0x7, v39  }
0x33f: {  	p0 =	sne.s32 s10, $0x10;
	v2 =	vadd.f32 $-1.000000000e+00, v2;
	v63 =	vor.u32 v62, v5;
	v3 =	vadd.f32 v61, v3  }
.Ltmp5:
0x340: {  	_ = 	snop;
	(pc) =	sbr.rel @p0 .LBB2_8-.Ltmp5, $4  }
0x341: {  	v2 =	vmul.f32 v3, v2  }
0x342: {  	vm15 =	vlt.s32 v39, v38  }
0x343: {  	v2 =	vnsel vm15, $0x42200000, v2  }
0x344: {  	[tilespmem:v63+s29+$0x0] =	vst.idx.msk $0xffff, v2  }
0x345: {  	s2 =	rddreg [dreg:$0x6]  }
0x346: {  	[hbm4b:s2+s3] =	stream.linear.scatter [tilespmem:s29], [sflag:$0x2], $0x3000, $0x38;
	[tilespmem:$0x1AE00] =	vst v63  }
0x347: {  	_ =	swait.ge [sflag:s12], $0x3000  }
0x348: {  	s8 =	sadd.s32 $0x1, s8;
	s25 =	rddreg [dreg:$0x7]  }
0x349: {  	p0 =	sne.s32 s8, s25  }
.Ltmp6:
0x34a: {  	_ = 	snop;
	(pc) =	sbr.rel @p0 .LBB2_1-.Ltmp6, $3  }
0x34b: {  	_ =	sdelay $0x1  }
0x34c: {  	[sflag:s12] =	ssyncset.done $0x0  }
0x34d: {  	[sflag:s12] =	ssyncadd.s32 $0xFFFFD000  }
0x34e: {  	_ =	sfence.sel $0x180000  }
0x34f: {  	[bflag:$0x0] =	sbarrier.arrive $0xFFFF  }
0x350: {  	_ =	strace $0x90000047  }
0x351: {  	s0 =	stileid.u32;
	[bflag:$0x2] =	sbarrier.arrive $0xFFFF  }
0x352: {  	p0 =	sne.s32 s0, $0x0;
	s0 =	rddreg [dreg:$0x3]  }
0x353: {  	s0 =	sadd.s32 @!p0 $0x100000, s0  }
0x354: {  	[sflag:s0] =	ssyncadd.tile.s32 @!p0 $0x1;
	_ =	shalt  }
.Lfunc_end2:
_tile_overlayer_lowered:
.L_overlay_start_2:
0x355: {  	(tag) =	ssettag $0x2  }
0x356: {  	s0 =	rddreg [dreg:$0x0];
	s2 =	stileid.u32  }
0x357: {  	s1 =	rddreg [dreg:$0x1];
	p0 =	sne.s32 s2, $0x0  }
0x358: {  	s3 =	rddreg [dreg:$0x2];
	[bflag:$0x3] =	sbarrier.arrive $0xFFFF;
	s2 =	simm.s32 @!p0 $0x1C02  }
0x359: {  	[timem:s3], [sflag:s2] =	dma.local @!p0 [hbm:s0], s1  }
0x35a: {  	s0 =	simm.s32 @!p0 $0x2  }
0x35b: {  	_ =	swait.ge @!p0 [sflag:s0], s1  }
0x35c: {  	s1 =	ssub.s32 @!p0 $0x0, s1;
	[sflag:s0] =	ssyncset.done @!p0 $0x0  }
0x35d: {  	[sflag:s0] =	ssyncadd.s32 @!p0 s1  }
0x35e: {  	[bflag:$0x3] =	sbarrier.arrive $0xFFFF  }
0x35f: {  	_ =	shalt  }

</sc_bundles>
